<compile_context>
chip_gen: v7x
topology: tpu7x:2x2x1
jax: 0.10.2.dev20260603
libtpu: 0.0.44.dev20260713+nightly
codegen_flags: <defaults>
</compile_context>

<pallas_src>
import functools

import jax
import jax.numpy as jnp
from jax import lax
from jax.experimental import pallas as pl
from jax.experimental.pallas import tpu as pltpu
from jax.experimental.pallas import tpu_sc as plsc

_SCALE = 8.0
_NBUF = 5
_BCHUNK = 128


@functools.lru_cache(maxsize=None)
def _make_kernel(batch, seq, vocab, d):
    info = plsc.get_sparse_core_info()
    nw = info.num_cores * info.num_subcores
    lanes = info.num_lanes
    assert d % lanes == 0 and batch % _BCHUNK == 0
    n_bblk = batch // _BCHUNK
    n_tasks = seq * n_bblk
    assert n_tasks % (nw * _NBUF) == 0
    tpw = n_tasks // nw
    ipw = tpw * _BCHUNK
    dsub = d // 8

    mesh = plsc.VectorSubcoreMesh(core_axis_name="c", subcore_axis_name="s")

    @functools.partial(
        pl.kernel,
        mesh=mesh,
        out_type=jax.ShapeDtypeStruct((seq, dsub, n_bblk, 8, _BCHUNK),
                                      jnp.float32),
        scratch_types=[
            pltpu.VMEM((ipw,), jnp.int32),
            [pltpu.VMEM((_BCHUNK, d), jnp.float32) for _ in range(_NBUF)],
            [pltpu.VMEM((dsub, 8, _BCHUNK + 1), jnp.float32)
             for _ in range(_NBUF)],
            [pltpu.SemaphoreType.DMA for _ in range(_NBUF)],
            [pltpu.SemaphoreType.DMA for _ in range(_NBUF)],
        ],
        compiler_params=pltpu.CompilerParams(
            use_tc_tiling_on_sc=False, needs_layout_passes=False
        ),
    )
    def k(w_hbm, xf_hbm, out_hbm, idxall, rows, outs, gsems, ssems):
        wid = lax.axis_index("s") * info.num_cores + lax.axis_index("c")
        iota = lax.iota(jnp.int32, lanes)

        pltpu.sync_copy(xf_hbm.at[pl.ds(wid * ipw, ipw)], idxall)

        def gather_start(t, j):
            pltpu.async_copy(
                w_hbm.at[idxall.at[pl.ds(t * _BCHUNK, _BCHUNK)]],
                rows[j], gsems[j],
            )

        def gather_wait(j):
            pltpu.make_async_copy(
                w_hbm.at[pl.ds(0, _BCHUNK)], rows[j], gsems[j]
            ).wait()

        def store_start(t, j):
            g = wid * tpw + t
            s = (g // 64) * 8 + g % 8
            bt = (g // 8) % n_bblk
            pltpu.async_copy(
                outs[j].at[:, :, pl.ds(0, _BCHUNK)],
                out_hbm.at[s, :, bt], ssems[j],
            )

        def store_wait(j):
            pltpu.make_async_copy(
                outs[j].at[:, :, pl.ds(0, _BCHUNK)],
                out_hbm.at[0, :, 0], ssems[j],
            ).wait()

        dtvecs = [(lax.iota(jnp.int32, lanes) + dv * lanes) // 8
                  for dv in range(d // lanes)]
        divec = lax.iota(jnp.int32, lanes) % 8

        def process(j):
            def quad_body(i, carry):
                for k in range(4):
                    r = i * 4 + k
                    bcol = jnp.broadcast_to(r, (lanes,))
                    for dv in range(d // lanes):
                        v = rows[j][r, pl.ds(dv * lanes, lanes)]
                        plsc.store_scatter(
                            outs[j], [dtvecs[dv], divec, bcol], v * _SCALE
                        )
                return carry

            lax.fori_loop(0, _BCHUNK // 4, quad_body, 0)

        for j in range(_NBUF - 1):
            gather_start(j, j)

        def outer_body(p, carry):
            for j in range(_NBUF):
                t = p * _NBUF + j
                pt = t + _NBUF - 1
                pj = (j + _NBUF - 1) % _NBUF

                @pl.when(pt < tpw)
                def _():
                    gather_start(pt, pj)

                gather_wait(j)
                @pl.when(t >= _NBUF)
                def _():
                    store_wait(j)

                process(j)
                store_start(t, j)
            return carry

        lax.fori_loop(0, tpw // _NBUF, outer_body, 0)
        for j in range(_NBUF):
            store_wait(j)

    return k


def kernel(x, embedding_weight):
    b, s = x.shape
    vocab, d = embedding_weight.shape
    xf = (
        x.reshape(b // 128, 128, s // 8, 8)
        .transpose(2, 0, 3, 1)
        .reshape(b * s)
    )
    k = _make_kernel(b, s, vocab, d)
    out = k(embedding_weight, xf)
    return out.transpose(2, 4, 0, 1, 3).reshape(b, s, d)

# --- scband reference (transcript-rebuilt; emitter-appended) ---
"""Pipeline reference for scband-input-embeddings-6828998001363 (READ-ONLY COPY).

The authoritative reference and input builder live on the scoring server;
editing this copy changes nothing except your own understanding.
"""

import jax, jax.numpy as jnp
import numpy as np

D_MODEL = 64
VOCAB = 1000000
BATCH = 1024
SEQ = 200

def setup_inputs(seed: int = 0) -> dict:
    key = jax.random.key(seed)
    k1, k2 = jax.random.split(key)
    x = jax.random.randint(k1, (BATCH, SEQ), 0, VOCAB, dtype=jnp.int32)
    # nn.Embedding default init: N(0, 1)
    embedding_weight = jax.random.normal(k2, (VOCAB, D_MODEL), dtype=jnp.float32)
    return {"x": x, "embedding_weight": embedding_weight}

def reference(x, embedding_weight):
    # embedding lookup (gather) scaled by sqrt(d_model)
    emb = jnp.take(embedding_weight, x, axis=0)
    return emb * np.sqrt(float(D_MODEL)).astype(np.float32)

if __name__ == "__main__":
    import jax
    _d = setup_inputs()
    print(jax.jit(kernel)(*tuple(_d.values())))

</pallas_src>

<mosaic_0001>
#map = affine_map<(d0, d1) -> (0, 0)>
#map1 = affine_map<(d0, d1) -> (0)>
#map2 = affine_map<(d0, d1) -> (0, 0, 0, 0, 0)>
module attributes {stable_mosaic.version = 14 : i64} {
  func.func @k(%arg0: i32, %arg1: i32, %arg2: memref<1000000x64xf32, #tpu.memory_space<hbm>>, %arg3: memref<204800xi32, #tpu.memory_space<hbm>>, %arg4: memref<200x8x8x8x128xf32, #tpu.memory_space<hbm>>, %arg5: memref<6400xi32, #tpu.memory_space<vmem>>, %arg6: memref<128x64xf32, #tpu.memory_space<vmem>>, %arg7: memref<128x64xf32, #tpu.memory_space<vmem>>, %arg8: memref<128x64xf32, #tpu.memory_space<vmem>>, %arg9: memref<128x64xf32, #tpu.memory_space<vmem>>, %arg10: memref<128x64xf32, #tpu.memory_space<vmem>>, %arg11: memref<8x8x129xf32, #tpu.memory_space<vmem>>, %arg12: memref<8x8x129xf32, #tpu.memory_space<vmem>>, %arg13: memref<8x8x129xf32, #tpu.memory_space<vmem>>, %arg14: memref<8x8x129xf32, #tpu.memory_space<vmem>>, %arg15: memref<8x8x129xf32, #tpu.memory_space<vmem>>, %arg16: memref<!tpu.dma_semaphore, #tpu.memory_space<semaphore_mem>>, %arg17: memref<!tpu.dma_semaphore, #tpu.memory_space<semaphore_mem>>, %arg18: memref<!tpu.dma_semaphore, #tpu.memory_space<semaphore_mem>>, %arg19: memref<!tpu.dma_semaphore, #tpu.memory_space<semaphore_mem>>, %arg20: memref<!tpu.dma_semaphore, #tpu.memory_space<semaphore_mem>>, %arg21: memref<!tpu.dma_semaphore, #tpu.memory_space<semaphore_mem>>, %arg22: memref<!tpu.dma_semaphore, #tpu.memory_space<semaphore_mem>>, %arg23: memref<!tpu.dma_semaphore, #tpu.memory_space<semaphore_mem>>, %arg24: memref<!tpu.dma_semaphore, #tpu.memory_space<semaphore_mem>>, %arg25: memref<!tpu.dma_semaphore, #tpu.memory_space<semaphore_mem>>) attributes {dimension_semantics = [#tpu.dimension_semantics<core_parallel>, #tpu.dimension_semantics<subcore_parallel>], iteration_bounds = array<i64: 2, 16>, scalar_prefetch = 0 : i64, scratch_operands = 21 : i64, tpu.core_type = #tpu.core_type<sc_vector_subcore>, window_params = [{transform_indices = #map}, {transform_indices = #map1}, {transform_indices = #map2}]} {
    %mul3A = arith.constant 2 : i32
    %mul3A_0 = arith.muli %arg1, %mul3A : i32
    %add3A = arith.addi %mul3A_0, %arg0 : i32
    %iota3A = tpu.iota {dimensions = array<i32: 0>} : vector<16xi32>
    %mul3A_1 = arith.constant 6400 : i32
    %mul3A_2 = arith.muli %add3A, %mul3A_1 : i32
    "tpu.region"() ({
      %run_scoped3A = tpu.sem_alloc : memref<!tpu.dma_semaphore, #tpu.memory_space<semaphore_mem>>
      %dma_start3A_279 = tpu.memref_slice %arg3[%mul3A_2] : memref<204800xi32, #tpu.memory_space<hbm>> -> memref<6400xi32, #tpu.memory_space<hbm>>
      %dma_start3A_280 = tpu.memref_slice %arg3[%mul3A_2] : memref<204800xi32, #tpu.memory_space<hbm>> -> memref<6400xi32, #tpu.memory_space<hbm>>
      tpu.enqueue_dma source(%dma_start3A_280 : memref<6400xi32, #tpu.memory_space<hbm>>) target(%arg5 : memref<6400xi32, #tpu.memory_space<vmem>>) target_semaphore(%run_scoped3A : memref<!tpu.dma_semaphore, #tpu.memory_space<semaphore_mem>>)
      %dma_wait3A_281 = tpu.memref_slice %arg3[%mul3A_2] : memref<204800xi32, #tpu.memory_space<hbm>> -> memref<6400xi32, #tpu.memory_space<hbm>>
      %dma_wait3A_282 = tpu.memref_slice %arg3[%mul3A_2] : memref<204800xi32, #tpu.memory_space<hbm>> -> memref<6400xi32, #tpu.memory_space<hbm>>
      tpu.wait_dma2 semaphore(%run_scoped3A : memref<!tpu.dma_semaphore, #tpu.memory_space<semaphore_mem>>) src(%dma_wait3A_282 : memref<6400xi32, #tpu.memory_space<hbm>>) dst(%arg5 : memref<6400xi32, #tpu.memory_space<vmem>>)
      tpu.yield
    }) : () -> ()
    %iota3A_3 = tpu.iota {dimensions = array<i32: 0>} : vector<16xi32>
    %add3A_4 = arith.constant 0 : i32
    %add3A_5 = vector.broadcast %add3A_4 : i32 to vector<16xi32>
    %add3A_6 = arith.addi %iota3A_3, %add3A_5 : vector<16xi32>
    %jit3A = arith.constant 8 : i32
    %div3A = vector.broadcast %jit3A : i32 to vector<16xi32>
    %div3A_7 = arith.divsi %add3A_6, %div3A : vector<16xi32>
    %sign3A = arith.constant 0 : i32
    %sign3A_8 = vector.broadcast %sign3A : i32 to vector<16xi32>
    %sign3A_9 = arith.cmpi sgt, %add3A_6, %sign3A_8 : vector<16xi32>
    %sign3A_10 = arith.extui %sign3A_9 : vector<16xi1> to vector<16xi32>
    %sign3A_11 = arith.constant 0 : i32
    %sign3A_12 = vector.broadcast %sign3A_11 : i32 to vector<16xi32>
    %sign3A_13 = arith.cmpi slt, %add3A_6, %sign3A_12 : vector<16xi32>
    %sign3A_14 = arith.extui %sign3A_13 : vector<16xi1> to vector<16xi32>
    %sign3A_15 = arith.subi %sign3A_10, %sign3A_14 : vector<16xi32>
    %sign3A_16 = arith.constant 0 : i32
    %sign3A_17 = arith.cmpi sgt, %jit3A, %sign3A_16 : i32
    %sign3A_18 = arith.extui %sign3A_17 : i1 to i32
    %sign3A_19 = arith.constant 0 : i32
    %sign3A_20 = arith.cmpi slt, %jit3A, %sign3A_19 : i32
    %sign3A_21 = arith.extui %sign3A_20 : i1 to i32
    %sign3A_22 = arith.subi %sign3A_18, %sign3A_21 : i32
    %ne3A = vector.broadcast %sign3A_22 : i32 to vector<16xi32>
    %ne3A_23 = arith.cmpi ne, %sign3A_15, %ne3A : vector<16xi32>
    %rem3A = vector.broadcast %jit3A : i32 to vector<16xi32>
    %rem3A_24 = arith.remsi %add3A_6, %rem3A : vector<16xi32>
    %ne3A_25 = arith.constant 0 : i32
    %ne3A_26 = vector.broadcast %ne3A_25 : i32 to vector<16xi32>
    %ne3A_27 = arith.cmpi ne, %rem3A_24, %ne3A_26 : vector<16xi32>
    %and3A = arith.andi %ne3A_23, %ne3A_27 : vector<16xi1>
    %sub3A = arith.constant 1 : i32
    %sub3A_28 = vector.broadcast %sub3A : i32 to vector<16xi32>
    %sub3A_29 = arith.subi %div3A_7, %sub3A_28 : vector<16xi32>
    %select_n3A = arith.select %and3A, %sub3A_29, %div3A_7 : vector<16xi1>, vector<16xi32>
    %iota3A_30 = tpu.iota {dimensions = array<i32: 0>} : vector<16xi32>
    %add3A_31 = arith.constant 16 : i32
    %add3A_32 = vector.broadcast %add3A_31 : i32 to vector<16xi32>
    %add3A_33 = arith.addi %iota3A_30, %add3A_32 : vector<16xi32>
    %jit3A_34 = arith.constant 8 : i32
    %div3A_35 = vector.broadcast %jit3A_34 : i32 to vector<16xi32>
    %div3A_36 = arith.divsi %add3A_33, %div3A_35 : vector<16xi32>
    %sign3A_37 = arith.constant 0 : i32
    %sign3A_38 = vector.broadcast %sign3A_37 : i32 to vector<16xi32>
    %sign3A_39 = arith.cmpi sgt, %add3A_33, %sign3A_38 : vector<16xi32>
    %sign3A_40 = arith.extui %sign3A_39 : vector<16xi1> to vector<16xi32>
    %sign3A_41 = arith.constant 0 : i32
    %sign3A_42 = vector.broadcast %sign3A_41 : i32 to vector<16xi32>
    %sign3A_43 = arith.cmpi slt, %add3A_33, %sign3A_42 : vector<16xi32>
    %sign3A_44 = arith.extui %sign3A_43 : vector<16xi1> to vector<16xi32>
    %sign3A_45 = arith.subi %sign3A_40, %sign3A_44 : vector<16xi32>
    %sign3A_46 = arith.constant 0 : i32
    %sign3A_47 = arith.cmpi sgt, %jit3A_34, %sign3A_46 : i32
    %sign3A_48 = arith.extui %sign3A_47 : i1 to i32
    %sign3A_49 = arith.constant 0 : i32
    %sign3A_50 = arith.cmpi slt, %jit3A_34, %sign3A_49 : i32
    %sign3A_51 = arith.extui %sign3A_50 : i1 to i32
    %sign3A_52 = arith.subi %sign3A_48, %sign3A_51 : i32
    %ne3A_53 = vector.broadcast %sign3A_52 : i32 to vector<16xi32>
    %ne3A_54 = arith.cmpi ne, %sign3A_45, %ne3A_53 : vector<16xi32>
    %rem3A_55 = vector.broadcast %jit3A_34 : i32 to vector<16xi32>
    %rem3A_56 = arith.remsi %add3A_33, %rem3A_55 : vector<16xi32>
    %ne3A_57 = arith.constant 0 : i32
    %ne3A_58 = vector.broadcast %ne3A_57 : i32 to vector<16xi32>
    %ne3A_59 = arith.cmpi ne, %rem3A_56, %ne3A_58 : vector<16xi32>
    %and3A_60 = arith.andi %ne3A_54, %ne3A_59 : vector<16xi1>
    %sub3A_61 = arith.constant 1 : i32
    %sub3A_62 = vector.broadcast %sub3A_61 : i32 to vector<16xi32>
    %sub3A_63 = arith.subi %div3A_36, %sub3A_62 : vector<16xi32>
    %select_n3A_64 = arith.select %and3A_60, %sub3A_63, %div3A_36 : vector<16xi1>, vector<16xi32>
    %iota3A_65 = tpu.iota {dimensions = array<i32: 0>} : vector<16xi32>
    %add3A_66 = arith.constant 32 : i32
    %add3A_67 = vector.broadcast %add3A_66 : i32 to vector<16xi32>
    %add3A_68 = arith.addi %iota3A_65, %add3A_67 : vector<16xi32>
    %jit3A_69 = arith.constant 8 : i32
    %div3A_70 = vector.broadcast %jit3A_69 : i32 to vector<16xi32>
    %div3A_71 = arith.divsi %add3A_68, %div3A_70 : vector<16xi32>
    %sign3A_72 = arith.constant 0 : i32
    %sign3A_73 = vector.broadcast %sign3A_72 : i32 to vector<16xi32>
    %sign3A_74 = arith.cmpi sgt, %add3A_68, %sign3A_73 : vector<16xi32>
    %sign3A_75 = arith.extui %sign3A_74 : vector<16xi1> to vector<16xi32>
    %sign3A_76 = arith.constant 0 : i32
    %sign3A_77 = vector.broadcast %sign3A_76 : i32 to vector<16xi32>
    %sign3A_78 = arith.cmpi slt, %add3A_68, %sign3A_77 : vector<16xi32>
    %sign3A_79 = arith.extui %sign3A_78 : vector<16xi1> to vector<16xi32>
    %sign3A_80 = arith.subi %sign3A_75, %sign3A_79 : vector<16xi32>
    %sign3A_81 = arith.constant 0 : i32
    %sign3A_82 = arith.cmpi sgt, %jit3A_69, %sign3A_81 : i32
    %sign3A_83 = arith.extui %sign3A_82 : i1 to i32
    %sign3A_84 = arith.constant 0 : i32
    %sign3A_85 = arith.cmpi slt, %jit3A_69, %sign3A_84 : i32
    %sign3A_86 = arith.extui %sign3A_85 : i1 to i32
    %sign3A_87 = arith.subi %sign3A_83, %sign3A_86 : i32
    %ne3A_88 = vector.broadcast %sign3A_87 : i32 to vector<16xi32>
    %ne3A_89 = arith.cmpi ne, %sign3A_80, %ne3A_88 : vector<16xi32>
    %rem3A_90 = vector.broadcast %jit3A_69 : i32 to vector<16xi32>
    %rem3A_91 = arith.remsi %add3A_68, %rem3A_90 : vector<16xi32>
    %ne3A_92 = arith.constant 0 : i32
    %ne3A_93 = vector.broadcast %ne3A_92 : i32 to vector<16xi32>
    %ne3A_94 = arith.cmpi ne, %rem3A_91, %ne3A_93 : vector<16xi32>
    %and3A_95 = arith.andi %ne3A_89, %ne3A_94 : vector<16xi1>
    %sub3A_96 = arith.constant 1 : i32
    %sub3A_97 = vector.broadcast %sub3A_96 : i32 to vector<16xi32>
    %sub3A_98 = arith.subi %div3A_71, %sub3A_97 : vector<16xi32>
    %select_n3A_99 = arith.select %and3A_95, %sub3A_98, %div3A_71 : vector<16xi1>, vector<16xi32>
    %iota3A_100 = tpu.iota {dimensions = array<i32: 0>} : vector<16xi32>
    %add3A_101 = arith.constant 48 : i32
    %add3A_102 = vector.broadcast %add3A_101 : i32 to vector<16xi32>
    %add3A_103 = arith.addi %iota3A_100, %add3A_102 : vector<16xi32>
    %jit3A_104 = arith.constant 8 : i32
    %div3A_105 = vector.broadcast %jit3A_104 : i32 to vector<16xi32>
    %div3A_106 = arith.divsi %add3A_103, %div3A_105 : vector<16xi32>
    %sign3A_107 = arith.constant 0 : i32
    %sign3A_108 = vector.broadcast %sign3A_107 : i32 to vector<16xi32>
    %sign3A_109 = arith.cmpi sgt, %add3A_103, %sign3A_108 : vector<16xi32>
    %sign3A_110 = arith.extui %sign3A_109 : vector<16xi1> to vector<16xi32>
    %sign3A_111 = arith.constant 0 : i32
    %sign3A_112 = vector.broadcast %sign3A_111 : i32 to vector<16xi32>
    %sign3A_113 = arith.cmpi slt, %add3A_103, %sign3A_112 : vector<16xi32>
    %sign3A_114 = arith.extui %sign3A_113 : vector<16xi1> to vector<16xi32>
    %sign3A_115 = arith.subi %sign3A_110, %sign3A_114 : vector<16xi32>
    %sign3A_116 = arith.constant 0 : i32
    %sign3A_117 = arith.cmpi sgt, %jit3A_104, %sign3A_116 : i32
    %sign3A_118 = arith.extui %sign3A_117 : i1 to i32
    %sign3A_119 = arith.constant 0 : i32
    %sign3A_120 = arith.cmpi slt, %jit3A_104, %sign3A_119 : i32
    %sign3A_121 = arith.extui %sign3A_120 : i1 to i32
    %sign3A_122 = arith.subi %sign3A_118, %sign3A_121 : i32
    %ne3A_123 = vector.broadcast %sign3A_122 : i32 to vector<16xi32>
    %ne3A_124 = arith.cmpi ne, %sign3A_115, %ne3A_123 : vector<16xi32>
    %rem3A_125 = vector.broadcast %jit3A_104 : i32 to vector<16xi32>
    %rem3A_126 = arith.remsi %add3A_103, %rem3A_125 : vector<16xi32>
    %ne3A_127 = arith.constant 0 : i32
    %ne3A_128 = vector.broadcast %ne3A_127 : i32 to vector<16xi32>
    %ne3A_129 = arith.cmpi ne, %rem3A_126, %ne3A_128 : vector<16xi32>
    %and3A_130 = arith.andi %ne3A_124, %ne3A_129 : vector<16xi1>
    %sub3A_131 = arith.constant 1 : i32
    %sub3A_132 = vector.broadcast %sub3A_131 : i32 to vector<16xi32>
    %sub3A_133 = arith.subi %div3A_106, %sub3A_132 : vector<16xi32>
    %select_n3A_134 = arith.select %and3A_130, %sub3A_133, %div3A_106 : vector<16xi1>, vector<16xi32>
    %iota3A_135 = tpu.iota {dimensions = array<i32: 0>} : vector<16xi32>
    %jit3A_136 = arith.constant 8 : i32
    %eq3A = arith.constant 0 : i32
    %eq3A_137 = arith.cmpi eq, %jit3A_136, %eq3A : i32
    %jit3A_138 = arith.constant 1 : i32
    %select_n3A_139 = arith.select %eq3A_137, %jit3A_138, %jit3A_136 : i32
    %rem3A_140 = vector.broadcast %select_n3A_139 : i32 to vector<16xi32>
    %rem3A_141 = arith.remsi %iota3A_135, %rem3A_140 : vector<16xi32>
    %ne3A_142 = arith.constant 0 : i32
    %ne3A_143 = vector.broadcast %ne3A_142 : i32 to vector<16xi32>
    %ne3A_144 = arith.cmpi ne, %rem3A_141, %ne3A_143 : vector<16xi32>
    %lt3A = arith.constant 0 : i32
    %lt3A_145 = vector.broadcast %lt3A : i32 to vector<16xi32>
    %lt3A_146 = arith.cmpi slt, %rem3A_141, %lt3A_145 : vector<16xi32>
    %lt3A_147 = arith.constant 0 : i32
    %lt3A_148 = arith.cmpi slt, %select_n3A_139, %lt3A_147 : i32
    %ne3A_149 = vector.broadcast %lt3A_148 : i1 to vector<16xi1>
    %ne3A_150 = vector.broadcast %ne3A_149 : vector<16xi1> to vector<16xi1>
    %ne3A_151 = arith.xori %lt3A_146, %ne3A_150 : vector<16xi1>
    %and3A_152 = arith.andi %ne3A_151, %ne3A_144 : vector<16xi1>
    %add3A_153 = vector.broadcast %select_n3A_139 : i32 to vector<16xi32>
    %add3A_154 = arith.addi %rem3A_141, %add3A_153 : vector<16xi32>
    %select_n3A_155 = arith.select %and3A_152, %add3A_154, %rem3A_141 : vector<16xi1>, vector<16xi32>
    %dma_start3A = arith.constant 0 : i32
    %dma_start3A_156 = tpu.memref_slice %arg5[%dma_start3A] : memref<6400xi32, #tpu.memory_space<vmem>> -> memref<128xi32, #tpu.memory_space<vmem>>
    %dma_start3A_157 = arith.constant 0 : i32
    %dma_start3A_158 = arith.constant 0 : i32
    %dma_start3A_159 = tpu.memref_slice %arg2[%dma_start3A_157, %dma_start3A_158] : memref<1000000x64xf32, #tpu.memory_space<hbm>> -> memref<1000000x64xf32, #tpu.memory_space<hbm>>
    tpu.enqueue_indirect_dma source(%dma_start3A_159 : memref<1000000x64xf32, #tpu.memory_space<hbm>>) target(%arg6 : memref<128x64xf32, #tpu.memory_space<vmem>>) offsets(%dma_start3A_156 : memref<128xi32, #tpu.memory_space<vmem>>) semaphore(%arg16 : memref<!tpu.dma_semaphore, #tpu.memory_space<semaphore_mem>>)
    %dma_start3A_160 = arith.constant 128 : i32
    %dma_start3A_161 = tpu.memref_slice %arg5[%dma_start3A_160] : memref<6400xi32, #tpu.memory_space<vmem>> -> memref<128xi32, #tpu.memory_space<vmem>>
    %dma_start3A_162 = arith.constant 0 : i32
    %dma_start3A_163 = arith.constant 0 : i32
    %dma_start3A_164 = tpu.memref_slice %arg2[%dma_start3A_162, %dma_start3A_163] : memref<1000000x64xf32, #tpu.memory_space<hbm>> -> memref<1000000x64xf32, #tpu.memory_space<hbm>>
    tpu.enqueue_indirect_dma source(%dma_start3A_164 : memref<1000000x64xf32, #tpu.memory_space<hbm>>) target(%arg7 : memref<128x64xf32, #tpu.memory_space<vmem>>) offsets(%dma_start3A_161 : memref<128xi32, #tpu.memory_space<vmem>>) semaphore(%arg17 : memref<!tpu.dma_semaphore, #tpu.memory_space<semaphore_mem>>)
    %dma_start3A_165 = arith.constant 256 : i32
    %dma_start3A_166 = tpu.memref_slice %arg5[%dma_start3A_165] : memref<6400xi32, #tpu.memory_space<vmem>> -> memref<128xi32, #tpu.memory_space<vmem>>
    %dma_start3A_167 = arith.constant 0 : i32
    %dma_start3A_168 = arith.constant 0 : i32
    %dma_start3A_169 = tpu.memref_slice %arg2[%dma_start3A_167, %dma_start3A_168] : memref<1000000x64xf32, #tpu.memory_space<hbm>> -> memref<1000000x64xf32, #tpu.memory_space<hbm>>
    tpu.enqueue_indirect_dma source(%dma_start3A_169 : memref<1000000x64xf32, #tpu.memory_space<hbm>>) target(%arg8 : memref<128x64xf32, #tpu.memory_space<vmem>>) offsets(%dma_start3A_166 : memref<128xi32, #tpu.memory_space<vmem>>) semaphore(%arg18 : memref<!tpu.dma_semaphore, #tpu.memory_space<semaphore_mem>>)
    %dma_start3A_170 = arith.constant 384 : i32
    %dma_start3A_171 = tpu.memref_slice %arg5[%dma_start3A_170] : memref<6400xi32, #tpu.memory_space<vmem>> -> memref<128xi32, #tpu.memory_space<vmem>>
    %dma_start3A_172 = arith.constant 0 : i32
    %dma_start3A_173 = arith.constant 0 : i32
    %dma_start3A_174 = tpu.memref_slice %arg2[%dma_start3A_172, %dma_start3A_173] : memref<1000000x64xf32, #tpu.memory_space<hbm>> -> memref<1000000x64xf32, #tpu.memory_space<hbm>>
    tpu.enqueue_indirect_dma source(%dma_start3A_174 : memref<1000000x64xf32, #tpu.memory_space<hbm>>) target(%arg9 : memref<128x64xf32, #tpu.memory_space<vmem>>) offsets(%dma_start3A_171 : memref<128xi32, #tpu.memory_space<vmem>>) semaphore(%arg19 : memref<!tpu.dma_semaphore, #tpu.memory_space<semaphore_mem>>)
    %scan3A = arith.constant 0 : i32
    %scan3A_175 = arith.constant 0 : i32
    %scan3A_176 = arith.constant 10 : i32
    %scan3A_177 = arith.addi %scan3A_175, %scan3A_176 : i32
    %scan3A_178 = arith.constant 1 : i32
    scf.for %scan3A_279 = %scan3A_175 to %scan3A_177 step %scan3A_178  : i32 {
      %mul3A_280 = arith.constant 5 : i32
      %mul3A_281 = arith.muli %scan3A_279, %mul3A_280 : i32
      %add3A_282 = arith.constant 0 : i32
      %add3A_283 = arith.addi %mul3A_281, %add3A_282 : i32
      %add3A_284 = arith.constant 5 : i32
      %add3A_285 = arith.addi %add3A_283, %add3A_284 : i32
      %sub3A_286 = arith.constant 1 : i32
      %sub3A_287 = arith.subi %add3A_285, %sub3A_286 : i32
      %lt3A_288 = arith.constant 50 : i32
      %lt3A_289 = arith.cmpi slt, %sub3A_287, %lt3A_288 : i32
      %convert_element_type3A = arith.extui %lt3A_289 : i1 to i32
      %cond3A = arith.constant 0 : i32
      %cond3A_290 = arith.cmpi ne, %convert_element_type3A, %cond3A : i32
      scf.if %cond3A_290 {
        %mul3A_947 = arith.constant 128 : i32
        %mul3A_948 = arith.muli %sub3A_287, %mul3A_947 : i32
        %dma_start3A_949 = tpu.memref_slice %arg5[%mul3A_948] : memref<6400xi32, #tpu.memory_space<vmem>> -> memref<128xi32, #tpu.memory_space<vmem>>
        %dma_start3A_950 = arith.constant 0 : i32
        %dma_start3A_951 = arith.constant 0 : i32
        %dma_start3A_952 = tpu.memref_slice %arg2[%dma_start3A_950, %dma_start3A_951] : memref<1000000x64xf32, #tpu.memory_space<hbm>> -> memref<1000000x64xf32, #tpu.memory_space<hbm>>
        tpu.enqueue_indirect_dma source(%dma_start3A_952 : memref<1000000x64xf32, #tpu.memory_space<hbm>>) target(%arg10 : memref<128x64xf32, #tpu.memory_space<vmem>>) offsets(%dma_start3A_949 : memref<128xi32, #tpu.memory_space<vmem>>) semaphore(%arg20 : memref<!tpu.dma_semaphore, #tpu.memory_space<semaphore_mem>>)
      } else {
      }
      %dma_wait3A_291 = arith.constant 0 : i32
      %dma_wait3A_292 = arith.constant 0 : i32
      %dma_wait3A_293 = tpu.memref_slice %arg2[%dma_wait3A_291, %dma_wait3A_292] : memref<1000000x64xf32, #tpu.memory_space<hbm>> -> memref<128x64xf32, #tpu.memory_space<hbm>>
      %dma_wait3A_294 = arith.constant 0 : i32
      %dma_wait3A_295 = arith.constant 0 : i32
      %dma_wait3A_296 = tpu.memref_slice %arg2[%dma_wait3A_294, %dma_wait3A_295] : memref<1000000x64xf32, #tpu.memory_space<hbm>> -> memref<128x64xf32, #tpu.memory_space<hbm>>
      tpu.wait_dma2 semaphore(%arg16 : memref<!tpu.dma_semaphore, #tpu.memory_space<semaphore_mem>>) src(%dma_wait3A_296 : memref<128x64xf32, #tpu.memory_space<hbm>>) dst(%arg6 : memref<128x64xf32, #tpu.memory_space<vmem>>)
      %ge3A = arith.constant 5 : i32
      %ge3A_297 = arith.cmpi sge, %add3A_283, %ge3A : i32
      %convert_element_type3A_298 = arith.extui %ge3A_297 : i1 to i32
      %cond3A_299 = arith.constant 0 : i32
      %cond3A_300 = arith.cmpi ne, %convert_element_type3A_298, %cond3A_299 : i32
      scf.if %cond3A_300 {
        %dma_wait3A_947 = arith.constant 0 : i32
        %dma_wait3A_948 = arith.constant 0 : i32
        %dma_wait3A_949 = arith.constant 0 : i32
        %dma_wait3A_950 = arith.constant 0 : i32
        %dma_wait3A_951 = arith.constant 0 : i32
        %dma_wait3A_952 = tpu.memref_slice %arg11[%dma_wait3A_949, %dma_wait3A_950, %dma_wait3A_951] : memref<8x8x129xf32, #tpu.memory_space<vmem>> -> memref<8x8x128xf32, #tpu.memory_space<vmem>>
        %dma_wait3A_953 = arith.constant 0 : i32
        %dma_wait3A_954 = arith.constant 0 : i32
        %dma_wait3A_955 = arith.constant 0 : i32
        %dma_wait3A_956 = tpu.memref_slice %arg4[%dma_wait3A_947, %dma_wait3A_953, %dma_wait3A_948, %dma_wait3A_954, %dma_wait3A_955] : memref<200x8x8x8x128xf32, #tpu.memory_space<hbm>> -> memref<1x8x1x8x128xf32, #tpu.memory_space<hbm>>
        %dma_wait3A_957 = tpu.memref_squeeze %dma_wait3A_956 : memref<1x8x1x8x128xf32, #tpu.memory_space<hbm>> -> memref<8x8x128xf32, #tpu.memory_space<hbm>>
        %dma_wait3A_958 = arith.constant 0 : i32
        %dma_wait3A_959 = arith.constant 0 : i32
        %dma_wait3A_960 = arith.constant 0 : i32
        %dma_wait3A_961 = tpu.memref_slice %arg4[%dma_wait3A_947, %dma_wait3A_958, %dma_wait3A_948, %dma_wait3A_959, %dma_wait3A_960] : memref<200x8x8x8x128xf32, #tpu.memory_space<hbm>> -> memref<1x8x1x8x128xf32, #tpu.memory_space<hbm>>
        %dma_wait3A_962 = tpu.memref_squeeze %dma_wait3A_961 : memref<1x8x1x8x128xf32, #tpu.memory_space<hbm>> -> memref<8x8x128xf32, #tpu.memory_space<hbm>>
        %dma_wait3A_963 = arith.constant 0 : i32
        %dma_wait3A_964 = arith.constant 0 : i32
        %dma_wait3A_965 = arith.constant 0 : i32
        %dma_wait3A_966 = tpu.memref_slice %arg11[%dma_wait3A_963, %dma_wait3A_964, %dma_wait3A_965] : memref<8x8x129xf32, #tpu.memory_space<vmem>> -> memref<8x8x128xf32, #tpu.memory_space<vmem>>
        tpu.wait_dma2 semaphore(%arg21 : memref<!tpu.dma_semaphore, #tpu.memory_space<semaphore_mem>>) src(%dma_wait3A_966 : memref<8x8x128xf32, #tpu.memory_space<vmem>>) dst(%dma_wait3A_962 : memref<8x8x128xf32, #tpu.memory_space<hbm>>)
      } else {
      }
      %scan3A_301 = arith.constant 0 : i32
      %scan3A_302 = arith.constant 0 : i32
      %scan3A_303 = arith.constant 32 : i32
      %scan3A_304 = arith.addi %scan3A_302, %scan3A_303 : i32
      %scan3A_305 = arith.constant 1 : i32
      scf.for %scan3A_947 = %scan3A_302 to %scan3A_304 step %scan3A_305  : i32 {
        %mul3A_948 = arith.constant 4 : i32
        %mul3A_949 = arith.muli %scan3A_947, %mul3A_948 : i32
        %add3A_950 = arith.constant 0 : i32
        %add3A_951 = arith.addi %mul3A_949, %add3A_950 : i32
        %broadcast_in_dim3A = vector.broadcast %add3A_951 : i32 to vector<16xi32>
        %get3A = arith.index_cast %add3A_951 : i32 to index
        %get3A_952 = arith.constant 0 : index
        %get3A_953 = tpu.vector_load %arg6[%get3A, %get3A_952] {strides = array<i32>} : memref<128x64xf32, #tpu.memory_space<vmem>>, vector<16xf32>,
        %mul3A_954 = arith.constant 8.000000e+00 : f32
        %mul3A_955 = vector.broadcast %mul3A_954 : f32 to vector<16xf32>
        %mul3A_956 = arith.mulf %get3A_953, %mul3A_955 : vector<16xf32>
        tpu.vector_store_idx %arg11[%select_n3A, %select_n3A_155, %broadcast_in_dim3A], %mul3A_956 : memref<8x8x129xf32, #tpu.memory_space<vmem>>[vector<16xi32>, vector<16xi32>, vector<16xi32>], vector<16xf32>,
        %get3A_957 = arith.index_cast %add3A_951 : i32 to index
        %get3A_958 = arith.constant 16 : index
        %get3A_959 = tpu.vector_load %arg6[%get3A_957, %get3A_958] {strides = array<i32>} : memref<128x64xf32, #tpu.memory_space<vmem>>, vector<16xf32>,
        %mul3A_960 = arith.constant 8.000000e+00 : f32
        %mul3A_961 = vector.broadcast %mul3A_960 : f32 to vector<16xf32>
        %mul3A_962 = arith.mulf %get3A_959, %mul3A_961 : vector<16xf32>
        tpu.vector_store_idx %arg11[%select_n3A_64, %select_n3A_155, %broadcast_in_dim3A], %mul3A_962 : memref<8x8x129xf32, #tpu.memory_space<vmem>>[vector<16xi32>, vector<16xi32>, vector<16xi32>], vector<16xf32>,
        %get3A_963 = arith.index_cast %add3A_951 : i32 to index
        %get3A_964 = arith.constant 32 : index
        %get3A_965 = tpu.vector_load %arg6[%get3A_963, %get3A_964] {strides = array<i32>} : memref<128x64xf32, #tpu.memory_space<vmem>>, vector<16xf32>,
        %mul3A_966 = arith.constant 8.000000e+00 : f32
        %mul3A_967 = vector.broadcast %mul3A_966 : f32 to vector<16xf32>
        %mul3A_968 = arith.mulf %get3A_965, %mul3A_967 : vector<16xf32>
        tpu.vector_store_idx %arg11[%select_n3A_99, %select_n3A_155, %broadcast_in_dim3A], %mul3A_968 : memref<8x8x129xf32, #tpu.memory_space<vmem>>[vector<16xi32>, vector<16xi32>, vector<16xi32>], vector<16xf32>,
        %get3A_969 = arith.index_cast %add3A_951 : i32 to index
        %get3A_970 = arith.constant 48 : index
        %get3A_971 = tpu.vector_load %arg6[%get3A_969, %get3A_970] {strides = array<i32>} : memref<128x64xf32, #tpu.memory_space<vmem>>, vector<16xf32>,
        %mul3A_972 = arith.constant 8.000000e+00 : f32
        %mul3A_973 = vector.broadcast %mul3A_972 : f32 to vector<16xf32>
        %mul3A_974 = arith.mulf %get3A_971, %mul3A_973 : vector<16xf32>
        tpu.vector_store_idx %arg11[%select_n3A_134, %select_n3A_155, %broadcast_in_dim3A], %mul3A_974 : memref<8x8x129xf32, #tpu.memory_space<vmem>>[vector<16xi32>, vector<16xi32>, vector<16xi32>], vector<16xf32>,
        %mul3A_975 = arith.constant 4 : i32
        %mul3A_976 = arith.muli %scan3A_947, %mul3A_975 : i32
        %add3A_977 = arith.constant 1 : i32
        %add3A_978 = arith.addi %mul3A_976, %add3A_977 : i32
        %broadcast_in_dim3A_979 = vector.broadcast %add3A_978 : i32 to vector<16xi32>
        %get3A_980 = arith.index_cast %add3A_978 : i32 to index
        %get3A_981 = arith.constant 0 : index
        %get3A_982 = tpu.vector_load %arg6[%get3A_980, %get3A_981] {strides = array<i32>} : memref<128x64xf32, #tpu.memory_space<vmem>>, vector<16xf32>,
        %mul3A_983 = arith.constant 8.000000e+00 : f32
        %mul3A_984 = vector.broadcast %mul3A_983 : f32 to vector<16xf32>
        %mul3A_985 = arith.mulf %get3A_982, %mul3A_984 : vector<16xf32>
        tpu.vector_store_idx %arg11[%select_n3A, %select_n3A_155, %broadcast_in_dim3A_979], %mul3A_985 : memref<8x8x129xf32, #tpu.memory_space<vmem>>[vector<16xi32>, vector<16xi32>, vector<16xi32>], vector<16xf32>,
        %get3A_986 = arith.index_cast %add3A_978 : i32 to index
        %get3A_987 = arith.constant 16 : index
        %get3A_988 = tpu.vector_load %arg6[%get3A_986, %get3A_987] {strides = array<i32>} : memref<128x64xf32, #tpu.memory_space<vmem>>, vector<16xf32>,
        %mul3A_989 = arith.constant 8.000000e+00 : f32
        %mul3A_990 = vector.broadcast %mul3A_989 : f32 to vector<16xf32>
        %mul3A_991 = arith.mulf %get3A_988, %mul3A_990 : vector<16xf32>
        tpu.vector_store_idx %arg11[%select_n3A_64, %select_n3A_155, %broadcast_in_dim3A_979], %mul3A_991 : memref<8x8x129xf32, #tpu.memory_space<vmem>>[vector<16xi32>, vector<16xi32>, vector<16xi32>], vector<16xf32>,
        %get3A_992 = arith.index_cast %add3A_978 : i32 to index
        %get3A_993 = arith.constant 32 : index
        %get3A_994 = tpu.vector_load %arg6[%get3A_992, %get3A_993] {strides = array<i32>} : memref<128x64xf32, #tpu.memory_space<vmem>>, vector<16xf32>,
        %mul3A_995 = arith.constant 8.000000e+00 : f32
        %mul3A_996 = vector.broadcast %mul3A_995 : f32 to vector<16xf32>
        %mul3A_997 = arith.mulf %get3A_994, %mul3A_996 : vector<16xf32>
        tpu.vector_store_idx %arg11[%select_n3A_99, %select_n3A_155, %broadcast_in_dim3A_979], %mul3A_997 : memref<8x8x129xf32, #tpu.memory_space<vmem>>[vector<16xi32>, vector<16xi32>, vector<16xi32>], vector<16xf32>,
        %get3A_998 = arith.index_cast %add3A_978 : i32 to index
        %get3A_999 = arith.constant 48 : index
        %get3A_1000 = tpu.vector_load %arg6[%get3A_998, %get3A_999] {strides = array<i32>} : memref<128x64xf32, #tpu.memory_space<vmem>>, vector<16xf32>,
        %mul3A_1001 = arith.constant 8.000000e+00 : f32
        %mul3A_1002 = vector.broadcast %mul3A_1001 : f32 to vector<16xf32>
        %mul3A_1003 = arith.mulf %get3A_1000, %mul3A_1002 : vector<16xf32>
        tpu.vector_store_idx %arg11[%select_n3A_134, %select_n3A_155, %broadcast_in_dim3A_979], %mul3A_1003 : memref<8x8x129xf32, #tpu.memory_space<vmem>>[vector<16xi32>, vector<16xi32>, vector<16xi32>], vector<16xf32>,
        %mul3A_1004 = arith.constant 4 : i32
        %mul3A_1005 = arith.muli %scan3A_947, %mul3A_1004 : i32
        %add3A_1006 = arith.constant 2 : i32
        %add3A_1007 = arith.addi %mul3A_1005, %add3A_1006 : i32
        %broadcast_in_dim3A_1008 = vector.broadcast %add3A_1007 : i32 to vector<16xi32>
        %get3A_1009 = arith.index_cast %add3A_1007 : i32 to index
        %get3A_1010 = arith.constant 0 : index
        %get3A_1011 = tpu.vector_load %arg6[%get3A_1009, %get3A_1010] {strides = array<i32>} : memref<128x64xf32, #tpu.memory_space<vmem>>, vector<16xf32>,
        %mul3A_1012 = arith.constant 8.000000e+00 : f32
        %mul3A_1013 = vector.broadcast %mul3A_1012 : f32 to vector<16xf32>
        %mul3A_1014 = arith.mulf %get3A_1011, %mul3A_1013 : vector<16xf32>
        tpu.vector_store_idx %arg11[%select_n3A, %select_n3A_155, %broadcast_in_dim3A_1008], %mul3A_1014 : memref<8x8x129xf32, #tpu.memory_space<vmem>>[vector<16xi32>, vector<16xi32>, vector<16xi32>], vector<16xf32>,
        %get3A_1015 = arith.index_cast %add3A_1007 : i32 to index
        %get3A_1016 = arith.constant 16 : index
        %get3A_1017 = tpu.vector_load %arg6[%get3A_1015, %get3A_1016] {strides = array<i32>} : memref<128x64xf32, #tpu.memory_space<vmem>>, vector<16xf32>,
        %mul3A_1018 = arith.constant 8.000000e+00 : f32
        %mul3A_1019 = vector.broadcast %mul3A_1018 : f32 to vector<16xf32>
        %mul3A_1020 = arith.mulf %get3A_1017, %mul3A_1019 : vector<16xf32>
        tpu.vector_store_idx %arg11[%select_n3A_64, %select_n3A_155, %broadcast_in_dim3A_1008], %mul3A_1020 : memref<8x8x129xf32, #tpu.memory_space<vmem>>[vector<16xi32>, vector<16xi32>, vector<16xi32>], vector<16xf32>,
        %get3A_1021 = arith.index_cast %add3A_1007 : i32 to index
        %get3A_1022 = arith.constant 32 : index
        %get3A_1023 = tpu.vector_load %arg6[%get3A_1021, %get3A_1022] {strides = array<i32>} : memref<128x64xf32, #tpu.memory_space<vmem>>, vector<16xf32>,
        %mul3A_1024 = arith.constant 8.000000e+00 : f32
        %mul3A_1025 = vector.broadcast %mul3A_1024 : f32 to vector<16xf32>
        %mul3A_1026 = arith.mulf %get3A_1023, %mul3A_1025 : vector<16xf32>
        tpu.vector_store_idx %arg11[%select_n3A_99, %select_n3A_155, %broadcast_in_dim3A_1008], %mul3A_1026 : memref<8x8x129xf32, #tpu.memory_space<vmem>>[vector<16xi32>, vector<16xi32>, vector<16xi32>], vector<16xf32>,
        %get3A_1027 = arith.index_cast %add3A_1007 : i32 to index
        %get3A_1028 = arith.constant 48 : index
        %get3A_1029 = tpu.vector_load %arg6[%get3A_1027, %get3A_1028] {strides = array<i32>} : memref<128x64xf32, #tpu.memory_space<vmem>>, vector<16xf32>,
        %mul3A_1030 = arith.constant 8.000000e+00 : f32
        %mul3A_1031 = vector.broadcast %mul3A_1030 : f32 to vector<16xf32>
        %mul3A_1032 = arith.mulf %get3A_1029, %mul3A_1031 : vector<16xf32>
        tpu.vector_store_idx %arg11[%select_n3A_134, %select_n3A_155, %broadcast_in_dim3A_1008], %mul3A_1032 : memref<8x8x129xf32, #tpu.memory_space<vmem>>[vector<16xi32>, vector<16xi32>, vector<16xi32>], vector<16xf32>,
        %mul3A_1033 = arith.constant 4 : i32
        %mul3A_1034 = arith.muli %scan3A_947, %mul3A_1033 : i32
        %add3A_1035 = arith.constant 3 : i32
        %add3A_1036 = arith.addi %mul3A_1034, %add3A_1035 : i32
        %broadcast_in_dim3A_1037 = vector.broadcast %add3A_1036 : i32 to vector<16xi32>
        %get3A_1038 = arith.index_cast %add3A_1036 : i32 to index
        %get3A_1039 = arith.constant 0 : index
        %get3A_1040 = tpu.vector_load %arg6[%get3A_1038, %get3A_1039] {strides = array<i32>} : memref<128x64xf32, #tpu.memory_space<vmem>>, vector<16xf32>,
        %mul3A_1041 = arith.constant 8.000000e+00 : f32
        %mul3A_1042 = vector.broadcast %mul3A_1041 : f32 to vector<16xf32>
        %mul3A_1043 = arith.mulf %get3A_1040, %mul3A_1042 : vector<16xf32>
        tpu.vector_store_idx %arg11[%select_n3A, %select_n3A_155, %broadcast_in_dim3A_1037], %mul3A_1043 : memref<8x8x129xf32, #tpu.memory_space<vmem>>[vector<16xi32>, vector<16xi32>, vector<16xi32>], vector<16xf32>,
        %get3A_1044 = arith.index_cast %add3A_1036 : i32 to index
        %get3A_1045 = arith.constant 16 : index
        %get3A_1046 = tpu.vector_load %arg6[%get3A_1044, %get3A_1045] {strides = array<i32>} : memref<128x64xf32, #tpu.memory_space<vmem>>, vector<16xf32>,
        %mul3A_1047 = arith.constant 8.000000e+00 : f32
        %mul3A_1048 = vector.broadcast %mul3A_1047 : f32 to vector<16xf32>
        %mul3A_1049 = arith.mulf %get3A_1046, %mul3A_1048 : vector<16xf32>
        tpu.vector_store_idx %arg11[%select_n3A_64, %select_n3A_155, %broadcast_in_dim3A_1037], %mul3A_1049 : memref<8x8x129xf32, #tpu.memory_space<vmem>>[vector<16xi32>, vector<16xi32>, vector<16xi32>], vector<16xf32>,
        %get3A_1050 = arith.index_cast %add3A_1036 : i32 to index
        %get3A_1051 = arith.constant 32 : index
        %get3A_1052 = tpu.vector_load %arg6[%get3A_1050, %get3A_1051] {strides = array<i32>} : memref<128x64xf32, #tpu.memory_space<vmem>>, vector<16xf32>,
        %mul3A_1053 = arith.constant 8.000000e+00 : f32
        %mul3A_1054 = vector.broadcast %mul3A_1053 : f32 to vector<16xf32>
        %mul3A_1055 = arith.mulf %get3A_1052, %mul3A_1054 : vector<16xf32>
        tpu.vector_store_idx %arg11[%select_n3A_99, %select_n3A_155, %broadcast_in_dim3A_1037], %mul3A_1055 : memref<8x8x129xf32, #tpu.memory_space<vmem>>[vector<16xi32>, vector<16xi32>, vector<16xi32>], vector<16xf32>,
        %get3A_1056 = arith.index_cast %add3A_1036 : i32 to index
        %get3A_1057 = arith.constant 48 : index
        %get3A_1058 = tpu.vector_load %arg6[%get3A_1056, %get3A_1057] {strides = array<i32>} : memref<128x64xf32, #tpu.memory_space<vmem>>, vector<16xf32>,
        %mul3A_1059 = arith.constant 8.000000e+00 : f32
        %mul3A_1060 = vector.broadcast %mul3A_1059 : f32 to vector<16xf32>
        %mul3A_1061 = arith.mulf %get3A_1058, %mul3A_1060 : vector<16xf32>
        tpu.vector_store_idx %arg11[%select_n3A_134, %select_n3A_155, %broadcast_in_dim3A_1037], %mul3A_1061 : memref<8x8x129xf32, #tpu.memory_space<vmem>>[vector<16xi32>, vector<16xi32>, vector<16xi32>], vector<16xf32>,
      }
      %scan3A_306 = arith.constant 32 : i32
      %mul3A_307 = arith.constant 50 : i32
      %mul3A_308 = arith.muli %add3A, %mul3A_307 : i32
      %add3A_309 = arith.addi %mul3A_308, %add3A_283 : i32
      %jit3A_310 = arith.constant 64 : i32
      %div3A_311 = arith.divsi %add3A_309, %jit3A_310 : i32
      %sign3A_312 = arith.constant 0 : i32
      %sign3A_313 = arith.cmpi sgt, %add3A_309, %sign3A_312 : i32
      %sign3A_314 = arith.extui %sign3A_313 : i1 to i32
      %sign3A_315 = arith.constant 0 : i32
      %sign3A_316 = arith.cmpi slt, %add3A_309, %sign3A_315 : i32
      %sign3A_317 = arith.extui %sign3A_316 : i1 to i32
      %sign3A_318 = arith.subi %sign3A_314, %sign3A_317 : i32
      %sign3A_319 = arith.constant 0 : i32
      %sign3A_320 = arith.cmpi sgt, %jit3A_310, %sign3A_319 : i32
      %sign3A_321 = arith.extui %sign3A_320 : i1 to i32
      %sign3A_322 = arith.constant 0 : i32
      %sign3A_323 = arith.cmpi slt, %jit3A_310, %sign3A_322 : i32
      %sign3A_324 = arith.extui %sign3A_323 : i1 to i32
      %sign3A_325 = arith.subi %sign3A_321, %sign3A_324 : i32
      %ne3A_326 = arith.cmpi ne, %sign3A_318, %sign3A_325 : i32
      %rem3A_327 = arith.remsi %add3A_309, %jit3A_310 : i32
      %ne3A_328 = arith.constant 0 : i32
      %ne3A_329 = arith.cmpi ne, %rem3A_327, %ne3A_328 : i32
      %and3A_330 = arith.andi %ne3A_326, %ne3A_329 : i1
      %sub3A_331 = arith.constant 1 : i32
      %sub3A_332 = arith.subi %div3A_311, %sub3A_331 : i32
      %select_n3A_333 = arith.select %and3A_330, %sub3A_332, %div3A_311 : i32
      %mul3A_334 = arith.constant 8 : i32
      %mul3A_335 = arith.muli %select_n3A_333, %mul3A_334 : i32
      %jit3A_336 = arith.constant 8 : i32
      %eq3A_337 = arith.constant 0 : i32
      %eq3A_338 = arith.cmpi eq, %jit3A_336, %eq3A_337 : i32
      %jit3A_339 = arith.constant 1 : i32
      %select_n3A_340 = arith.select %eq3A_338, %jit3A_339, %jit3A_336 : i32
      %rem3A_341 = arith.remsi %add3A_309, %select_n3A_340 : i32
      %ne3A_342 = arith.constant 0 : i32
      %ne3A_343 = arith.cmpi ne, %rem3A_341, %ne3A_342 : i32
      %lt3A_344 = arith.constant 0 : i32
      %lt3A_345 = arith.cmpi slt, %rem3A_341, %lt3A_344 : i32
      %lt3A_346 = arith.constant 0 : i32
      %lt3A_347 = arith.cmpi slt, %select_n3A_340, %lt3A_346 : i32
      %ne3A_348 = arith.xori %lt3A_345, %lt3A_347 : i1
      %and3A_349 = arith.andi %ne3A_348, %ne3A_343 : i1
      %add3A_350 = arith.addi %rem3A_341, %select_n3A_340 : i32
      %select_n3A_351 = arith.select %and3A_349, %add3A_350, %rem3A_341 : i32
      %add3A_352 = arith.addi %mul3A_335, %select_n3A_351 : i32
      %jit3A_353 = arith.constant 8 : i32
      %div3A_354 = arith.divsi %add3A_309, %jit3A_353 : i32
      %sign3A_355 = arith.constant 0 : i32
      %sign3A_356 = arith.cmpi sgt, %add3A_309, %sign3A_355 : i32
      %sign3A_357 = arith.extui %sign3A_356 : i1 to i32
      %sign3A_358 = arith.constant 0 : i32
      %sign3A_359 = arith.cmpi slt, %add3A_309, %sign3A_358 : i32
      %sign3A_360 = arith.extui %sign3A_359 : i1 to i32
      %sign3A_361 = arith.subi %sign3A_357, %sign3A_360 : i32
      %sign3A_362 = arith.constant 0 : i32
      %sign3A_363 = arith.cmpi sgt, %jit3A_353, %sign3A_362 : i32
      %sign3A_364 = arith.extui %sign3A_363 : i1 to i32
      %sign3A_365 = arith.constant 0 : i32
      %sign3A_366 = arith.cmpi slt, %jit3A_353, %sign3A_365 : i32
      %sign3A_367 = arith.extui %sign3A_366 : i1 to i32
      %sign3A_368 = arith.subi %sign3A_364, %sign3A_367 : i32
      %ne3A_369 = arith.cmpi ne, %sign3A_361, %sign3A_368 : i32
      %rem3A_370 = arith.remsi %add3A_309, %jit3A_353 : i32
      %ne3A_371 = arith.constant 0 : i32
      %ne3A_372 = arith.cmpi ne, %rem3A_370, %ne3A_371 : i32
      %and3A_373 = arith.andi %ne3A_369, %ne3A_372 : i1
      %sub3A_374 = arith.constant 1 : i32
      %sub3A_375 = arith.subi %div3A_354, %sub3A_374 : i32
      %select_n3A_376 = arith.select %and3A_373, %sub3A_375, %div3A_354 : i32
      %jit3A_377 = arith.constant 8 : i32
      %eq3A_378 = arith.constant 0 : i32
      %eq3A_379 = arith.cmpi eq, %jit3A_377, %eq3A_378 : i32
      %jit3A_380 = arith.constant 1 : i32
      %select_n3A_381 = arith.select %eq3A_379, %jit3A_380, %jit3A_377 : i32
      %rem3A_382 = arith.remsi %select_n3A_376, %select_n3A_381 : i32
      %ne3A_383 = arith.constant 0 : i32
      %ne3A_384 = arith.cmpi ne, %rem3A_382, %ne3A_383 : i32
      %lt3A_385 = arith.constant 0 : i32
      %lt3A_386 = arith.cmpi slt, %rem3A_382, %lt3A_385 : i32
      %lt3A_387 = arith.constant 0 : i32
      %lt3A_388 = arith.cmpi slt, %select_n3A_381, %lt3A_387 : i32
      %ne3A_389 = arith.xori %lt3A_386, %lt3A_388 : i1
      %and3A_390 = arith.andi %ne3A_389, %ne3A_384 : i1
      %add3A_391 = arith.addi %rem3A_382, %select_n3A_381 : i32
      %select_n3A_392 = arith.select %and3A_390, %add3A_391, %rem3A_382 : i32
      %dma_start3A_393 = arith.constant 0 : i32
      %dma_start3A_394 = arith.constant 0 : i32
      %dma_start3A_395 = arith.constant 0 : i32
      %dma_start3A_396 = tpu.memref_slice %arg11[%dma_start3A_393, %dma_start3A_394, %dma_start3A_395] : memref<8x8x129xf32, #tpu.memory_space<vmem>> -> memref<8x8x128xf32, #tpu.memory_space<vmem>>
      %dma_start3A_397 = arith.constant 0 : i32
      %dma_start3A_398 = arith.constant 0 : i32
      %dma_start3A_399 = arith.constant 0 : i32
      %dma_start3A_400 = tpu.memref_slice %arg4[%add3A_352, %dma_start3A_397, %select_n3A_392, %dma_start3A_398, %dma_start3A_399] : memref<200x8x8x8x128xf32, #tpu.memory_space<hbm>> -> memref<1x8x1x8x128xf32, #tpu.memory_space<hbm>>
      %dma_start3A_401 = tpu.memref_squeeze %dma_start3A_400 : memref<1x8x1x8x128xf32, #tpu.memory_space<hbm>> -> memref<8x8x128xf32, #tpu.memory_space<hbm>>
      %dma_start3A_402 = arith.constant 0 : i32
      %dma_start3A_403 = arith.constant 0 : i32
      %dma_start3A_404 = arith.constant 0 : i32
      %dma_start3A_405 = tpu.memref_slice %arg4[%add3A_352, %dma_start3A_402, %select_n3A_392, %dma_start3A_403, %dma_start3A_404] : memref<200x8x8x8x128xf32, #tpu.memory_space<hbm>> -> memref<1x8x1x8x128xf32, #tpu.memory_space<hbm>>
      %dma_start3A_406 = tpu.memref_squeeze %dma_start3A_405 : memref<1x8x1x8x128xf32, #tpu.memory_space<hbm>> -> memref<8x8x128xf32, #tpu.memory_space<hbm>>
      %dma_start3A_407 = arith.constant 0 : i32
      %dma_start3A_408 = arith.constant 0 : i32
      %dma_start3A_409 = arith.constant 0 : i32
      %dma_start3A_410 = tpu.memref_slice %arg11[%dma_start3A_407, %dma_start3A_408, %dma_start3A_409] : memref<8x8x129xf32, #tpu.memory_space<vmem>> -> memref<8x8x128xf32, #tpu.memory_space<vmem>>
      tpu.enqueue_dma source(%dma_start3A_410 : memref<8x8x128xf32, #tpu.memory_space<vmem>>) target(%dma_start3A_406 : memref<8x8x128xf32, #tpu.memory_space<hbm>>) target_semaphore(%arg21 : memref<!tpu.dma_semaphore, #tpu.memory_space<semaphore_mem>>)
      %mul3A_411 = arith.constant 5 : i32
      %mul3A_412 = arith.muli %scan3A_279, %mul3A_411 : i32
      %add3A_413 = arith.constant 1 : i32
      %add3A_414 = arith.addi %mul3A_412, %add3A_413 : i32
      %add3A_415 = arith.constant 5 : i32
      %add3A_416 = arith.addi %add3A_414, %add3A_415 : i32
      %sub3A_417 = arith.constant 1 : i32
      %sub3A_418 = arith.subi %add3A_416, %sub3A_417 : i32
      %lt3A_419 = arith.constant 50 : i32
      %lt3A_420 = arith.cmpi slt, %sub3A_418, %lt3A_419 : i32
      %convert_element_type3A_421 = arith.extui %lt3A_420 : i1 to i32
      %cond3A_422 = arith.constant 0 : i32
      %cond3A_423 = arith.cmpi ne, %convert_element_type3A_421, %cond3A_422 : i32
      scf.if %cond3A_423 {
        %mul3A_947 = arith.constant 128 : i32
        %mul3A_948 = arith.muli %sub3A_418, %mul3A_947 : i32
        %dma_start3A_949 = tpu.memref_slice %arg5[%mul3A_948] : memref<6400xi32, #tpu.memory_space<vmem>> -> memref<128xi32, #tpu.memory_space<vmem>>
        %dma_start3A_950 = arith.constant 0 : i32
        %dma_start3A_951 = arith.constant 0 : i32
        %dma_start3A_952 = tpu.memref_slice %arg2[%dma_start3A_950, %dma_start3A_951] : memref<1000000x64xf32, #tpu.memory_space<hbm>> -> memref<1000000x64xf32, #tpu.memory_space<hbm>>
        tpu.enqueue_indirect_dma source(%dma_start3A_952 : memref<1000000x64xf32, #tpu.memory_space<hbm>>) target(%arg6 : memref<128x64xf32, #tpu.memory_space<vmem>>) offsets(%dma_start3A_949 : memref<128xi32, #tpu.memory_space<vmem>>) semaphore(%arg16 : memref<!tpu.dma_semaphore, #tpu.memory_space<semaphore_mem>>)
      } else {
      }
      %dma_wait3A_424 = arith.constant 0 : i32
      %dma_wait3A_425 = arith.constant 0 : i32
      %dma_wait3A_426 = tpu.memref_slice %arg2[%dma_wait3A_424, %dma_wait3A_425] : memref<1000000x64xf32, #tpu.memory_space<hbm>> -> memref<128x64xf32, #tpu.memory_space<hbm>>
      %dma_wait3A_427 = arith.constant 0 : i32
      %dma_wait3A_428 = arith.constant 0 : i32
      %dma_wait3A_429 = tpu.memref_slice %arg2[%dma_wait3A_427, %dma_wait3A_428] : memref<1000000x64xf32, #tpu.memory_space<hbm>> -> memref<128x64xf32, #tpu.memory_space<hbm>>
      tpu.wait_dma2 semaphore(%arg17 : memref<!tpu.dma_semaphore, #tpu.memory_space<semaphore_mem>>) src(%dma_wait3A_429 : memref<128x64xf32, #tpu.memory_space<hbm>>) dst(%arg7 : memref<128x64xf32, #tpu.memory_space<vmem>>)
      %ge3A_430 = arith.constant 5 : i32
      %ge3A_431 = arith.cmpi sge, %add3A_414, %ge3A_430 : i32
      %convert_element_type3A_432 = arith.extui %ge3A_431 : i1 to i32
      %cond3A_433 = arith.constant 0 : i32
      %cond3A_434 = arith.cmpi ne, %convert_element_type3A_432, %cond3A_433 : i32
      scf.if %cond3A_434 {
        %dma_wait3A_947 = arith.constant 0 : i32
        %dma_wait3A_948 = arith.constant 0 : i32
        %dma_wait3A_949 = arith.constant 0 : i32
        %dma_wait3A_950 = arith.constant 0 : i32
        %dma_wait3A_951 = arith.constant 0 : i32
        %dma_wait3A_952 = tpu.memref_slice %arg12[%dma_wait3A_949, %dma_wait3A_950, %dma_wait3A_951] : memref<8x8x129xf32, #tpu.memory_space<vmem>> -> memref<8x8x128xf32, #tpu.memory_space<vmem>>
        %dma_wait3A_953 = arith.constant 0 : i32
        %dma_wait3A_954 = arith.constant 0 : i32
        %dma_wait3A_955 = arith.constant 0 : i32
        %dma_wait3A_956 = tpu.memref_slice %arg4[%dma_wait3A_947, %dma_wait3A_953, %dma_wait3A_948, %dma_wait3A_954, %dma_wait3A_955] : memref<200x8x8x8x128xf32, #tpu.memory_space<hbm>> -> memref<1x8x1x8x128xf32, #tpu.memory_space<hbm>>
        %dma_wait3A_957 = tpu.memref_squeeze %dma_wait3A_956 : memref<1x8x1x8x128xf32, #tpu.memory_space<hbm>> -> memref<8x8x128xf32, #tpu.memory_space<hbm>>
        %dma_wait3A_958 = arith.constant 0 : i32
        %dma_wait3A_959 = arith.constant 0 : i32
        %dma_wait3A_960 = arith.constant 0 : i32
        %dma_wait3A_961 = tpu.memref_slice %arg4[%dma_wait3A_947, %dma_wait3A_958, %dma_wait3A_948, %dma_wait3A_959, %dma_wait3A_960] : memref<200x8x8x8x128xf32, #tpu.memory_space<hbm>> -> memref<1x8x1x8x128xf32, #tpu.memory_space<hbm>>
        %dma_wait3A_962 = tpu.memref_squeeze %dma_wait3A_961 : memref<1x8x1x8x128xf32, #tpu.memory_space<hbm>> -> memref<8x8x128xf32, #tpu.memory_space<hbm>>
        %dma_wait3A_963 = arith.constant 0 : i32
        %dma_wait3A_964 = arith.constant 0 : i32
        %dma_wait3A_965 = arith.constant 0 : i32
        %dma_wait3A_966 = tpu.memref_slice %arg12[%dma_wait3A_963, %dma_wait3A_964, %dma_wait3A_965] : memref<8x8x129xf32, #tpu.memory_space<vmem>> -> memref<8x8x128xf32, #tpu.memory_space<vmem>>
        tpu.wait_dma2 semaphore(%arg22 : memref<!tpu.dma_semaphore, #tpu.memory_space<semaphore_mem>>) src(%dma_wait3A_966 : memref<8x8x128xf32, #tpu.memory_space<vmem>>) dst(%dma_wait3A_962 : memref<8x8x128xf32, #tpu.memory_space<hbm>>)
      } else {
      }
      %scan3A_435 = arith.constant 0 : i32
      %scan3A_436 = arith.constant 0 : i32
      %scan3A_437 = arith.constant 32 : i32
      %scan3A_438 = arith.addi %scan3A_436, %scan3A_437 : i32
      %scan3A_439 = arith.constant 1 : i32
      scf.for %scan3A_947 = %scan3A_436 to %scan3A_438 step %scan3A_439  : i32 {
        %mul3A_948 = arith.constant 4 : i32
        %mul3A_949 = arith.muli %scan3A_947, %mul3A_948 : i32
        %add3A_950 = arith.constant 0 : i32
        %add3A_951 = arith.addi %mul3A_949, %add3A_950 : i32
        %broadcast_in_dim3A = vector.broadcast %add3A_951 : i32 to vector<16xi32>
        %get3A = arith.index_cast %add3A_951 : i32 to index
        %get3A_952 = arith.constant 0 : index
        %get3A_953 = tpu.vector_load %arg7[%get3A, %get3A_952] {strides = array<i32>} : memref<128x64xf32, #tpu.memory_space<vmem>>, vector<16xf32>,
        %mul3A_954 = arith.constant 8.000000e+00 : f32
        %mul3A_955 = vector.broadcast %mul3A_954 : f32 to vector<16xf32>
        %mul3A_956 = arith.mulf %get3A_953, %mul3A_955 : vector<16xf32>
        tpu.vector_store_idx %arg12[%select_n3A, %select_n3A_155, %broadcast_in_dim3A], %mul3A_956 : memref<8x8x129xf32, #tpu.memory_space<vmem>>[vector<16xi32>, vector<16xi32>, vector<16xi32>], vector<16xf32>,
        %get3A_957 = arith.index_cast %add3A_951 : i32 to index
        %get3A_958 = arith.constant 16 : index
        %get3A_959 = tpu.vector_load %arg7[%get3A_957, %get3A_958] {strides = array<i32>} : memref<128x64xf32, #tpu.memory_space<vmem>>, vector<16xf32>,
        %mul3A_960 = arith.constant 8.000000e+00 : f32
        %mul3A_961 = vector.broadcast %mul3A_960 : f32 to vector<16xf32>
        %mul3A_962 = arith.mulf %get3A_959, %mul3A_961 : vector<16xf32>
        tpu.vector_store_idx %arg12[%select_n3A_64, %select_n3A_155, %broadcast_in_dim3A], %mul3A_962 : memref<8x8x129xf32, #tpu.memory_space<vmem>>[vector<16xi32>, vector<16xi32>, vector<16xi32>], vector<16xf32>,
        %get3A_963 = arith.index_cast %add3A_951 : i32 to index
        %get3A_964 = arith.constant 32 : index
        %get3A_965 = tpu.vector_load %arg7[%get3A_963, %get3A_964] {strides = array<i32>} : memref<128x64xf32, #tpu.memory_space<vmem>>, vector<16xf32>,
        %mul3A_966 = arith.constant 8.000000e+00 : f32
        %mul3A_967 = vector.broadcast %mul3A_966 : f32 to vector<16xf32>
        %mul3A_968 = arith.mulf %get3A_965, %mul3A_967 : vector<16xf32>
        tpu.vector_store_idx %arg12[%select_n3A_99, %select_n3A_155, %broadcast_in_dim3A], %mul3A_968 : memref<8x8x129xf32, #tpu.memory_space<vmem>>[vector<16xi32>, vector<16xi32>, vector<16xi32>], vector<16xf32>,
        %get3A_969 = arith.index_cast %add3A_951 : i32 to index
        %get3A_970 = arith.constant 48 : index
        %get3A_971 = tpu.vector_load %arg7[%get3A_969, %get3A_970] {strides = array<i32>} : memref<128x64xf32, #tpu.memory_space<vmem>>, vector<16xf32>,
        %mul3A_972 = arith.constant 8.000000e+00 : f32
        %mul3A_973 = vector.broadcast %mul3A_972 : f32 to vector<16xf32>
        %mul3A_974 = arith.mulf %get3A_971, %mul3A_973 : vector<16xf32>
        tpu.vector_store_idx %arg12[%select_n3A_134, %select_n3A_155, %broadcast_in_dim3A], %mul3A_974 : memref<8x8x129xf32, #tpu.memory_space<vmem>>[vector<16xi32>, vector<16xi32>, vector<16xi32>], vector<16xf32>,
        %mul3A_975 = arith.constant 4 : i32
        %mul3A_976 = arith.muli %scan3A_947, %mul3A_975 : i32
        %add3A_977 = arith.constant 1 : i32
        %add3A_978 = arith.addi %mul3A_976, %add3A_977 : i32
        %broadcast_in_dim3A_979 = vector.broadcast %add3A_978 : i32 to vector<16xi32>
        %get3A_980 = arith.index_cast %add3A_978 : i32 to index
        %get3A_981 = arith.constant 0 : index
        %get3A_982 = tpu.vector_load %arg7[%get3A_980, %get3A_981] {strides = array<i32>} : memref<128x64xf32, #tpu.memory_space<vmem>>, vector<16xf32>,
        %mul3A_983 = arith.constant 8.000000e+00 : f32
        %mul3A_984 = vector.broadcast %mul3A_983 : f32 to vector<16xf32>
        %mul3A_985 = arith.mulf %get3A_982, %mul3A_984 : vector<16xf32>
        tpu.vector_store_idx %arg12[%select_n3A, %select_n3A_155, %broadcast_in_dim3A_979], %mul3A_985 : memref<8x8x129xf32, #tpu.memory_space<vmem>>[vector<16xi32>, vector<16xi32>, vector<16xi32>], vector<16xf32>,
        %get3A_986 = arith.index_cast %add3A_978 : i32 to index
        %get3A_987 = arith.constant 16 : index
        %get3A_988 = tpu.vector_load %arg7[%get3A_986, %get3A_987] {strides = array<i32>} : memref<128x64xf32, #tpu.memory_space<vmem>>, vector<16xf32>,
        %mul3A_989 = arith.constant 8.000000e+00 : f32
        %mul3A_990 = vector.broadcast %mul3A_989 : f32 to vector<16xf32>
        %mul3A_991 = arith.mulf %get3A_988, %mul3A_990 : vector<16xf32>
        tpu.vector_store_idx %arg12[%select_n3A_64, %select_n3A_155, %broadcast_in_dim3A_979], %mul3A_991 : memref<8x8x129xf32, #tpu.memory_space<vmem>>[vector<16xi32>, vector<16xi32>, vector<16xi32>], vector<16xf32>,
        %get3A_992 = arith.index_cast %add3A_978 : i32 to index
        %get3A_993 = arith.constant 32 : index
        %get3A_994 = tpu.vector_load %arg7[%get3A_992, %get3A_993] {strides = array<i32>} : memref<128x64xf32, #tpu.memory_space<vmem>>, vector<16xf32>,
        %mul3A_995 = arith.constant 8.000000e+00 : f32
        %mul3A_996 = vector.broadcast %mul3A_995 : f32 to vector<16xf32>
        %mul3A_997 = arith.mulf %get3A_994, %mul3A_996 : vector<16xf32>
        tpu.vector_store_idx %arg12[%select_n3A_99, %select_n3A_155, %broadcast_in_dim3A_979], %mul3A_997 : memref<8x8x129xf32, #tpu.memory_space<vmem>>[vector<16xi32>, vector<16xi32>, vector<16xi32>], vector<16xf32>,
        %get3A_998 = arith.index_cast %add3A_978 : i32 to index
        %get3A_999 = arith.constant 48 : index
        %get3A_1000 = tpu.vector_load %arg7[%get3A_998, %get3A_999] {strides = array<i32>} : memref<128x64xf32, #tpu.memory_space<vmem>>, vector<16xf32>,
        %mul3A_1001 = arith.constant 8.000000e+00 : f32
        %mul3A_1002 = vector.broadcast %mul3A_1001 : f32 to vector<16xf32>
        %mul3A_1003 = arith.mulf %get3A_1000, %mul3A_1002 : vector<16xf32>
        tpu.vector_store_idx %arg12[%select_n3A_134, %select_n3A_155, %broadcast_in_dim3A_979], %mul3A_1003 : memref<8x8x129xf32, #tpu.memory_space<vmem>>[vector<16xi32>, vector<16xi32>, vector<16xi32>], vector<16xf32>,
        %mul3A_1004 = arith.constant 4 : i32
        %mul3A_1005 = arith.muli %scan3A_947, %mul3A_1004 : i32
        %add3A_1006 = arith.constant 2 : i32
        %add3A_1007 = arith.addi %mul3A_1005, %add3A_1006 : i32
        %broadcast_in_dim3A_1008 = vector.broadcast %add3A_1007 : i32 to vector<16xi32>
        %get3A_1009 = arith.index_cast %add3A_1007 : i32 to index
        %get3A_1010 = arith.constant 0 : index
        %get3A_1011 = tpu.vector_load %arg7[%get3A_1009, %get3A_1010] {strides = array<i32>} : memref<128x64xf32, #tpu.memory_space<vmem>>, vector<16xf32>,
        %mul3A_1012 = arith.constant 8.000000e+00 : f32
        %mul3A_1013 = vector.broadcast %mul3A_1012 : f32 to vector<16xf32>
        %mul3A_1014 = arith.mulf %get3A_1011, %mul3A_1013 : vector<16xf32>
        tpu.vector_store_idx %arg12[%select_n3A, %select_n3A_155, %broadcast_in_dim3A_1008], %mul3A_1014 : memref<8x8x129xf32, #tpu.memory_space<vmem>>[vector<16xi32>, vector<16xi32>, vector<16xi32>], vector<16xf32>,
        %get3A_1015 = arith.index_cast %add3A_1007 : i32 to index
        %get3A_1016 = arith.constant 16 : index
        %get3A_1017 = tpu.vector_load %arg7[%get3A_1015, %get3A_1016] {strides = array<i32>} : memref<128x64xf32, #tpu.memory_space<vmem>>, vector<16xf32>,
        %mul3A_1018 = arith.constant 8.000000e+00 : f32
        %mul3A_1019 = vector.broadcast %mul3A_1018 : f32 to vector<16xf32>
        %mul3A_1020 = arith.mulf %get3A_1017, %mul3A_1019 : vector<16xf32>
        tpu.vector_store_idx %arg12[%select_n3A_64, %select_n3A_155, %broadcast_in_dim3A_1008], %mul3A_1020 : memref<8x8x129xf32, #tpu.memory_space<vmem>>[vector<16xi32>, vector<16xi32>, vector<16xi32>], vector<16xf32>,
        %get3A_1021 = arith.index_cast %add3A_1007 : i32 to index
        %get3A_1022 = arith.constant 32 : index
        %get3A_1023 = tpu.vector_load %arg7[%get3A_1021, %get3A_1022] {strides = array<i32>} : memref<128x64xf32, #tpu.memory_space<vmem>>, vector<16xf32>,
        %mul3A_1024 = arith.constant 8.000000e+00 : f32
        %mul3A_1025 = vector.broadcast %mul3A_1024 : f32 to vector<16xf32>
        %mul3A_1026 = arith.mulf %get3A_1023, %mul3A_1025 : vector<16xf32>
        tpu.vector_store_idx %arg12[%select_n3A_99, %select_n3A_155, %broadcast_in_dim3A_1008], %mul3A_1026 : memref<8x8x129xf32, #tpu.memory_space<vmem>>[vector<16xi32>, vector<16xi32>, vector<16xi32>], vector<16xf32>,
        %get3A_1027 = arith.index_cast %add3A_1007 : i32 to index
        %get3A_1028 = arith.constant 48 : index
        %get3A_1029 = tpu.vector_load %arg7[%get3A_1027, %get3A_1028] {strides = array<i32>} : memref<128x64xf32, #tpu.memory_space<vmem>>, vector<16xf32>,
        %mul3A_1030 = arith.constant 8.000000e+00 : f32
        %mul3A_1031 = vector.broadcast %mul3A_1030 : f32 to vector<16xf32>
        %mul3A_1032 = arith.mulf %get3A_1029, %mul3A_1031 : vector<16xf32>
        tpu.vector_store_idx %arg12[%select_n3A_134, %select_n3A_155, %broadcast_in_dim3A_1008], %mul3A_1032 : memref<8x8x129xf32, #tpu.memory_space<vmem>>[vector<16xi32>, vector<16xi32>, vector<16xi32>], vector<16xf32>,
        %mul3A_1033 = arith.constant 4 : i32
        %mul3A_1034 = arith.muli %scan3A_947, %mul3A_1033 : i32
        %add3A_1035 = arith.constant 3 : i32
        %add3A_1036 = arith.addi %mul3A_1034, %add3A_1035 : i32
        %broadcast_in_dim3A_1037 = vector.broadcast %add3A_1036 : i32 to vector<16xi32>
        %get3A_1038 = arith.index_cast %add3A_1036 : i32 to index
        %get3A_1039 = arith.constant 0 : index
        %get3A_1040 = tpu.vector_load %arg7[%get3A_1038, %get3A_1039] {strides = array<i32>} : memref<128x64xf32, #tpu.memory_space<vmem>>, vector<16xf32>,
        %mul3A_1041 = arith.constant 8.000000e+00 : f32
        %mul3A_1042 = vector.broadcast %mul3A_1041 : f32 to vector<16xf32>
        %mul3A_1043 = arith.mulf %get3A_1040, %mul3A_1042 : vector<16xf32>
        tpu.vector_store_idx %arg12[%select_n3A, %select_n3A_155, %broadcast_in_dim3A_1037], %mul3A_1043 : memref<8x8x129xf32, #tpu.memory_space<vmem>>[vector<16xi32>, vector<16xi32>, vector<16xi32>], vector<16xf32>,
        %get3A_1044 = arith.index_cast %add3A_1036 : i32 to index
        %get3A_1045 = arith.constant 16 : index
        %get3A_1046 = tpu.vector_load %arg7[%get3A_1044, %get3A_1045] {strides = array<i32>} : memref<128x64xf32, #tpu.memory_space<vmem>>, vector<16xf32>,
        %mul3A_1047 = arith.constant 8.000000e+00 : f32
        %mul3A_1048 = vector.broadcast %mul3A_1047 : f32 to vector<16xf32>
        %mul3A_1049 = arith.mulf %get3A_1046, %mul3A_1048 : vector<16xf32>
        tpu.vector_store_idx %arg12[%select_n3A_64, %select_n3A_155, %broadcast_in_dim3A_1037], %mul3A_1049 : memref<8x8x129xf32, #tpu.memory_space<vmem>>[vector<16xi32>, vector<16xi32>, vector<16xi32>], vector<16xf32>,
        %get3A_1050 = arith.index_cast %add3A_1036 : i32 to index
        %get3A_1051 = arith.constant 32 : index
        %get3A_1052 = tpu.vector_load %arg7[%get3A_1050, %get3A_1051] {strides = array<i32>} : memref<128x64xf32, #tpu.memory_space<vmem>>, vector<16xf32>,
        %mul3A_1053 = arith.constant 8.000000e+00 : f32
        %mul3A_1054 = vector.broadcast %mul3A_1053 : f32 to vector<16xf32>
        %mul3A_1055 = arith.mulf %get3A_1052, %mul3A_1054 : vector<16xf32>
        tpu.vector_store_idx %arg12[%select_n3A_99, %select_n3A_155, %broadcast_in_dim3A_1037], %mul3A_1055 : memref<8x8x129xf32, #tpu.memory_space<vmem>>[vector<16xi32>, vector<16xi32>, vector<16xi32>], vector<16xf32>,
        %get3A_1056 = arith.index_cast %add3A_1036 : i32 to index
        %get3A_1057 = arith.constant 48 : index
        %get3A_1058 = tpu.vector_load %arg7[%get3A_1056, %get3A_1057] {strides = array<i32>} : memref<128x64xf32, #tpu.memory_space<vmem>>, vector<16xf32>,
        %mul3A_1059 = arith.constant 8.000000e+00 : f32
        %mul3A_1060 = vector.broadcast %mul3A_1059 : f32 to vector<16xf32>
        %mul3A_1061 = arith.mulf %get3A_1058, %mul3A_1060 : vector<16xf32>
        tpu.vector_store_idx %arg12[%select_n3A_134, %select_n3A_155, %broadcast_in_dim3A_1037], %mul3A_1061 : memref<8x8x129xf32, #tpu.memory_space<vmem>>[vector<16xi32>, vector<16xi32>, vector<16xi32>], vector<16xf32>,
      }
      %scan3A_440 = arith.constant 32 : i32
      %mul3A_441 = arith.constant 50 : i32
      %mul3A_442 = arith.muli %add3A, %mul3A_441 : i32
      %add3A_443 = arith.addi %mul3A_442, %add3A_414 : i32
      %jit3A_444 = arith.constant 64 : i32
      %div3A_445 = arith.divsi %add3A_443, %jit3A_444 : i32
      %sign3A_446 = arith.constant 0 : i32
      %sign3A_447 = arith.cmpi sgt, %add3A_443, %sign3A_446 : i32
      %sign3A_448 = arith.extui %sign3A_447 : i1 to i32
      %sign3A_449 = arith.constant 0 : i32
      %sign3A_450 = arith.cmpi slt, %add3A_443, %sign3A_449 : i32
      %sign3A_451 = arith.extui %sign3A_450 : i1 to i32
      %sign3A_452 = arith.subi %sign3A_448, %sign3A_451 : i32
      %sign3A_453 = arith.constant 0 : i32
      %sign3A_454 = arith.cmpi sgt, %jit3A_444, %sign3A_453 : i32
      %sign3A_455 = arith.extui %sign3A_454 : i1 to i32
      %sign3A_456 = arith.constant 0 : i32
      %sign3A_457 = arith.cmpi slt, %jit3A_444, %sign3A_456 : i32
      %sign3A_458 = arith.extui %sign3A_457 : i1 to i32
      %sign3A_459 = arith.subi %sign3A_455, %sign3A_458 : i32
      %ne3A_460 = arith.cmpi ne, %sign3A_452, %sign3A_459 : i32
      %rem3A_461 = arith.remsi %add3A_443, %jit3A_444 : i32
      %ne3A_462 = arith.constant 0 : i32
      %ne3A_463 = arith.cmpi ne, %rem3A_461, %ne3A_462 : i32
      %and3A_464 = arith.andi %ne3A_460, %ne3A_463 : i1
      %sub3A_465 = arith.constant 1 : i32
      %sub3A_466 = arith.subi %div3A_445, %sub3A_465 : i32
      %select_n3A_467 = arith.select %and3A_464, %sub3A_466, %div3A_445 : i32
      %mul3A_468 = arith.constant 8 : i32
      %mul3A_469 = arith.muli %select_n3A_467, %mul3A_468 : i32
      %jit3A_470 = arith.constant 8 : i32
      %eq3A_471 = arith.constant 0 : i32
      %eq3A_472 = arith.cmpi eq, %jit3A_470, %eq3A_471 : i32
      %jit3A_473 = arith.constant 1 : i32
      %select_n3A_474 = arith.select %eq3A_472, %jit3A_473, %jit3A_470 : i32
      %rem3A_475 = arith.remsi %add3A_443, %select_n3A_474 : i32
      %ne3A_476 = arith.constant 0 : i32
      %ne3A_477 = arith.cmpi ne, %rem3A_475, %ne3A_476 : i32
      %lt3A_478 = arith.constant 0 : i32
      %lt3A_479 = arith.cmpi slt, %rem3A_475, %lt3A_478 : i32
      %lt3A_480 = arith.constant 0 : i32
      %lt3A_481 = arith.cmpi slt, %select_n3A_474, %lt3A_480 : i32
      %ne3A_482 = arith.xori %lt3A_479, %lt3A_481 : i1
      %and3A_483 = arith.andi %ne3A_482, %ne3A_477 : i1
      %add3A_484 = arith.addi %rem3A_475, %select_n3A_474 : i32
      %select_n3A_485 = arith.select %and3A_483, %add3A_484, %rem3A_475 : i32
      %add3A_486 = arith.addi %mul3A_469, %select_n3A_485 : i32
      %jit3A_487 = arith.constant 8 : i32
      %div3A_488 = arith.divsi %add3A_443, %jit3A_487 : i32
      %sign3A_489 = arith.constant 0 : i32
      %sign3A_490 = arith.cmpi sgt, %add3A_443, %sign3A_489 : i32
      %sign3A_491 = arith.extui %sign3A_490 : i1 to i32
      %sign3A_492 = arith.constant 0 : i32
      %sign3A_493 = arith.cmpi slt, %add3A_443, %sign3A_492 : i32
      %sign3A_494 = arith.extui %sign3A_493 : i1 to i32
      %sign3A_495 = arith.subi %sign3A_491, %sign3A_494 : i32
      %sign3A_496 = arith.constant 0 : i32
      %sign3A_497 = arith.cmpi sgt, %jit3A_487, %sign3A_496 : i32
      %sign3A_498 = arith.extui %sign3A_497 : i1 to i32
      %sign3A_499 = arith.constant 0 : i32
      %sign3A_500 = arith.cmpi slt, %jit3A_487, %sign3A_499 : i32
      %sign3A_501 = arith.extui %sign3A_500 : i1 to i32
      %sign3A_502 = arith.subi %sign3A_498, %sign3A_501 : i32
      %ne3A_503 = arith.cmpi ne, %sign3A_495, %sign3A_502 : i32
      %rem3A_504 = arith.remsi %add3A_443, %jit3A_487 : i32
      %ne3A_505 = arith.constant 0 : i32
      %ne3A_506 = arith.cmpi ne, %rem3A_504, %ne3A_505 : i32
      %and3A_507 = arith.andi %ne3A_503, %ne3A_506 : i1
      %sub3A_508 = arith.constant 1 : i32
      %sub3A_509 = arith.subi %div3A_488, %sub3A_508 : i32
      %select_n3A_510 = arith.select %and3A_507, %sub3A_509, %div3A_488 : i32
      %jit3A_511 = arith.constant 8 : i32
      %eq3A_512 = arith.constant 0 : i32
      %eq3A_513 = arith.cmpi eq, %jit3A_511, %eq3A_512 : i32
      %jit3A_514 = arith.constant 1 : i32
      %select_n3A_515 = arith.select %eq3A_513, %jit3A_514, %jit3A_511 : i32
      %rem3A_516 = arith.remsi %select_n3A_510, %select_n3A_515 : i32
      %ne3A_517 = arith.constant 0 : i32
      %ne3A_518 = arith.cmpi ne, %rem3A_516, %ne3A_517 : i32
      %lt3A_519 = arith.constant 0 : i32
      %lt3A_520 = arith.cmpi slt, %rem3A_516, %lt3A_519 : i32
      %lt3A_521 = arith.constant 0 : i32
      %lt3A_522 = arith.cmpi slt, %select_n3A_515, %lt3A_521 : i32
      %ne3A_523 = arith.xori %lt3A_520, %lt3A_522 : i1
      %and3A_524 = arith.andi %ne3A_523, %ne3A_518 : i1
      %add3A_525 = arith.addi %rem3A_516, %select_n3A_515 : i32
      %select_n3A_526 = arith.select %and3A_524, %add3A_525, %rem3A_516 : i32
      %dma_start3A_527 = arith.constant 0 : i32
      %dma_start3A_528 = arith.constant 0 : i32
      %dma_start3A_529 = arith.constant 0 : i32
      %dma_start3A_530 = tpu.memref_slice %arg12[%dma_start3A_527, %dma_start3A_528, %dma_start3A_529] : memref<8x8x129xf32, #tpu.memory_space<vmem>> -> memref<8x8x128xf32, #tpu.memory_space<vmem>>
      %dma_start3A_531 = arith.constant 0 : i32
      %dma_start3A_532 = arith.constant 0 : i32
      %dma_start3A_533 = arith.constant 0 : i32
      %dma_start3A_534 = tpu.memref_slice %arg4[%add3A_486, %dma_start3A_531, %select_n3A_526, %dma_start3A_532, %dma_start3A_533] : memref<200x8x8x8x128xf32, #tpu.memory_space<hbm>> -> memref<1x8x1x8x128xf32, #tpu.memory_space<hbm>>
      %dma_start3A_535 = tpu.memref_squeeze %dma_start3A_534 : memref<1x8x1x8x128xf32, #tpu.memory_space<hbm>> -> memref<8x8x128xf32, #tpu.memory_space<hbm>>
      %dma_start3A_536 = arith.constant 0 : i32
      %dma_start3A_537 = arith.constant 0 : i32
      %dma_start3A_538 = arith.constant 0 : i32
      %dma_start3A_539 = tpu.memref_slice %arg4[%add3A_486, %dma_start3A_536, %select_n3A_526, %dma_start3A_537, %dma_start3A_538] : memref<200x8x8x8x128xf32, #tpu.memory_space<hbm>> -> memref<1x8x1x8x128xf32, #tpu.memory_space<hbm>>
      %dma_start3A_540 = tpu.memref_squeeze %dma_start3A_539 : memref<1x8x1x8x128xf32, #tpu.memory_space<hbm>> -> memref<8x8x128xf32, #tpu.memory_space<hbm>>
      %dma_start3A_541 = arith.constant 0 : i32
      %dma_start3A_542 = arith.constant 0 : i32
      %dma_start3A_543 = arith.constant 0 : i32
      %dma_start3A_544 = tpu.memref_slice %arg12[%dma_start3A_541, %dma_start3A_542, %dma_start3A_543] : memref<8x8x129xf32, #tpu.memory_space<vmem>> -> memref<8x8x128xf32, #tpu.memory_space<vmem>>
      tpu.enqueue_dma source(%dma_start3A_544 : memref<8x8x128xf32, #tpu.memory_space<vmem>>) target(%dma_start3A_540 : memref<8x8x128xf32, #tpu.memory_space<hbm>>) target_semaphore(%arg22 : memref<!tpu.dma_semaphore, #tpu.memory_space<semaphore_mem>>)
      %mul3A_545 = arith.constant 5 : i32
      %mul3A_546 = arith.muli %scan3A_279, %mul3A_545 : i32
      %add3A_547 = arith.constant 2 : i32
      %add3A_548 = arith.addi %mul3A_546, %add3A_547 : i32
      %add3A_549 = arith.constant 5 : i32
      %add3A_550 = arith.addi %add3A_548, %add3A_549 : i32
      %sub3A_551 = arith.constant 1 : i32
      %sub3A_552 = arith.subi %add3A_550, %sub3A_551 : i32
      %lt3A_553 = arith.constant 50 : i32
      %lt3A_554 = arith.cmpi slt, %sub3A_552, %lt3A_553 : i32
      %convert_element_type3A_555 = arith.extui %lt3A_554 : i1 to i32
      %cond3A_556 = arith.constant 0 : i32
      %cond3A_557 = arith.cmpi ne, %convert_element_type3A_555, %cond3A_556 : i32
      scf.if %cond3A_557 {
        %mul3A_947 = arith.constant 128 : i32
        %mul3A_948 = arith.muli %sub3A_552, %mul3A_947 : i32
        %dma_start3A_949 = tpu.memref_slice %arg5[%mul3A_948] : memref<6400xi32, #tpu.memory_space<vmem>> -> memref<128xi32, #tpu.memory_space<vmem>>
        %dma_start3A_950 = arith.constant 0 : i32
        %dma_start3A_951 = arith.constant 0 : i32
        %dma_start3A_952 = tpu.memref_slice %arg2[%dma_start3A_950, %dma_start3A_951] : memref<1000000x64xf32, #tpu.memory_space<hbm>> -> memref<1000000x64xf32, #tpu.memory_space<hbm>>
        tpu.enqueue_indirect_dma source(%dma_start3A_952 : memref<1000000x64xf32, #tpu.memory_space<hbm>>) target(%arg7 : memref<128x64xf32, #tpu.memory_space<vmem>>) offsets(%dma_start3A_949 : memref<128xi32, #tpu.memory_space<vmem>>) semaphore(%arg17 : memref<!tpu.dma_semaphore, #tpu.memory_space<semaphore_mem>>)
      } else {
      }
      %dma_wait3A_558 = arith.constant 0 : i32
      %dma_wait3A_559 = arith.constant 0 : i32
      %dma_wait3A_560 = tpu.memref_slice %arg2[%dma_wait3A_558, %dma_wait3A_559] : memref<1000000x64xf32, #tpu.memory_space<hbm>> -> memref<128x64xf32, #tpu.memory_space<hbm>>
      %dma_wait3A_561 = arith.constant 0 : i32
      %dma_wait3A_562 = arith.constant 0 : i32
      %dma_wait3A_563 = tpu.memref_slice %arg2[%dma_wait3A_561, %dma_wait3A_562] : memref<1000000x64xf32, #tpu.memory_space<hbm>> -> memref<128x64xf32, #tpu.memory_space<hbm>>
      tpu.wait_dma2 semaphore(%arg18 : memref<!tpu.dma_semaphore, #tpu.memory_space<semaphore_mem>>) src(%dma_wait3A_563 : memref<128x64xf32, #tpu.memory_space<hbm>>) dst(%arg8 : memref<128x64xf32, #tpu.memory_space<vmem>>)
      %ge3A_564 = arith.constant 5 : i32
      %ge3A_565 = arith.cmpi sge, %add3A_548, %ge3A_564 : i32
      %convert_element_type3A_566 = arith.extui %ge3A_565 : i1 to i32
      %cond3A_567 = arith.constant 0 : i32
      %cond3A_568 = arith.cmpi ne, %convert_element_type3A_566, %cond3A_567 : i32
      scf.if %cond3A_568 {
        %dma_wait3A_947 = arith.constant 0 : i32
        %dma_wait3A_948 = arith.constant 0 : i32
        %dma_wait3A_949 = arith.constant 0 : i32
        %dma_wait3A_950 = arith.constant 0 : i32
        %dma_wait3A_951 = arith.constant 0 : i32
        %dma_wait3A_952 = tpu.memref_slice %arg13[%dma_wait3A_949, %dma_wait3A_950, %dma_wait3A_951] : memref<8x8x129xf32, #tpu.memory_space<vmem>> -> memref<8x8x128xf32, #tpu.memory_space<vmem>>
        %dma_wait3A_953 = arith.constant 0 : i32
        %dma_wait3A_954 = arith.constant 0 : i32
        %dma_wait3A_955 = arith.constant 0 : i32
        %dma_wait3A_956 = tpu.memref_slice %arg4[%dma_wait3A_947, %dma_wait3A_953, %dma_wait3A_948, %dma_wait3A_954, %dma_wait3A_955] : memref<200x8x8x8x128xf32, #tpu.memory_space<hbm>> -> memref<1x8x1x8x128xf32, #tpu.memory_space<hbm>>
        %dma_wait3A_957 = tpu.memref_squeeze %dma_wait3A_956 : memref<1x8x1x8x128xf32, #tpu.memory_space<hbm>> -> memref<8x8x128xf32, #tpu.memory_space<hbm>>
        %dma_wait3A_958 = arith.constant 0 : i32
        %dma_wait3A_959 = arith.constant 0 : i32
        %dma_wait3A_960 = arith.constant 0 : i32
        %dma_wait3A_961 = tpu.memref_slice %arg4[%dma_wait3A_947, %dma_wait3A_958, %dma_wait3A_948, %dma_wait3A_959, %dma_wait3A_960] : memref<200x8x8x8x128xf32, #tpu.memory_space<hbm>> -> memref<1x8x1x8x128xf32, #tpu.memory_space<hbm>>
        %dma_wait3A_962 = tpu.memref_squeeze %dma_wait3A_961 : memref<1x8x1x8x128xf32, #tpu.memory_space<hbm>> -> memref<8x8x128xf32, #tpu.memory_space<hbm>>
        %dma_wait3A_963 = arith.constant 0 : i32
        %dma_wait3A_964 = arith.constant 0 : i32
        %dma_wait3A_965 = arith.constant 0 : i32
        %dma_wait3A_966 = tpu.memref_slice %arg13[%dma_wait3A_963, %dma_wait3A_964, %dma_wait3A_965] : memref<8x8x129xf32, #tpu.memory_space<vmem>> -> memref<8x8x128xf32, #tpu.memory_space<vmem>>
        tpu.wait_dma2 semaphore(%arg23 : memref<!tpu.dma_semaphore, #tpu.memory_space<semaphore_mem>>) src(%dma_wait3A_966 : memref<8x8x128xf32, #tpu.memory_space<vmem>>) dst(%dma_wait3A_962 : memref<8x8x128xf32, #tpu.memory_space<hbm>>)
      } else {
      }
      %scan3A_569 = arith.constant 0 : i32
      %scan3A_570 = arith.constant 0 : i32
      %scan3A_571 = arith.constant 32 : i32
      %scan3A_572 = arith.addi %scan3A_570, %scan3A_571 : i32
      %scan3A_573 = arith.constant 1 : i32
      scf.for %scan3A_947 = %scan3A_570 to %scan3A_572 step %scan3A_573  : i32 {
        %mul3A_948 = arith.constant 4 : i32
        %mul3A_949 = arith.muli %scan3A_947, %mul3A_948 : i32
        %add3A_950 = arith.constant 0 : i32
        %add3A_951 = arith.addi %mul3A_949, %add3A_950 : i32
        %broadcast_in_dim3A = vector.broadcast %add3A_951 : i32 to vector<16xi32>
        %get3A = arith.index_cast %add3A_951 : i32 to index
        %get3A_952 = arith.constant 0 : index
        %get3A_953 = tpu.vector_load %arg8[%get3A, %get3A_952] {strides = array<i32>} : memref<128x64xf32, #tpu.memory_space<vmem>>, vector<16xf32>,
        %mul3A_954 = arith.constant 8.000000e+00 : f32
        %mul3A_955 = vector.broadcast %mul3A_954 : f32 to vector<16xf32>
        %mul3A_956 = arith.mulf %get3A_953, %mul3A_955 : vector<16xf32>
        tpu.vector_store_idx %arg13[%select_n3A, %select_n3A_155, %broadcast_in_dim3A], %mul3A_956 : memref<8x8x129xf32, #tpu.memory_space<vmem>>[vector<16xi32>, vector<16xi32>, vector<16xi32>], vector<16xf32>,
        %get3A_957 = arith.index_cast %add3A_951 : i32 to index
        %get3A_958 = arith.constant 16 : index
        %get3A_959 = tpu.vector_load %arg8[%get3A_957, %get3A_958] {strides = array<i32>} : memref<128x64xf32, #tpu.memory_space<vmem>>, vector<16xf32>,
        %mul3A_960 = arith.constant 8.000000e+00 : f32
        %mul3A_961 = vector.broadcast %mul3A_960 : f32 to vector<16xf32>
        %mul3A_962 = arith.mulf %get3A_959, %mul3A_961 : vector<16xf32>
        tpu.vector_store_idx %arg13[%select_n3A_64, %select_n3A_155, %broadcast_in_dim3A], %mul3A_962 : memref<8x8x129xf32, #tpu.memory_space<vmem>>[vector<16xi32>, vector<16xi32>, vector<16xi32>], vector<16xf32>,
        %get3A_963 = arith.index_cast %add3A_951 : i32 to index
        %get3A_964 = arith.constant 32 : index
        %get3A_965 = tpu.vector_load %arg8[%get3A_963, %get3A_964] {strides = array<i32>} : memref<128x64xf32, #tpu.memory_space<vmem>>, vector<16xf32>,
        %mul3A_966 = arith.constant 8.000000e+00 : f32
        %mul3A_967 = vector.broadcast %mul3A_966 : f32 to vector<16xf32>
        %mul3A_968 = arith.mulf %get3A_965, %mul3A_967 : vector<16xf32>
        tpu.vector_store_idx %arg13[%select_n3A_99, %select_n3A_155, %broadcast_in_dim3A], %mul3A_968 : memref<8x8x129xf32, #tpu.memory_space<vmem>>[vector<16xi32>, vector<16xi32>, vector<16xi32>], vector<16xf32>,
        %get3A_969 = arith.index_cast %add3A_951 : i32 to index
        %get3A_970 = arith.constant 48 : index
        %get3A_971 = tpu.vector_load %arg8[%get3A_969, %get3A_970] {strides = array<i32>} : memref<128x64xf32, #tpu.memory_space<vmem>>, vector<16xf32>,
        %mul3A_972 = arith.constant 8.000000e+00 : f32
        %mul3A_973 = vector.broadcast %mul3A_972 : f32 to vector<16xf32>
        %mul3A_974 = arith.mulf %get3A_971, %mul3A_973 : vector<16xf32>
        tpu.vector_store_idx %arg13[%select_n3A_134, %select_n3A_155, %broadcast_in_dim3A], %mul3A_974 : memref<8x8x129xf32, #tpu.memory_space<vmem>>[vector<16xi32>, vector<16xi32>, vector<16xi32>], vector<16xf32>,
        %mul3A_975 = arith.constant 4 : i32
        %mul3A_976 = arith.muli %scan3A_947, %mul3A_975 : i32
        %add3A_977 = arith.constant 1 : i32
        %add3A_978 = arith.addi %mul3A_976, %add3A_977 : i32
        %broadcast_in_dim3A_979 = vector.broadcast %add3A_978 : i32 to vector<16xi32>
        %get3A_980 = arith.index_cast %add3A_978 : i32 to index
        %get3A_981 = arith.constant 0 : index
        %get3A_982 = tpu.vector_load %arg8[%get3A_980, %get3A_981] {strides = array<i32>} : memref<128x64xf32, #tpu.memory_space<vmem>>, vector<16xf32>,
        %mul3A_983 = arith.constant 8.000000e+00 : f32
        %mul3A_984 = vector.broadcast %mul3A_983 : f32 to vector<16xf32>
        %mul3A_985 = arith.mulf %get3A_982, %mul3A_984 : vector<16xf32>
        tpu.vector_store_idx %arg13[%select_n3A, %select_n3A_155, %broadcast_in_dim3A_979], %mul3A_985 : memref<8x8x129xf32, #tpu.memory_space<vmem>>[vector<16xi32>, vector<16xi32>, vector<16xi32>], vector<16xf32>,
        %get3A_986 = arith.index_cast %add3A_978 : i32 to index
        %get3A_987 = arith.constant 16 : index
        %get3A_988 = tpu.vector_load %arg8[%get3A_986, %get3A_987] {strides = array<i32>} : memref<128x64xf32, #tpu.memory_space<vmem>>, vector<16xf32>,
        %mul3A_989 = arith.constant 8.000000e+00 : f32
        %mul3A_990 = vector.broadcast %mul3A_989 : f32 to vector<16xf32>
        %mul3A_991 = arith.mulf %get3A_988, %mul3A_990 : vector<16xf32>
        tpu.vector_store_idx %arg13[%select_n3A_64, %select_n3A_155, %broadcast_in_dim3A_979], %mul3A_991 : memref<8x8x129xf32, #tpu.memory_space<vmem>>[vector<16xi32>, vector<16xi32>, vector<16xi32>], vector<16xf32>,
        %get3A_992 = arith.index_cast %add3A_978 : i32 to index
        %get3A_993 = arith.constant 32 : index
        %get3A_994 = tpu.vector_load %arg8[%get3A_992, %get3A_993] {strides = array<i32>} : memref<128x64xf32, #tpu.memory_space<vmem>>, vector<16xf32>,
        %mul3A_995 = arith.constant 8.000000e+00 : f32
        %mul3A_996 = vector.broadcast %mul3A_995 : f32 to vector<16xf32>
        %mul3A_997 = arith.mulf %get3A_994, %mul3A_996 : vector<16xf32>
        tpu.vector_store_idx %arg13[%select_n3A_99, %select_n3A_155, %broadcast_in_dim3A_979], %mul3A_997 : memref<8x8x129xf32, #tpu.memory_space<vmem>>[vector<16xi32>, vector<16xi32>, vector<16xi32>], vector<16xf32>,
        %get3A_998 = arith.index_cast %add3A_978 : i32 to index
        %get3A_999 = arith.constant 48 : index
        %get3A_1000 = tpu.vector_load %arg8[%get3A_998, %get3A_999] {strides = array<i32>} : memref<128x64xf32, #tpu.memory_space<vmem>>, vector<16xf32>,
        %mul3A_1001 = arith.constant 8.000000e+00 : f32
        %mul3A_1002 = vector.broadcast %mul3A_1001 : f32 to vector<16xf32>
        %mul3A_1003 = arith.mulf %get3A_1000, %mul3A_1002 : vector<16xf32>
        tpu.vector_store_idx %arg13[%select_n3A_134, %select_n3A_155, %broadcast_in_dim3A_979], %mul3A_1003 : memref<8x8x129xf32, #tpu.memory_space<vmem>>[vector<16xi32>, vector<16xi32>, vector<16xi32>], vector<16xf32>,
        %mul3A_1004 = arith.constant 4 : i32
        %mul3A_1005 = arith.muli %scan3A_947, %mul3A_1004 : i32
        %add3A_1006 = arith.constant 2 : i32
        %add3A_1007 = arith.addi %mul3A_1005, %add3A_1006 : i32
        %broadcast_in_dim3A_1008 = vector.broadcast %add3A_1007 : i32 to vector<16xi32>
        %get3A_1009 = arith.index_cast %add3A_1007 : i32 to index
        %get3A_1010 = arith.constant 0 : index
        %get3A_1011 = tpu.vector_load %arg8[%get3A_1009, %get3A_1010] {strides = array<i32>} : memref<128x64xf32, #tpu.memory_space<vmem>>, vector<16xf32>,
        %mul3A_1012 = arith.constant 8.000000e+00 : f32
        %mul3A_1013 = vector.broadcast %mul3A_1012 : f32 to vector<16xf32>
        %mul3A_1014 = arith.mulf %get3A_1011, %mul3A_1013 : vector<16xf32>
        tpu.vector_store_idx %arg13[%select_n3A, %select_n3A_155, %broadcast_in_dim3A_1008], %mul3A_1014 : memref<8x8x129xf32, #tpu.memory_space<vmem>>[vector<16xi32>, vector<16xi32>, vector<16xi32>], vector<16xf32>,
        %get3A_1015 = arith.index_cast %add3A_1007 : i32 to index
        %get3A_1016 = arith.constant 16 : index
        %get3A_1017 = tpu.vector_load %arg8[%get3A_1015, %get3A_1016] {strides = array<i32>} : memref<128x64xf32, #tpu.memory_space<vmem>>, vector<16xf32>,
        %mul3A_1018 = arith.constant 8.000000e+00 : f32
        %mul3A_1019 = vector.broadcast %mul3A_1018 : f32 to vector<16xf32>
        %mul3A_1020 = arith.mulf %get3A_1017, %mul3A_1019 : vector<16xf32>
        tpu.vector_store_idx %arg13[%select_n3A_64, %select_n3A_155, %broadcast_in_dim3A_1008], %mul3A_1020 : memref<8x8x129xf32, #tpu.memory_space<vmem>>[vector<16xi32>, vector<16xi32>, vector<16xi32>], vector<16xf32>,
        %get3A_1021 = arith.index_cast %add3A_1007 : i32 to index
        %get3A_1022 = arith.constant 32 : index
        %get3A_1023 = tpu.vector_load %arg8[%get3A_1021, %get3A_1022] {strides = array<i32>} : memref<128x64xf32, #tpu.memory_space<vmem>>, vector<16xf32>,
        %mul3A_1024 = arith.constant 8.000000e+00 : f32
        %mul3A_1025 = vector.broadcast %mul3A_1024 : f32 to vector<16xf32>
        %mul3A_1026 = arith.mulf %get3A_1023, %mul3A_1025 : vector<16xf32>
        tpu.vector_store_idx %arg13[%select_n3A_99, %select_n3A_155, %broadcast_in_dim3A_1008], %mul3A_1026 : memref<8x8x129xf32, #tpu.memory_space<vmem>>[vector<16xi32>, vector<16xi32>, vector<16xi32>], vector<16xf32>,
        %get3A_1027 = arith.index_cast %add3A_1007 : i32 to index
        %get3A_1028 = arith.constant 48 : index
        %get3A_1029 = tpu.vector_load %arg8[%get3A_1027, %get3A_1028] {strides = array<i32>} : memref<128x64xf32, #tpu.memory_space<vmem>>, vector<16xf32>,
        %mul3A_1030 = arith.constant 8.000000e+00 : f32
        %mul3A_1031 = vector.broadcast %mul3A_1030 : f32 to vector<16xf32>
        %mul3A_1032 = arith.mulf %get3A_1029, %mul3A_1031 : vector<16xf32>
        tpu.vector_store_idx %arg13[%select_n3A_134, %select_n3A_155, %broadcast_in_dim3A_1008], %mul3A_1032 : memref<8x8x129xf32, #tpu.memory_space<vmem>>[vector<16xi32>, vector<16xi32>, vector<16xi32>], vector<16xf32>,
        %mul3A_1033 = arith.constant 4 : i32
        %mul3A_1034 = arith.muli %scan3A_947, %mul3A_1033 : i32
        %add3A_1035 = arith.constant 3 : i32
        %add3A_1036 = arith.addi %mul3A_1034, %add3A_1035 : i32
        %broadcast_in_dim3A_1037 = vector.broadcast %add3A_1036 : i32 to vector<16xi32>
        %get3A_1038 = arith.index_cast %add3A_1036 : i32 to index
        %get3A_1039 = arith.constant 0 : index
        %get3A_1040 = tpu.vector_load %arg8[%get3A_1038, %get3A_1039] {strides = array<i32>} : memref<128x64xf32, #tpu.memory_space<vmem>>, vector<16xf32>,
        %mul3A_1041 = arith.constant 8.000000e+00 : f32
        %mul3A_1042 = vector.broadcast %mul3A_1041 : f32 to vector<16xf32>
        %mul3A_1043 = arith.mulf %get3A_1040, %mul3A_1042 : vector<16xf32>
        tpu.vector_store_idx %arg13[%select_n3A, %select_n3A_155, %broadcast_in_dim3A_1037], %mul3A_1043 : memref<8x8x129xf32, #tpu.memory_space<vmem>>[vector<16xi32>, vector<16xi32>, vector<16xi32>], vector<16xf32>,
        %get3A_1044 = arith.index_cast %add3A_1036 : i32 to index
        %get3A_1045 = arith.constant 16 : index
        %get3A_1046 = tpu.vector_load %arg8[%get3A_1044, %get3A_1045] {strides = array<i32>} : memref<128x64xf32, #tpu.memory_space<vmem>>, vector<16xf32>,
        %mul3A_1047 = arith.constant 8.000000e+00 : f32
        %mul3A_1048 = vector.broadcast %mul3A_1047 : f32 to vector<16xf32>
        %mul3A_1049 = arith.mulf %get3A_1046, %mul3A_1048 : vector<16xf32>
        tpu.vector_store_idx %arg13[%select_n3A_64, %select_n3A_155, %broadcast_in_dim3A_1037], %mul3A_1049 : memref<8x8x129xf32, #tpu.memory_space<vmem>>[vector<16xi32>, vector<16xi32>, vector<16xi32>], vector<16xf32>,
        %get3A_1050 = arith.index_cast %add3A_1036 : i32 to index
        %get3A_1051 = arith.constant 32 : index
        %get3A_1052 = tpu.vector_load %arg8[%get3A_1050, %get3A_1051] {strides = array<i32>} : memref<128x64xf32, #tpu.memory_space<vmem>>, vector<16xf32>,
        %mul3A_1053 = arith.constant 8.000000e+00 : f32
        %mul3A_1054 = vector.broadcast %mul3A_1053 : f32 to vector<16xf32>
        %mul3A_1055 = arith.mulf %get3A_1052, %mul3A_1054 : vector<16xf32>
        tpu.vector_store_idx %arg13[%select_n3A_99, %select_n3A_155, %broadcast_in_dim3A_1037], %mul3A_1055 : memref<8x8x129xf32, #tpu.memory_space<vmem>>[vector<16xi32>, vector<16xi32>, vector<16xi32>], vector<16xf32>,
        %get3A_1056 = arith.index_cast %add3A_1036 : i32 to index
        %get3A_1057 = arith.constant 48 : index
        %get3A_1058 = tpu.vector_load %arg8[%get3A_1056, %get3A_1057] {strides = array<i32>} : memref<128x64xf32, #tpu.memory_space<vmem>>, vector<16xf32>,
        %mul3A_1059 = arith.constant 8.000000e+00 : f32
        %mul3A_1060 = vector.broadcast %mul3A_1059 : f32 to vector<16xf32>
        %mul3A_1061 = arith.mulf %get3A_1058, %mul3A_1060 : vector<16xf32>
        tpu.vector_store_idx %arg13[%select_n3A_134, %select_n3A_155, %broadcast_in_dim3A_1037], %mul3A_1061 : memref<8x8x129xf32, #tpu.memory_space<vmem>>[vector<16xi32>, vector<16xi32>, vector<16xi32>], vector<16xf32>,
      }
      %scan3A_574 = arith.constant 32 : i32
      %mul3A_575 = arith.constant 50 : i32
      %mul3A_576 = arith.muli %add3A, %mul3A_575 : i32
      %add3A_577 = arith.addi %mul3A_576, %add3A_548 : i32
      %jit3A_578 = arith.constant 64 : i32
      %div3A_579 = arith.divsi %add3A_577, %jit3A_578 : i32
      %sign3A_580 = arith.constant 0 : i32
      %sign3A_581 = arith.cmpi sgt, %add3A_577, %sign3A_580 : i32
      %sign3A_582 = arith.extui %sign3A_581 : i1 to i32
      %sign3A_583 = arith.constant 0 : i32
      %sign3A_584 = arith.cmpi slt, %add3A_577, %sign3A_583 : i32
      %sign3A_585 = arith.extui %sign3A_584 : i1 to i32
      %sign3A_586 = arith.subi %sign3A_582, %sign3A_585 : i32
      %sign3A_587 = arith.constant 0 : i32
      %sign3A_588 = arith.cmpi sgt, %jit3A_578, %sign3A_587 : i32
      %sign3A_589 = arith.extui %sign3A_588 : i1 to i32
      %sign3A_590 = arith.constant 0 : i32
      %sign3A_591 = arith.cmpi slt, %jit3A_578, %sign3A_590 : i32
      %sign3A_592 = arith.extui %sign3A_591 : i1 to i32
      %sign3A_593 = arith.subi %sign3A_589, %sign3A_592 : i32
      %ne3A_594 = arith.cmpi ne, %sign3A_586, %sign3A_593 : i32
      %rem3A_595 = arith.remsi %add3A_577, %jit3A_578 : i32
      %ne3A_596 = arith.constant 0 : i32
      %ne3A_597 = arith.cmpi ne, %rem3A_595, %ne3A_596 : i32
      %and3A_598 = arith.andi %ne3A_594, %ne3A_597 : i1
      %sub3A_599 = arith.constant 1 : i32
      %sub3A_600 = arith.subi %div3A_579, %sub3A_599 : i32
      %select_n3A_601 = arith.select %and3A_598, %sub3A_600, %div3A_579 : i32
      %mul3A_602 = arith.constant 8 : i32
      %mul3A_603 = arith.muli %select_n3A_601, %mul3A_602 : i32
      %jit3A_604 = arith.constant 8 : i32
      %eq3A_605 = arith.constant 0 : i32
      %eq3A_606 = arith.cmpi eq, %jit3A_604, %eq3A_605 : i32
      %jit3A_607 = arith.constant 1 : i32
      %select_n3A_608 = arith.select %eq3A_606, %jit3A_607, %jit3A_604 : i32
      %rem3A_609 = arith.remsi %add3A_577, %select_n3A_608 : i32
      %ne3A_610 = arith.constant 0 : i32
      %ne3A_611 = arith.cmpi ne, %rem3A_609, %ne3A_610 : i32
      %lt3A_612 = arith.constant 0 : i32
      %lt3A_613 = arith.cmpi slt, %rem3A_609, %lt3A_612 : i32
      %lt3A_614 = arith.constant 0 : i32
      %lt3A_615 = arith.cmpi slt, %select_n3A_608, %lt3A_614 : i32
      %ne3A_616 = arith.xori %lt3A_613, %lt3A_615 : i1
      %and3A_617 = arith.andi %ne3A_616, %ne3A_611 : i1
      %add3A_618 = arith.addi %rem3A_609, %select_n3A_608 : i32
      %select_n3A_619 = arith.select %and3A_617, %add3A_618, %rem3A_609 : i32
      %add3A_620 = arith.addi %mul3A_603, %select_n3A_619 : i32
      %jit3A_621 = arith.constant 8 : i32
      %div3A_622 = arith.divsi %add3A_577, %jit3A_621 : i32
      %sign3A_623 = arith.constant 0 : i32
      %sign3A_624 = arith.cmpi sgt, %add3A_577, %sign3A_623 : i32
      %sign3A_625 = arith.extui %sign3A_624 : i1 to i32
      %sign3A_626 = arith.constant 0 : i32
      %sign3A_627 = arith.cmpi slt, %add3A_577, %sign3A_626 : i32
      %sign3A_628 = arith.extui %sign3A_627 : i1 to i32
      %sign3A_629 = arith.subi %sign3A_625, %sign3A_628 : i32
      %sign3A_630 = arith.constant 0 : i32
      %sign3A_631 = arith.cmpi sgt, %jit3A_621, %sign3A_630 : i32
      %sign3A_632 = arith.extui %sign3A_631 : i1 to i32
      %sign3A_633 = arith.constant 0 : i32
      %sign3A_634 = arith.cmpi slt, %jit3A_621, %sign3A_633 : i32
      %sign3A_635 = arith.extui %sign3A_634 : i1 to i32
      %sign3A_636 = arith.subi %sign3A_632, %sign3A_635 : i32
      %ne3A_637 = arith.cmpi ne, %sign3A_629, %sign3A_636 : i32
      %rem3A_638 = arith.remsi %add3A_577, %jit3A_621 : i32
      %ne3A_639 = arith.constant 0 : i32
      %ne3A_640 = arith.cmpi ne, %rem3A_638, %ne3A_639 : i32
      %and3A_641 = arith.andi %ne3A_637, %ne3A_640 : i1
      %sub3A_642 = arith.constant 1 : i32
      %sub3A_643 = arith.subi %div3A_622, %sub3A_642 : i32
      %select_n3A_644 = arith.select %and3A_641, %sub3A_643, %div3A_622 : i32
      %jit3A_645 = arith.constant 8 : i32
      %eq3A_646 = arith.constant 0 : i32
      %eq3A_647 = arith.cmpi eq, %jit3A_645, %eq3A_646 : i32
      %jit3A_648 = arith.constant 1 : i32
      %select_n3A_649 = arith.select %eq3A_647, %jit3A_648, %jit3A_645 : i32
      %rem3A_650 = arith.remsi %select_n3A_644, %select_n3A_649 : i32
      %ne3A_651 = arith.constant 0 : i32
      %ne3A_652 = arith.cmpi ne, %rem3A_650, %ne3A_651 : i32
      %lt3A_653 = arith.constant 0 : i32
      %lt3A_654 = arith.cmpi slt, %rem3A_650, %lt3A_653 : i32
      %lt3A_655 = arith.constant 0 : i32
      %lt3A_656 = arith.cmpi slt, %select_n3A_649, %lt3A_655 : i32
      %ne3A_657 = arith.xori %lt3A_654, %lt3A_656 : i1
      %and3A_658 = arith.andi %ne3A_657, %ne3A_652 : i1
      %add3A_659 = arith.addi %rem3A_650, %select_n3A_649 : i32
      %select_n3A_660 = arith.select %and3A_658, %add3A_659, %rem3A_650 : i32
      %dma_start3A_661 = arith.constant 0 : i32
      %dma_start3A_662 = arith.constant 0 : i32
      %dma_start3A_663 = arith.constant 0 : i32
      %dma_start3A_664 = tpu.memref_slice %arg13[%dma_start3A_661, %dma_start3A_662, %dma_start3A_663] : memref<8x8x129xf32, #tpu.memory_space<vmem>> -> memref<8x8x128xf32, #tpu.memory_space<vmem>>
      %dma_start3A_665 = arith.constant 0 : i32
      %dma_start3A_666 = arith.constant 0 : i32
      %dma_start3A_667 = arith.constant 0 : i32
      %dma_start3A_668 = tpu.memref_slice %arg4[%add3A_620, %dma_start3A_665, %select_n3A_660, %dma_start3A_666, %dma_start3A_667] : memref<200x8x8x8x128xf32, #tpu.memory_space<hbm>> -> memref<1x8x1x8x128xf32, #tpu.memory_space<hbm>>
      %dma_start3A_669 = tpu.memref_squeeze %dma_start3A_668 : memref<1x8x1x8x128xf32, #tpu.memory_space<hbm>> -> memref<8x8x128xf32, #tpu.memory_space<hbm>>
      %dma_start3A_670 = arith.constant 0 : i32
      %dma_start3A_671 = arith.constant 0 : i32
      %dma_start3A_672 = arith.constant 0 : i32
      %dma_start3A_673 = tpu.memref_slice %arg4[%add3A_620, %dma_start3A_670, %select_n3A_660, %dma_start3A_671, %dma_start3A_672] : memref<200x8x8x8x128xf32, #tpu.memory_space<hbm>> -> memref<1x8x1x8x128xf32, #tpu.memory_space<hbm>>
      %dma_start3A_674 = tpu.memref_squeeze %dma_start3A_673 : memref<1x8x1x8x128xf32, #tpu.memory_space<hbm>> -> memref<8x8x128xf32, #tpu.memory_space<hbm>>
      %dma_start3A_675 = arith.constant 0 : i32
      %dma_start3A_676 = arith.constant 0 : i32
      %dma_start3A_677 = arith.constant 0 : i32
      %dma_start3A_678 = tpu.memref_slice %arg13[%dma_start3A_675, %dma_start3A_676, %dma_start3A_677] : memref<8x8x129xf32, #tpu.memory_space<vmem>> -> memref<8x8x128xf32, #tpu.memory_space<vmem>>
      tpu.enqueue_dma source(%dma_start3A_678 : memref<8x8x128xf32, #tpu.memory_space<vmem>>) target(%dma_start3A_674 : memref<8x8x128xf32, #tpu.memory_space<hbm>>) target_semaphore(%arg23 : memref<!tpu.dma_semaphore, #tpu.memory_space<semaphore_mem>>)
      %mul3A_679 = arith.constant 5 : i32
      %mul3A_680 = arith.muli %scan3A_279, %mul3A_679 : i32
      %add3A_681 = arith.constant 3 : i32
      %add3A_682 = arith.addi %mul3A_680, %add3A_681 : i32
      %add3A_683 = arith.constant 5 : i32
      %add3A_684 = arith.addi %add3A_682, %add3A_683 : i32
      %sub3A_685 = arith.constant 1 : i32
      %sub3A_686 = arith.subi %add3A_684, %sub3A_685 : i32
      %lt3A_687 = arith.constant 50 : i32
      %lt3A_688 = arith.cmpi slt, %sub3A_686, %lt3A_687 : i32
      %convert_element_type3A_689 = arith.extui %lt3A_688 : i1 to i32
      %cond3A_690 = arith.constant 0 : i32
      %cond3A_691 = arith.cmpi ne, %convert_element_type3A_689, %cond3A_690 : i32
      scf.if %cond3A_691 {
        %mul3A_947 = arith.constant 128 : i32
        %mul3A_948 = arith.muli %sub3A_686, %mul3A_947 : i32
        %dma_start3A_949 = tpu.memref_slice %arg5[%mul3A_948] : memref<6400xi32, #tpu.memory_space<vmem>> -> memref<128xi32, #tpu.memory_space<vmem>>
        %dma_start3A_950 = arith.constant 0 : i32
        %dma_start3A_951 = arith.constant 0 : i32
        %dma_start3A_952 = tpu.memref_slice %arg2[%dma_start3A_950, %dma_start3A_951] : memref<1000000x64xf32, #tpu.memory_space<hbm>> -> memref<1000000x64xf32, #tpu.memory_space<hbm>>
        tpu.enqueue_indirect_dma source(%dma_start3A_952 : memref<1000000x64xf32, #tpu.memory_space<hbm>>) target(%arg8 : memref<128x64xf32, #tpu.memory_space<vmem>>) offsets(%dma_start3A_949 : memref<128xi32, #tpu.memory_space<vmem>>) semaphore(%arg18 : memref<!tpu.dma_semaphore, #tpu.memory_space<semaphore_mem>>)
      } else {
      }
      %dma_wait3A_692 = arith.constant 0 : i32
      %dma_wait3A_693 = arith.constant 0 : i32
      %dma_wait3A_694 = tpu.memref_slice %arg2[%dma_wait3A_692, %dma_wait3A_693] : memref<1000000x64xf32, #tpu.memory_space<hbm>> -> memref<128x64xf32, #tpu.memory_space<hbm>>
      %dma_wait3A_695 = arith.constant 0 : i32
      %dma_wait3A_696 = arith.constant 0 : i32
      %dma_wait3A_697 = tpu.memref_slice %arg2[%dma_wait3A_695, %dma_wait3A_696] : memref<1000000x64xf32, #tpu.memory_space<hbm>> -> memref<128x64xf32, #tpu.memory_space<hbm>>
      tpu.wait_dma2 semaphore(%arg19 : memref<!tpu.dma_semaphore, #tpu.memory_space<semaphore_mem>>) src(%dma_wait3A_697 : memref<128x64xf32, #tpu.memory_space<hbm>>) dst(%arg9 : memref<128x64xf32, #tpu.memory_space<vmem>>)
      %ge3A_698 = arith.constant 5 : i32
      %ge3A_699 = arith.cmpi sge, %add3A_682, %ge3A_698 : i32
      %convert_element_type3A_700 = arith.extui %ge3A_699 : i1 to i32
      %cond3A_701 = arith.constant 0 : i32
      %cond3A_702 = arith.cmpi ne, %convert_element_type3A_700, %cond3A_701 : i32
      scf.if %cond3A_702 {
        %dma_wait3A_947 = arith.constant 0 : i32
        %dma_wait3A_948 = arith.constant 0 : i32
        %dma_wait3A_949 = arith.constant 0 : i32
        %dma_wait3A_950 = arith.constant 0 : i32
        %dma_wait3A_951 = arith.constant 0 : i32
        %dma_wait3A_952 = tpu.memref_slice %arg14[%dma_wait3A_949, %dma_wait3A_950, %dma_wait3A_951] : memref<8x8x129xf32, #tpu.memory_space<vmem>> -> memref<8x8x128xf32, #tpu.memory_space<vmem>>
        %dma_wait3A_953 = arith.constant 0 : i32
        %dma_wait3A_954 = arith.constant 0 : i32
        %dma_wait3A_955 = arith.constant 0 : i32
        %dma_wait3A_956 = tpu.memref_slice %arg4[%dma_wait3A_947, %dma_wait3A_953, %dma_wait3A_948, %dma_wait3A_954, %dma_wait3A_955] : memref<200x8x8x8x128xf32, #tpu.memory_space<hbm>> -> memref<1x8x1x8x128xf32, #tpu.memory_space<hbm>>
        %dma_wait3A_957 = tpu.memref_squeeze %dma_wait3A_956 : memref<1x8x1x8x128xf32, #tpu.memory_space<hbm>> -> memref<8x8x128xf32, #tpu.memory_space<hbm>>
        %dma_wait3A_958 = arith.constant 0 : i32
        %dma_wait3A_959 = arith.constant 0 : i32
        %dma_wait3A_960 = arith.constant 0 : i32
        %dma_wait3A_961 = tpu.memref_slice %arg4[%dma_wait3A_947, %dma_wait3A_958, %dma_wait3A_948, %dma_wait3A_959, %dma_wait3A_960] : memref<200x8x8x8x128xf32, #tpu.memory_space<hbm>> -> memref<1x8x1x8x128xf32, #tpu.memory_space<hbm>>
        %dma_wait3A_962 = tpu.memref_squeeze %dma_wait3A_961 : memref<1x8x1x8x128xf32, #tpu.memory_space<hbm>> -> memref<8x8x128xf32, #tpu.memory_space<hbm>>
        %dma_wait3A_963 = arith.constant 0 : i32
        %dma_wait3A_964 = arith.constant 0 : i32
        %dma_wait3A_965 = arith.constant 0 : i32
        %dma_wait3A_966 = tpu.memref_slice %arg14[%dma_wait3A_963, %dma_wait3A_964, %dma_wait3A_965] : memref<8x8x129xf32, #tpu.memory_space<vmem>> -> memref<8x8x128xf32, #tpu.memory_space<vmem>>
        tpu.wait_dma2 semaphore(%arg24 : memref<!tpu.dma_semaphore, #tpu.memory_space<semaphore_mem>>) src(%dma_wait3A_966 : memref<8x8x128xf32, #tpu.memory_space<vmem>>) dst(%dma_wait3A_962 : memref<8x8x128xf32, #tpu.memory_space<hbm>>)
      } else {
      }
      %scan3A_703 = arith.constant 0 : i32
      %scan3A_704 = arith.constant 0 : i32
      %scan3A_705 = arith.constant 32 : i32
      %scan3A_706 = arith.addi %scan3A_704, %scan3A_705 : i32
      %scan3A_707 = arith.constant 1 : i32
      scf.for %scan3A_947 = %scan3A_704 to %scan3A_706 step %scan3A_707  : i32 {
        %mul3A_948 = arith.constant 4 : i32
        %mul3A_949 = arith.muli %scan3A_947, %mul3A_948 : i32
        %add3A_950 = arith.constant 0 : i32
        %add3A_951 = arith.addi %mul3A_949, %add3A_950 : i32
        %broadcast_in_dim3A = vector.broadcast %add3A_951 : i32 to vector<16xi32>
        %get3A = arith.index_cast %add3A_951 : i32 to index
        %get3A_952 = arith.constant 0 : index
        %get3A_953 = tpu.vector_load %arg9[%get3A, %get3A_952] {strides = array<i32>} : memref<128x64xf32, #tpu.memory_space<vmem>>, vector<16xf32>,
        %mul3A_954 = arith.constant 8.000000e+00 : f32
        %mul3A_955 = vector.broadcast %mul3A_954 : f32 to vector<16xf32>
        %mul3A_956 = arith.mulf %get3A_953, %mul3A_955 : vector<16xf32>
        tpu.vector_store_idx %arg14[%select_n3A, %select_n3A_155, %broadcast_in_dim3A], %mul3A_956 : memref<8x8x129xf32, #tpu.memory_space<vmem>>[vector<16xi32>, vector<16xi32>, vector<16xi32>], vector<16xf32>,
        %get3A_957 = arith.index_cast %add3A_951 : i32 to index
        %get3A_958 = arith.constant 16 : index
        %get3A_959 = tpu.vector_load %arg9[%get3A_957, %get3A_958] {strides = array<i32>} : memref<128x64xf32, #tpu.memory_space<vmem>>, vector<16xf32>,
        %mul3A_960 = arith.constant 8.000000e+00 : f32
        %mul3A_961 = vector.broadcast %mul3A_960 : f32 to vector<16xf32>
        %mul3A_962 = arith.mulf %get3A_959, %mul3A_961 : vector<16xf32>
        tpu.vector_store_idx %arg14[%select_n3A_64, %select_n3A_155, %broadcast_in_dim3A], %mul3A_962 : memref<8x8x129xf32, #tpu.memory_space<vmem>>[vector<16xi32>, vector<16xi32>, vector<16xi32>], vector<16xf32>,
        %get3A_963 = arith.index_cast %add3A_951 : i32 to index
        %get3A_964 = arith.constant 32 : index
        %get3A_965 = tpu.vector_load %arg9[%get3A_963, %get3A_964] {strides = array<i32>} : memref<128x64xf32, #tpu.memory_space<vmem>>, vector<16xf32>,
        %mul3A_966 = arith.constant 8.000000e+00 : f32
        %mul3A_967 = vector.broadcast %mul3A_966 : f32 to vector<16xf32>
        %mul3A_968 = arith.mulf %get3A_965, %mul3A_967 : vector<16xf32>
        tpu.vector_store_idx %arg14[%select_n3A_99, %select_n3A_155, %broadcast_in_dim3A], %mul3A_968 : memref<8x8x129xf32, #tpu.memory_space<vmem>>[vector<16xi32>, vector<16xi32>, vector<16xi32>], vector<16xf32>,
        %get3A_969 = arith.index_cast %add3A_951 : i32 to index
        %get3A_970 = arith.constant 48 : index
        %get3A_971 = tpu.vector_load %arg9[%get3A_969, %get3A_970] {strides = array<i32>} : memref<128x64xf32, #tpu.memory_space<vmem>>, vector<16xf32>,
        %mul3A_972 = arith.constant 8.000000e+00 : f32
        %mul3A_973 = vector.broadcast %mul3A_972 : f32 to vector<16xf32>
        %mul3A_974 = arith.mulf %get3A_971, %mul3A_973 : vector<16xf32>
        tpu.vector_store_idx %arg14[%select_n3A_134, %select_n3A_155, %broadcast_in_dim3A], %mul3A_974 : memref<8x8x129xf32, #tpu.memory_space<vmem>>[vector<16xi32>, vector<16xi32>, vector<16xi32>], vector<16xf32>,
        %mul3A_975 = arith.constant 4 : i32
        %mul3A_976 = arith.muli %scan3A_947, %mul3A_975 : i32
        %add3A_977 = arith.constant 1 : i32
        %add3A_978 = arith.addi %mul3A_976, %add3A_977 : i32
        %broadcast_in_dim3A_979 = vector.broadcast %add3A_978 : i32 to vector<16xi32>
        %get3A_980 = arith.index_cast %add3A_978 : i32 to index
        %get3A_981 = arith.constant 0 : index
        %get3A_982 = tpu.vector_load %arg9[%get3A_980, %get3A_981] {strides = array<i32>} : memref<128x64xf32, #tpu.memory_space<vmem>>, vector<16xf32>,
        %mul3A_983 = arith.constant 8.000000e+00 : f32
        %mul3A_984 = vector.broadcast %mul3A_983 : f32 to vector<16xf32>
        %mul3A_985 = arith.mulf %get3A_982, %mul3A_984 : vector<16xf32>
        tpu.vector_store_idx %arg14[%select_n3A, %select_n3A_155, %broadcast_in_dim3A_979], %mul3A_985 : memref<8x8x129xf32, #tpu.memory_space<vmem>>[vector<16xi32>, vector<16xi32>, vector<16xi32>], vector<16xf32>,
        %get3A_986 = arith.index_cast %add3A_978 : i32 to index
        %get3A_987 = arith.constant 16 : index
        %get3A_988 = tpu.vector_load %arg9[%get3A_986, %get3A_987] {strides = array<i32>} : memref<128x64xf32, #tpu.memory_space<vmem>>, vector<16xf32>,
        %mul3A_989 = arith.constant 8.000000e+00 : f32
        %mul3A_990 = vector.broadcast %mul3A_989 : f32 to vector<16xf32>
        %mul3A_991 = arith.mulf %get3A_988, %mul3A_990 : vector<16xf32>
        tpu.vector_store_idx %arg14[%select_n3A_64, %select_n3A_155, %broadcast_in_dim3A_979], %mul3A_991 : memref<8x8x129xf32, #tpu.memory_space<vmem>>[vector<16xi32>, vector<16xi32>, vector<16xi32>], vector<16xf32>,
        %get3A_992 = arith.index_cast %add3A_978 : i32 to index
        %get3A_993 = arith.constant 32 : index
        %get3A_994 = tpu.vector_load %arg9[%get3A_992, %get3A_993] {strides = array<i32>} : memref<128x64xf32, #tpu.memory_space<vmem>>, vector<16xf32>,
        %mul3A_995 = arith.constant 8.000000e+00 : f32
        %mul3A_996 = vector.broadcast %mul3A_995 : f32 to vector<16xf32>
        %mul3A_997 = arith.mulf %get3A_994, %mul3A_996 : vector<16xf32>
        tpu.vector_store_idx %arg14[%select_n3A_99, %select_n3A_155, %broadcast_in_dim3A_979], %mul3A_997 : memref<8x8x129xf32, #tpu.memory_space<vmem>>[vector<16xi32>, vector<16xi32>, vector<16xi32>], vector<16xf32>,
        %get3A_998 = arith.index_cast %add3A_978 : i32 to index
        %get3A_999 = arith.constant 48 : index
        %get3A_1000 = tpu.vector_load %arg9[%get3A_998, %get3A_999] {strides = array<i32>} : memref<128x64xf32, #tpu.memory_space<vmem>>, vector<16xf32>,
        %mul3A_1001 = arith.constant 8.000000e+00 : f32
        %mul3A_1002 = vector.broadcast %mul3A_1001 : f32 to vector<16xf32>
        %mul3A_1003 = arith.mulf %get3A_1000, %mul3A_1002 : vector<16xf32>
        tpu.vector_store_idx %arg14[%select_n3A_134, %select_n3A_155, %broadcast_in_dim3A_979], %mul3A_1003 : memref<8x8x129xf32, #tpu.memory_space<vmem>>[vector<16xi32>, vector<16xi32>, vector<16xi32>], vector<16xf32>,
        %mul3A_1004 = arith.constant 4 : i32
        %mul3A_1005 = arith.muli %scan3A_947, %mul3A_1004 : i32
        %add3A_1006 = arith.constant 2 : i32
        %add3A_1007 = arith.addi %mul3A_1005, %add3A_1006 : i32
        %broadcast_in_dim3A_1008 = vector.broadcast %add3A_1007 : i32 to vector<16xi32>
        %get3A_1009 = arith.index_cast %add3A_1007 : i32 to index
        %get3A_1010 = arith.constant 0 : index
        %get3A_1011 = tpu.vector_load %arg9[%get3A_1009, %get3A_1010] {strides = array<i32>} : memref<128x64xf32, #tpu.memory_space<vmem>>, vector<16xf32>,
        %mul3A_1012 = arith.constant 8.000000e+00 : f32
        %mul3A_1013 = vector.broadcast %mul3A_1012 : f32 to vector<16xf32>
        %mul3A_1014 = arith.mulf %get3A_1011, %mul3A_1013 : vector<16xf32>
        tpu.vector_store_idx %arg14[%select_n3A, %select_n3A_155, %broadcast_in_dim3A_1008], %mul3A_1014 : memref<8x8x129xf32, #tpu.memory_space<vmem>>[vector<16xi32>, vector<16xi32>, vector<16xi32>], vector<16xf32>,
        %get3A_1015 = arith.index_cast %add3A_1007 : i32 to index
        %get3A_1016 = arith.constant 16 : index
        %get3A_1017 = tpu.vector_load %arg9[%get3A_1015, %get3A_1016] {strides = array<i32>} : memref<128x64xf32, #tpu.memory_space<vmem>>, vector<16xf32>,
        %mul3A_1018 = arith.constant 8.000000e+00 : f32
        %mul3A_1019 = vector.broadcast %mul3A_1018 : f32 to vector<16xf32>
        %mul3A_1020 = arith.mulf %get3A_1017, %mul3A_1019 : vector<16xf32>
        tpu.vector_store_idx %arg14[%select_n3A_64, %select_n3A_155, %broadcast_in_dim3A_1008], %mul3A_1020 : memref<8x8x129xf32, #tpu.memory_space<vmem>>[vector<16xi32>, vector<16xi32>, vector<16xi32>], vector<16xf32>,
        %get3A_1021 = arith.index_cast %add3A_1007 : i32 to index
        %get3A_1022 = arith.constant 32 : index
        %get3A_1023 = tpu.vector_load %arg9[%get3A_1021, %get3A_1022] {strides = array<i32>} : memref<128x64xf32, #tpu.memory_space<vmem>>, vector<16xf32>,
        %mul3A_1024 = arith.constant 8.000000e+00 : f32
        %mul3A_1025 = vector.broadcast %mul3A_1024 : f32 to vector<16xf32>
        %mul3A_1026 = arith.mulf %get3A_1023, %mul3A_1025 : vector<16xf32>
        tpu.vector_store_idx %arg14[%select_n3A_99, %select_n3A_155, %broadcast_in_dim3A_1008], %mul3A_1026 : memref<8x8x129xf32, #tpu.memory_space<vmem>>[vector<16xi32>, vector<16xi32>, vector<16xi32>], vector<16xf32>,
        %get3A_1027 = arith.index_cast %add3A_1007 : i32 to index
        %get3A_1028 = arith.constant 48 : index
        %get3A_1029 = tpu.vector_load %arg9[%get3A_1027, %get3A_1028] {strides = array<i32>} : memref<128x64xf32, #tpu.memory_space<vmem>>, vector<16xf32>,
        %mul3A_1030 = arith.constant 8.000000e+00 : f32
        %mul3A_1031 = vector.broadcast %mul3A_1030 : f32 to vector<16xf32>
        %mul3A_1032 = arith.mulf %get3A_1029, %mul3A_1031 : vector<16xf32>
        tpu.vector_store_idx %arg14[%select_n3A_134, %select_n3A_155, %broadcast_in_dim3A_1008], %mul3A_1032 : memref<8x8x129xf32, #tpu.memory_space<vmem>>[vector<16xi32>, vector<16xi32>, vector<16xi32>], vector<16xf32>,
        %mul3A_1033 = arith.constant 4 : i32
        %mul3A_1034 = arith.muli %scan3A_947, %mul3A_1033 : i32
        %add3A_1035 = arith.constant 3 : i32
        %add3A_1036 = arith.addi %mul3A_1034, %add3A_1035 : i32
        %broadcast_in_dim3A_1037 = vector.broadcast %add3A_1036 : i32 to vector<16xi32>
        %get3A_1038 = arith.index_cast %add3A_1036 : i32 to index
        %get3A_1039 = arith.constant 0 : index
        %get3A_1040 = tpu.vector_load %arg9[%get3A_1038, %get3A_1039] {strides = array<i32>} : memref<128x64xf32, #tpu.memory_space<vmem>>, vector<16xf32>,
        %mul3A_1041 = arith.constant 8.000000e+00 : f32
        %mul3A_1042 = vector.broadcast %mul3A_1041 : f32 to vector<16xf32>
        %mul3A_1043 = arith.mulf %get3A_1040, %mul3A_1042 : vector<16xf32>
        tpu.vector_store_idx %arg14[%select_n3A, %select_n3A_155, %broadcast_in_dim3A_1037], %mul3A_1043 : memref<8x8x129xf32, #tpu.memory_space<vmem>>[vector<16xi32>, vector<16xi32>, vector<16xi32>], vector<16xf32>,
        %get3A_1044 = arith.index_cast %add3A_1036 : i32 to index
        %get3A_1045 = arith.constant 16 : index
        %get3A_1046 = tpu.vector_load %arg9[%get3A_1044, %get3A_1045] {strides = array<i32>} : memref<128x64xf32, #tpu.memory_space<vmem>>, vector<16xf32>,
        %mul3A_1047 = arith.constant 8.000000e+00 : f32
        %mul3A_1048 = vector.broadcast %mul3A_1047 : f32 to vector<16xf32>
        %mul3A_1049 = arith.mulf %get3A_1046, %mul3A_1048 : vector<16xf32>
        tpu.vector_store_idx %arg14[%select_n3A_64, %select_n3A_155, %broadcast_in_dim3A_1037], %mul3A_1049 : memref<8x8x129xf32, #tpu.memory_space<vmem>>[vector<16xi32>, vector<16xi32>, vector<16xi32>], vector<16xf32>,
        %get3A_1050 = arith.index_cast %add3A_1036 : i32 to index
        %get3A_1051 = arith.constant 32 : index
        %get3A_1052 = tpu.vector_load %arg9[%get3A_1050, %get3A_1051] {strides = array<i32>} : memref<128x64xf32, #tpu.memory_space<vmem>>, vector<16xf32>,
        %mul3A_1053 = arith.constant 8.000000e+00 : f32
        %mul3A_1054 = vector.broadcast %mul3A_1053 : f32 to vector<16xf32>
        %mul3A_1055 = arith.mulf %get3A_1052, %mul3A_1054 : vector<16xf32>
        tpu.vector_store_idx %arg14[%select_n3A_99, %select_n3A_155, %broadcast_in_dim3A_1037], %mul3A_1055 : memref<8x8x129xf32, #tpu.memory_space<vmem>>[vector<16xi32>, vector<16xi32>, vector<16xi32>], vector<16xf32>,
        %get3A_1056 = arith.index_cast %add3A_1036 : i32 to index
        %get3A_1057 = arith.constant 48 : index
        %get3A_1058 = tpu.vector_load %arg9[%get3A_1056, %get3A_1057] {strides = array<i32>} : memref<128x64xf32, #tpu.memory_space<vmem>>, vector<16xf32>,
        %mul3A_1059 = arith.constant 8.000000e+00 : f32
        %mul3A_1060 = vector.broadcast %mul3A_1059 : f32 to vector<16xf32>
        %mul3A_1061 = arith.mulf %get3A_1058, %mul3A_1060 : vector<16xf32>
        tpu.vector_store_idx %arg14[%select_n3A_134, %select_n3A_155, %broadcast_in_dim3A_1037], %mul3A_1061 : memref<8x8x129xf32, #tpu.memory_space<vmem>>[vector<16xi32>, vector<16xi32>, vector<16xi32>], vector<16xf32>,
      }
      %scan3A_708 = arith.constant 32 : i32
      %mul3A_709 = arith.constant 50 : i32
      %mul3A_710 = arith.muli %add3A, %mul3A_709 : i32
      %add3A_711 = arith.addi %mul3A_710, %add3A_682 : i32
      %jit3A_712 = arith.constant 64 : i32
      %div3A_713 = arith.divsi %add3A_711, %jit3A_712 : i32
      %sign3A_714 = arith.constant 0 : i32
      %sign3A_715 = arith.cmpi sgt, %add3A_711, %sign3A_714 : i32
      %sign3A_716 = arith.extui %sign3A_715 : i1 to i32
      %sign3A_717 = arith.constant 0 : i32
      %sign3A_718 = arith.cmpi slt, %add3A_711, %sign3A_717 : i32
      %sign3A_719 = arith.extui %sign3A_718 : i1 to i32
      %sign3A_720 = arith.subi %sign3A_716, %sign3A_719 : i32
      %sign3A_721 = arith.constant 0 : i32
      %sign3A_722 = arith.cmpi sgt, %jit3A_712, %sign3A_721 : i32
      %sign3A_723 = arith.extui %sign3A_722 : i1 to i32
      %sign3A_724 = arith.constant 0 : i32
      %sign3A_725 = arith.cmpi slt, %jit3A_712, %sign3A_724 : i32
      %sign3A_726 = arith.extui %sign3A_725 : i1 to i32
      %sign3A_727 = arith.subi %sign3A_723, %sign3A_726 : i32
      %ne3A_728 = arith.cmpi ne, %sign3A_720, %sign3A_727 : i32
      %rem3A_729 = arith.remsi %add3A_711, %jit3A_712 : i32
      %ne3A_730 = arith.constant 0 : i32
      %ne3A_731 = arith.cmpi ne, %rem3A_729, %ne3A_730 : i32
      %and3A_732 = arith.andi %ne3A_728, %ne3A_731 : i1
      %sub3A_733 = arith.constant 1 : i32
      %sub3A_734 = arith.subi %div3A_713, %sub3A_733 : i32
      %select_n3A_735 = arith.select %and3A_732, %sub3A_734, %div3A_713 : i32
      %mul3A_736 = arith.constant 8 : i32
      %mul3A_737 = arith.muli %select_n3A_735, %mul3A_736 : i32
      %jit3A_738 = arith.constant 8 : i32
      %eq3A_739 = arith.constant 0 : i32
      %eq3A_740 = arith.cmpi eq, %jit3A_738, %eq3A_739 : i32
      %jit3A_741 = arith.constant 1 : i32
      %select_n3A_742 = arith.select %eq3A_740, %jit3A_741, %jit3A_738 : i32
      %rem3A_743 = arith.remsi %add3A_711, %select_n3A_742 : i32
      %ne3A_744 = arith.constant 0 : i32
      %ne3A_745 = arith.cmpi ne, %rem3A_743, %ne3A_744 : i32
      %lt3A_746 = arith.constant 0 : i32
      %lt3A_747 = arith.cmpi slt, %rem3A_743, %lt3A_746 : i32
      %lt3A_748 = arith.constant 0 : i32
      %lt3A_749 = arith.cmpi slt, %select_n3A_742, %lt3A_748 : i32
      %ne3A_750 = arith.xori %lt3A_747, %lt3A_749 : i1
      %and3A_751 = arith.andi %ne3A_750, %ne3A_745 : i1
      %add3A_752 = arith.addi %rem3A_743, %select_n3A_742 : i32
      %select_n3A_753 = arith.select %and3A_751, %add3A_752, %rem3A_743 : i32
      %add3A_754 = arith.addi %mul3A_737, %select_n3A_753 : i32
      %jit3A_755 = arith.constant 8 : i32
      %div3A_756 = arith.divsi %add3A_711, %jit3A_755 : i32
      %sign3A_757 = arith.constant 0 : i32
      %sign3A_758 = arith.cmpi sgt, %add3A_711, %sign3A_757 : i32
      %sign3A_759 = arith.extui %sign3A_758 : i1 to i32
      %sign3A_760 = arith.constant 0 : i32
      %sign3A_761 = arith.cmpi slt, %add3A_711, %sign3A_760 : i32
      %sign3A_762 = arith.extui %sign3A_761 : i1 to i32
      %sign3A_763 = arith.subi %sign3A_759, %sign3A_762 : i32
      %sign3A_764 = arith.constant 0 : i32
      %sign3A_765 = arith.cmpi sgt, %jit3A_755, %sign3A_764 : i32
      %sign3A_766 = arith.extui %sign3A_765 : i1 to i32
      %sign3A_767 = arith.constant 0 : i32
      %sign3A_768 = arith.cmpi slt, %jit3A_755, %sign3A_767 : i32
      %sign3A_769 = arith.extui %sign3A_768 : i1 to i32
      %sign3A_770 = arith.subi %sign3A_766, %sign3A_769 : i32
      %ne3A_771 = arith.cmpi ne, %sign3A_763, %sign3A_770 : i32
      %rem3A_772 = arith.remsi %add3A_711, %jit3A_755 : i32
      %ne3A_773 = arith.constant 0 : i32
      %ne3A_774 = arith.cmpi ne, %rem3A_772, %ne3A_773 : i32
      %and3A_775 = arith.andi %ne3A_771, %ne3A_774 : i1
      %sub3A_776 = arith.constant 1 : i32
      %sub3A_777 = arith.subi %div3A_756, %sub3A_776 : i32
      %select_n3A_778 = arith.select %and3A_775, %sub3A_777, %div3A_756 : i32
      %jit3A_779 = arith.constant 8 : i32
      %eq3A_780 = arith.constant 0 : i32
      %eq3A_781 = arith.cmpi eq, %jit3A_779, %eq3A_780 : i32
      %jit3A_782 = arith.constant 1 : i32
      %select_n3A_783 = arith.select %eq3A_781, %jit3A_782, %jit3A_779 : i32
      %rem3A_784 = arith.remsi %select_n3A_778, %select_n3A_783 : i32
      %ne3A_785 = arith.constant 0 : i32
      %ne3A_786 = arith.cmpi ne, %rem3A_784, %ne3A_785 : i32
      %lt3A_787 = arith.constant 0 : i32
      %lt3A_788 = arith.cmpi slt, %rem3A_784, %lt3A_787 : i32
      %lt3A_789 = arith.constant 0 : i32
      %lt3A_790 = arith.cmpi slt, %select_n3A_783, %lt3A_789 : i32
      %ne3A_791 = arith.xori %lt3A_788, %lt3A_790 : i1
      %and3A_792 = arith.andi %ne3A_791, %ne3A_786 : i1
      %add3A_793 = arith.addi %rem3A_784, %select_n3A_783 : i32
      %select_n3A_794 = arith.select %and3A_792, %add3A_793, %rem3A_784 : i32
      %dma_start3A_795 = arith.constant 0 : i32
      %dma_start3A_796 = arith.constant 0 : i32
      %dma_start3A_797 = arith.constant 0 : i32
      %dma_start3A_798 = tpu.memref_slice %arg14[%dma_start3A_795, %dma_start3A_796, %dma_start3A_797] : memref<8x8x129xf32, #tpu.memory_space<vmem>> -> memref<8x8x128xf32, #tpu.memory_space<vmem>>
      %dma_start3A_799 = arith.constant 0 : i32
      %dma_start3A_800 = arith.constant 0 : i32
      %dma_start3A_801 = arith.constant 0 : i32
      %dma_start3A_802 = tpu.memref_slice %arg4[%add3A_754, %dma_start3A_799, %select_n3A_794, %dma_start3A_800, %dma_start3A_801] : memref<200x8x8x8x128xf32, #tpu.memory_space<hbm>> -> memref<1x8x1x8x128xf32, #tpu.memory_space<hbm>>
      %dma_start3A_803 = tpu.memref_squeeze %dma_start3A_802 : memref<1x8x1x8x128xf32, #tpu.memory_space<hbm>> -> memref<8x8x128xf32, #tpu.memory_space<hbm>>
      %dma_start3A_804 = arith.constant 0 : i32
      %dma_start3A_805 = arith.constant 0 : i32
      %dma_start3A_806 = arith.constant 0 : i32
      %dma_start3A_807 = tpu.memref_slice %arg4[%add3A_754, %dma_start3A_804, %select_n3A_794, %dma_start3A_805, %dma_start3A_806] : memref<200x8x8x8x128xf32, #tpu.memory_space<hbm>> -> memref<1x8x1x8x128xf32, #tpu.memory_space<hbm>>
      %dma_start3A_808 = tpu.memref_squeeze %dma_start3A_807 : memref<1x8x1x8x128xf32, #tpu.memory_space<hbm>> -> memref<8x8x128xf32, #tpu.memory_space<hbm>>
      %dma_start3A_809 = arith.constant 0 : i32
      %dma_start3A_810 = arith.constant 0 : i32
      %dma_start3A_811 = arith.constant 0 : i32
      %dma_start3A_812 = tpu.memref_slice %arg14[%dma_start3A_809, %dma_start3A_810, %dma_start3A_811] : memref<8x8x129xf32, #tpu.memory_space<vmem>> -> memref<8x8x128xf32, #tpu.memory_space<vmem>>
      tpu.enqueue_dma source(%dma_start3A_812 : memref<8x8x128xf32, #tpu.memory_space<vmem>>) target(%dma_start3A_808 : memref<8x8x128xf32, #tpu.memory_space<hbm>>) target_semaphore(%arg24 : memref<!tpu.dma_semaphore, #tpu.memory_space<semaphore_mem>>)
      %mul3A_813 = arith.constant 5 : i32
      %mul3A_814 = arith.muli %scan3A_279, %mul3A_813 : i32
      %add3A_815 = arith.constant 4 : i32
      %add3A_816 = arith.addi %mul3A_814, %add3A_815 : i32
      %add3A_817 = arith.constant 5 : i32
      %add3A_818 = arith.addi %add3A_816, %add3A_817 : i32
      %sub3A_819 = arith.constant 1 : i32
      %sub3A_820 = arith.subi %add3A_818, %sub3A_819 : i32
      %lt3A_821 = arith.constant 50 : i32
      %lt3A_822 = arith.cmpi slt, %sub3A_820, %lt3A_821 : i32
      %convert_element_type3A_823 = arith.extui %lt3A_822 : i1 to i32
      %cond3A_824 = arith.constant 0 : i32
      %cond3A_825 = arith.cmpi ne, %convert_element_type3A_823, %cond3A_824 : i32
      scf.if %cond3A_825 {
        %mul3A_947 = arith.constant 128 : i32
        %mul3A_948 = arith.muli %sub3A_820, %mul3A_947 : i32
        %dma_start3A_949 = tpu.memref_slice %arg5[%mul3A_948] : memref<6400xi32, #tpu.memory_space<vmem>> -> memref<128xi32, #tpu.memory_space<vmem>>
        %dma_start3A_950 = arith.constant 0 : i32
        %dma_start3A_951 = arith.constant 0 : i32
        %dma_start3A_952 = tpu.memref_slice %arg2[%dma_start3A_950, %dma_start3A_951] : memref<1000000x64xf32, #tpu.memory_space<hbm>> -> memref<1000000x64xf32, #tpu.memory_space<hbm>>
        tpu.enqueue_indirect_dma source(%dma_start3A_952 : memref<1000000x64xf32, #tpu.memory_space<hbm>>) target(%arg9 : memref<128x64xf32, #tpu.memory_space<vmem>>) offsets(%dma_start3A_949 : memref<128xi32, #tpu.memory_space<vmem>>) semaphore(%arg19 : memref<!tpu.dma_semaphore, #tpu.memory_space<semaphore_mem>>)
      } else {
      }
      %dma_wait3A_826 = arith.constant 0 : i32
      %dma_wait3A_827 = arith.constant 0 : i32
      %dma_wait3A_828 = tpu.memref_slice %arg2[%dma_wait3A_826, %dma_wait3A_827] : memref<1000000x64xf32, #tpu.memory_space<hbm>> -> memref<128x64xf32, #tpu.memory_space<hbm>>
      %dma_wait3A_829 = arith.constant 0 : i32
      %dma_wait3A_830 = arith.constant 0 : i32
      %dma_wait3A_831 = tpu.memref_slice %arg2[%dma_wait3A_829, %dma_wait3A_830] : memref<1000000x64xf32, #tpu.memory_space<hbm>> -> memref<128x64xf32, #tpu.memory_space<hbm>>
      tpu.wait_dma2 semaphore(%arg20 : memref<!tpu.dma_semaphore, #tpu.memory_space<semaphore_mem>>) src(%dma_wait3A_831 : memref<128x64xf32, #tpu.memory_space<hbm>>) dst(%arg10 : memref<128x64xf32, #tpu.memory_space<vmem>>)
      %ge3A_832 = arith.constant 5 : i32
      %ge3A_833 = arith.cmpi sge, %add3A_816, %ge3A_832 : i32
      %convert_element_type3A_834 = arith.extui %ge3A_833 : i1 to i32
      %cond3A_835 = arith.constant 0 : i32
      %cond3A_836 = arith.cmpi ne, %convert_element_type3A_834, %cond3A_835 : i32
      scf.if %cond3A_836 {
        %dma_wait3A_947 = arith.constant 0 : i32
        %dma_wait3A_948 = arith.constant 0 : i32
        %dma_wait3A_949 = arith.constant 0 : i32
        %dma_wait3A_950 = arith.constant 0 : i32
        %dma_wait3A_951 = arith.constant 0 : i32
        %dma_wait3A_952 = tpu.memref_slice %arg15[%dma_wait3A_949, %dma_wait3A_950, %dma_wait3A_951] : memref<8x8x129xf32, #tpu.memory_space<vmem>> -> memref<8x8x128xf32, #tpu.memory_space<vmem>>
        %dma_wait3A_953 = arith.constant 0 : i32
        %dma_wait3A_954 = arith.constant 0 : i32
        %dma_wait3A_955 = arith.constant 0 : i32
        %dma_wait3A_956 = tpu.memref_slice %arg4[%dma_wait3A_947, %dma_wait3A_953, %dma_wait3A_948, %dma_wait3A_954, %dma_wait3A_955] : memref<200x8x8x8x128xf32, #tpu.memory_space<hbm>> -> memref<1x8x1x8x128xf32, #tpu.memory_space<hbm>>
        %dma_wait3A_957 = tpu.memref_squeeze %dma_wait3A_956 : memref<1x8x1x8x128xf32, #tpu.memory_space<hbm>> -> memref<8x8x128xf32, #tpu.memory_space<hbm>>
        %dma_wait3A_958 = arith.constant 0 : i32
        %dma_wait3A_959 = arith.constant 0 : i32
        %dma_wait3A_960 = arith.constant 0 : i32
        %dma_wait3A_961 = tpu.memref_slice %arg4[%dma_wait3A_947, %dma_wait3A_958, %dma_wait3A_948, %dma_wait3A_959, %dma_wait3A_960] : memref<200x8x8x8x128xf32, #tpu.memory_space<hbm>> -> memref<1x8x1x8x128xf32, #tpu.memory_space<hbm>>
        %dma_wait3A_962 = tpu.memref_squeeze %dma_wait3A_961 : memref<1x8x1x8x128xf32, #tpu.memory_space<hbm>> -> memref<8x8x128xf32, #tpu.memory_space<hbm>>
        %dma_wait3A_963 = arith.constant 0 : i32
        %dma_wait3A_964 = arith.constant 0 : i32
        %dma_wait3A_965 = arith.constant 0 : i32
        %dma_wait3A_966 = tpu.memref_slice %arg15[%dma_wait3A_963, %dma_wait3A_964, %dma_wait3A_965] : memref<8x8x129xf32, #tpu.memory_space<vmem>> -> memref<8x8x128xf32, #tpu.memory_space<vmem>>
        tpu.wait_dma2 semaphore(%arg25 : memref<!tpu.dma_semaphore, #tpu.memory_space<semaphore_mem>>) src(%dma_wait3A_966 : memref<8x8x128xf32, #tpu.memory_space<vmem>>) dst(%dma_wait3A_962 : memref<8x8x128xf32, #tpu.memory_space<hbm>>)
      } else {
      }
      %scan3A_837 = arith.constant 0 : i32
      %scan3A_838 = arith.constant 0 : i32
      %scan3A_839 = arith.constant 32 : i32
      %scan3A_840 = arith.addi %scan3A_838, %scan3A_839 : i32
      %scan3A_841 = arith.constant 1 : i32
      scf.for %scan3A_947 = %scan3A_838 to %scan3A_840 step %scan3A_841  : i32 {
        %mul3A_948 = arith.constant 4 : i32
        %mul3A_949 = arith.muli %scan3A_947, %mul3A_948 : i32
        %add3A_950 = arith.constant 0 : i32
        %add3A_951 = arith.addi %mul3A_949, %add3A_950 : i32
        %broadcast_in_dim3A = vector.broadcast %add3A_951 : i32 to vector<16xi32>
        %get3A = arith.index_cast %add3A_951 : i32 to index
        %get3A_952 = arith.constant 0 : index
        %get3A_953 = tpu.vector_load %arg10[%get3A, %get3A_952] {strides = array<i32>} : memref<128x64xf32, #tpu.memory_space<vmem>>, vector<16xf32>,
        %mul3A_954 = arith.constant 8.000000e+00 : f32
        %mul3A_955 = vector.broadcast %mul3A_954 : f32 to vector<16xf32>
        %mul3A_956 = arith.mulf %get3A_953, %mul3A_955 : vector<16xf32>
        tpu.vector_store_idx %arg15[%select_n3A, %select_n3A_155, %broadcast_in_dim3A], %mul3A_956 : memref<8x8x129xf32, #tpu.memory_space<vmem>>[vector<16xi32>, vector<16xi32>, vector<16xi32>], vector<16xf32>,
        %get3A_957 = arith.index_cast %add3A_951 : i32 to index
        %get3A_958 = arith.constant 16 : index
        %get3A_959 = tpu.vector_load %arg10[%get3A_957, %get3A_958] {strides = array<i32>} : memref<128x64xf32, #tpu.memory_space<vmem>>, vector<16xf32>,
        %mul3A_960 = arith.constant 8.000000e+00 : f32
        %mul3A_961 = vector.broadcast %mul3A_960 : f32 to vector<16xf32>
        %mul3A_962 = arith.mulf %get3A_959, %mul3A_961 : vector<16xf32>
        tpu.vector_store_idx %arg15[%select_n3A_64, %select_n3A_155, %broadcast_in_dim3A], %mul3A_962 : memref<8x8x129xf32, #tpu.memory_space<vmem>>[vector<16xi32>, vector<16xi32>, vector<16xi32>], vector<16xf32>,
        %get3A_963 = arith.index_cast %add3A_951 : i32 to index
        %get3A_964 = arith.constant 32 : index
        %get3A_965 = tpu.vector_load %arg10[%get3A_963, %get3A_964] {strides = array<i32>} : memref<128x64xf32, #tpu.memory_space<vmem>>, vector<16xf32>,
        %mul3A_966 = arith.constant 8.000000e+00 : f32
        %mul3A_967 = vector.broadcast %mul3A_966 : f32 to vector<16xf32>
        %mul3A_968 = arith.mulf %get3A_965, %mul3A_967 : vector<16xf32>
        tpu.vector_store_idx %arg15[%select_n3A_99, %select_n3A_155, %broadcast_in_dim3A], %mul3A_968 : memref<8x8x129xf32, #tpu.memory_space<vmem>>[vector<16xi32>, vector<16xi32>, vector<16xi32>], vector<16xf32>,
        %get3A_969 = arith.index_cast %add3A_951 : i32 to index
        %get3A_970 = arith.constant 48 : index
        %get3A_971 = tpu.vector_load %arg10[%get3A_969, %get3A_970] {strides = array<i32>} : memref<128x64xf32, #tpu.memory_space<vmem>>, vector<16xf32>,
        %mul3A_972 = arith.constant 8.000000e+00 : f32
        %mul3A_973 = vector.broadcast %mul3A_972 : f32 to vector<16xf32>
        %mul3A_974 = arith.mulf %get3A_971, %mul3A_973 : vector<16xf32>
        tpu.vector_store_idx %arg15[%select_n3A_134, %select_n3A_155, %broadcast_in_dim3A], %mul3A_974 : memref<8x8x129xf32, #tpu.memory_space<vmem>>[vector<16xi32>, vector<16xi32>, vector<16xi32>], vector<16xf32>,
        %mul3A_975 = arith.constant 4 : i32
        %mul3A_976 = arith.muli %scan3A_947, %mul3A_975 : i32
        %add3A_977 = arith.constant 1 : i32
        %add3A_978 = arith.addi %mul3A_976, %add3A_977 : i32
        %broadcast_in_dim3A_979 = vector.broadcast %add3A_978 : i32 to vector<16xi32>
        %get3A_980 = arith.index_cast %add3A_978 : i32 to index
        %get3A_981 = arith.constant 0 : index
        %get3A_982 = tpu.vector_load %arg10[%get3A_980, %get3A_981] {strides = array<i32>} : memref<128x64xf32, #tpu.memory_space<vmem>>, vector<16xf32>,
        %mul3A_983 = arith.constant 8.000000e+00 : f32
        %mul3A_984 = vector.broadcast %mul3A_983 : f32 to vector<16xf32>
        %mul3A_985 = arith.mulf %get3A_982, %mul3A_984 : vector<16xf32>
        tpu.vector_store_idx %arg15[%select_n3A, %select_n3A_155, %broadcast_in_dim3A_979], %mul3A_985 : memref<8x8x129xf32, #tpu.memory_space<vmem>>[vector<16xi32>, vector<16xi32>, vector<16xi32>], vector<16xf32>,
        %get3A_986 = arith.index_cast %add3A_978 : i32 to index
        %get3A_987 = arith.constant 16 : index
        %get3A_988 = tpu.vector_load %arg10[%get3A_986, %get3A_987] {strides = array<i32>} : memref<128x64xf32, #tpu.memory_space<vmem>>, vector<16xf32>,
        %mul3A_989 = arith.constant 8.000000e+00 : f32
        %mul3A_990 = vector.broadcast %mul3A_989 : f32 to vector<16xf32>
        %mul3A_991 = arith.mulf %get3A_988, %mul3A_990 : vector<16xf32>
        tpu.vector_store_idx %arg15[%select_n3A_64, %select_n3A_155, %broadcast_in_dim3A_979], %mul3A_991 : memref<8x8x129xf32, #tpu.memory_space<vmem>>[vector<16xi32>, vector<16xi32>, vector<16xi32>], vector<16xf32>,
        %get3A_992 = arith.index_cast %add3A_978 : i32 to index
        %get3A_993 = arith.constant 32 : index
        %get3A_994 = tpu.vector_load %arg10[%get3A_992, %get3A_993] {strides = array<i32>} : memref<128x64xf32, #tpu.memory_space<vmem>>, vector<16xf32>,
        %mul3A_995 = arith.constant 8.000000e+00 : f32
        %mul3A_996 = vector.broadcast %mul3A_995 : f32 to vector<16xf32>
        %mul3A_997 = arith.mulf %get3A_994, %mul3A_996 : vector<16xf32>
        tpu.vector_store_idx %arg15[%select_n3A_99, %select_n3A_155, %broadcast_in_dim3A_979], %mul3A_997 : memref<8x8x129xf32, #tpu.memory_space<vmem>>[vector<16xi32>, vector<16xi32>, vector<16xi32>], vector<16xf32>,
        %get3A_998 = arith.index_cast %add3A_978 : i32 to index
        %get3A_999 = arith.constant 48 : index
        %get3A_1000 = tpu.vector_load %arg10[%get3A_998, %get3A_999] {strides = array<i32>} : memref<128x64xf32, #tpu.memory_space<vmem>>, vector<16xf32>,
        %mul3A_1001 = arith.constant 8.000000e+00 : f32
        %mul3A_1002 = vector.broadcast %mul3A_1001 : f32 to vector<16xf32>
        %mul3A_1003 = arith.mulf %get3A_1000, %mul3A_1002 : vector<16xf32>
        tpu.vector_store_idx %arg15[%select_n3A_134, %select_n3A_155, %broadcast_in_dim3A_979], %mul3A_1003 : memref<8x8x129xf32, #tpu.memory_space<vmem>>[vector<16xi32>, vector<16xi32>, vector<16xi32>], vector<16xf32>,
        %mul3A_1004 = arith.constant 4 : i32
        %mul3A_1005 = arith.muli %scan3A_947, %mul3A_1004 : i32
        %add3A_1006 = arith.constant 2 : i32
        %add3A_1007 = arith.addi %mul3A_1005, %add3A_1006 : i32
        %broadcast_in_dim3A_1008 = vector.broadcast %add3A_1007 : i32 to vector<16xi32>
        %get3A_1009 = arith.index_cast %add3A_1007 : i32 to index
        %get3A_1010 = arith.constant 0 : index
        %get3A_1011 = tpu.vector_load %arg10[%get3A_1009, %get3A_1010] {strides = array<i32>} : memref<128x64xf32, #tpu.memory_space<vmem>>, vector<16xf32>,
        %mul3A_1012 = arith.constant 8.000000e+00 : f32
        %mul3A_1013 = vector.broadcast %mul3A_1012 : f32 to vector<16xf32>
        %mul3A_1014 = arith.mulf %get3A_1011, %mul3A_1013 : vector<16xf32>
        tpu.vector_store_idx %arg15[%select_n3A, %select_n3A_155, %broadcast_in_dim3A_1008], %mul3A_1014 : memref<8x8x129xf32, #tpu.memory_space<vmem>>[vector<16xi32>, vector<16xi32>, vector<16xi32>], vector<16xf32>,
        %get3A_1015 = arith.index_cast %add3A_1007 : i32 to index
        %get3A_1016 = arith.constant 16 : index
        %get3A_1017 = tpu.vector_load %arg10[%get3A_1015, %get3A_1016] {strides = array<i32>} : memref<128x64xf32, #tpu.memory_space<vmem>>, vector<16xf32>,
        %mul3A_1018 = arith.constant 8.000000e+00 : f32
        %mul3A_1019 = vector.broadcast %mul3A_1018 : f32 to vector<16xf32>
        %mul3A_1020 = arith.mulf %get3A_1017, %mul3A_1019 : vector<16xf32>
        tpu.vector_store_idx %arg15[%select_n3A_64, %select_n3A_155, %broadcast_in_dim3A_1008], %mul3A_1020 : memref<8x8x129xf32, #tpu.memory_space<vmem>>[vector<16xi32>, vector<16xi32>, vector<16xi32>], vector<16xf32>,
        %get3A_1021 = arith.index_cast %add3A_1007 : i32 to index
        %get3A_1022 = arith.constant 32 : index
        %get3A_1023 = tpu.vector_load %arg10[%get3A_1021, %get3A_1022] {strides = array<i32>} : memref<128x64xf32, #tpu.memory_space<vmem>>, vector<16xf32>,
        %mul3A_1024 = arith.constant 8.000000e+00 : f32
        %mul3A_1025 = vector.broadcast %mul3A_1024 : f32 to vector<16xf32>
        %mul3A_1026 = arith.mulf %get3A_1023, %mul3A_1025 : vector<16xf32>
        tpu.vector_store_idx %arg15[%select_n3A_99, %select_n3A_155, %broadcast_in_dim3A_1008], %mul3A_1026 : memref<8x8x129xf32, #tpu.memory_space<vmem>>[vector<16xi32>, vector<16xi32>, vector<16xi32>], vector<16xf32>,
        %get3A_1027 = arith.index_cast %add3A_1007 : i32 to index
        %get3A_1028 = arith.constant 48 : index
        %get3A_1029 = tpu.vector_load %arg10[%get3A_1027, %get3A_1028] {strides = array<i32>} : memref<128x64xf32, #tpu.memory_space<vmem>>, vector<16xf32>,
        %mul3A_1030 = arith.constant 8.000000e+00 : f32
        %mul3A_1031 = vector.broadcast %mul3A_1030 : f32 to vector<16xf32>
        %mul3A_1032 = arith.mulf %get3A_1029, %mul3A_1031 : vector<16xf32>
        tpu.vector_store_idx %arg15[%select_n3A_134, %select_n3A_155, %broadcast_in_dim3A_1008], %mul3A_1032 : memref<8x8x129xf32, #tpu.memory_space<vmem>>[vector<16xi32>, vector<16xi32>, vector<16xi32>], vector<16xf32>,
        %mul3A_1033 = arith.constant 4 : i32
        %mul3A_1034 = arith.muli %scan3A_947, %mul3A_1033 : i32
        %add3A_1035 = arith.constant 3 : i32
        %add3A_1036 = arith.addi %mul3A_1034, %add3A_1035 : i32
        %broadcast_in_dim3A_1037 = vector.broadcast %add3A_1036 : i32 to vector<16xi32>
        %get3A_1038 = arith.index_cast %add3A_1036 : i32 to index
        %get3A_1039 = arith.constant 0 : index
        %get3A_1040 = tpu.vector_load %arg10[%get3A_1038, %get3A_1039] {strides = array<i32>} : memref<128x64xf32, #tpu.memory_space<vmem>>, vector<16xf32>,
        %mul3A_1041 = arith.constant 8.000000e+00 : f32
        %mul3A_1042 = vector.broadcast %mul3A_1041 : f32 to vector<16xf32>
        %mul3A_1043 = arith.mulf %get3A_1040, %mul3A_1042 : vector<16xf32>
        tpu.vector_store_idx %arg15[%select_n3A, %select_n3A_155, %broadcast_in_dim3A_1037], %mul3A_1043 : memref<8x8x129xf32, #tpu.memory_space<vmem>>[vector<16xi32>, vector<16xi32>, vector<16xi32>], vector<16xf32>,
        %get3A_1044 = arith.index_cast %add3A_1036 : i32 to index
        %get3A_1045 = arith.constant 16 : index
        %get3A_1046 = tpu.vector_load %arg10[%get3A_1044, %get3A_1045] {strides = array<i32>} : memref<128x64xf32, #tpu.memory_space<vmem>>, vector<16xf32>,
        %mul3A_1047 = arith.constant 8.000000e+00 : f32
        %mul3A_1048 = vector.broadcast %mul3A_1047 : f32 to vector<16xf32>
        %mul3A_1049 = arith.mulf %get3A_1046, %mul3A_1048 : vector<16xf32>
        tpu.vector_store_idx %arg15[%select_n3A_64, %select_n3A_155, %broadcast_in_dim3A_1037], %mul3A_1049 : memref<8x8x129xf32, #tpu.memory_space<vmem>>[vector<16xi32>, vector<16xi32>, vector<16xi32>], vector<16xf32>,
        %get3A_1050 = arith.index_cast %add3A_1036 : i32 to index
        %get3A_1051 = arith.constant 32 : index
        %get3A_1052 = tpu.vector_load %arg10[%get3A_1050, %get3A_1051] {strides = array<i32>} : memref<128x64xf32, #tpu.memory_space<vmem>>, vector<16xf32>,
        %mul3A_1053 = arith.constant 8.000000e+00 : f32
        %mul3A_1054 = vector.broadcast %mul3A_1053 : f32 to vector<16xf32>
        %mul3A_1055 = arith.mulf %get3A_1052, %mul3A_1054 : vector<16xf32>
        tpu.vector_store_idx %arg15[%select_n3A_99, %select_n3A_155, %broadcast_in_dim3A_1037], %mul3A_1055 : memref<8x8x129xf32, #tpu.memory_space<vmem>>[vector<16xi32>, vector<16xi32>, vector<16xi32>], vector<16xf32>,
        %get3A_1056 = arith.index_cast %add3A_1036 : i32 to index
        %get3A_1057 = arith.constant 48 : index
        %get3A_1058 = tpu.vector_load %arg10[%get3A_1056, %get3A_1057] {strides = array<i32>} : memref<128x64xf32, #tpu.memory_space<vmem>>, vector<16xf32>,
        %mul3A_1059 = arith.constant 8.000000e+00 : f32
        %mul3A_1060 = vector.broadcast %mul3A_1059 : f32 to vector<16xf32>
        %mul3A_1061 = arith.mulf %get3A_1058, %mul3A_1060 : vector<16xf32>
        tpu.vector_store_idx %arg15[%select_n3A_134, %select_n3A_155, %broadcast_in_dim3A_1037], %mul3A_1061 : memref<8x8x129xf32, #tpu.memory_space<vmem>>[vector<16xi32>, vector<16xi32>, vector<16xi32>], vector<16xf32>,
      }
      %scan3A_842 = arith.constant 32 : i32
      %mul3A_843 = arith.constant 50 : i32
      %mul3A_844 = arith.muli %add3A, %mul3A_843 : i32
      %add3A_845 = arith.addi %mul3A_844, %add3A_816 : i32
      %jit3A_846 = arith.constant 64 : i32
      %div3A_847 = arith.divsi %add3A_845, %jit3A_846 : i32
      %sign3A_848 = arith.constant 0 : i32
      %sign3A_849 = arith.cmpi sgt, %add3A_845, %sign3A_848 : i32
      %sign3A_850 = arith.extui %sign3A_849 : i1 to i32
      %sign3A_851 = arith.constant 0 : i32
      %sign3A_852 = arith.cmpi slt, %add3A_845, %sign3A_851 : i32
      %sign3A_853 = arith.extui %sign3A_852 : i1 to i32
      %sign3A_854 = arith.subi %sign3A_850, %sign3A_853 : i32
      %sign3A_855 = arith.constant 0 : i32
      %sign3A_856 = arith.cmpi sgt, %jit3A_846, %sign3A_855 : i32
      %sign3A_857 = arith.extui %sign3A_856 : i1 to i32
      %sign3A_858 = arith.constant 0 : i32
      %sign3A_859 = arith.cmpi slt, %jit3A_846, %sign3A_858 : i32
      %sign3A_860 = arith.extui %sign3A_859 : i1 to i32
      %sign3A_861 = arith.subi %sign3A_857, %sign3A_860 : i32
      %ne3A_862 = arith.cmpi ne, %sign3A_854, %sign3A_861 : i32
      %rem3A_863 = arith.remsi %add3A_845, %jit3A_846 : i32
      %ne3A_864 = arith.constant 0 : i32
      %ne3A_865 = arith.cmpi ne, %rem3A_863, %ne3A_864 : i32
      %and3A_866 = arith.andi %ne3A_862, %ne3A_865 : i1
      %sub3A_867 = arith.constant 1 : i32
      %sub3A_868 = arith.subi %div3A_847, %sub3A_867 : i32
      %select_n3A_869 = arith.select %and3A_866, %sub3A_868, %div3A_847 : i32
      %mul3A_870 = arith.constant 8 : i32
      %mul3A_871 = arith.muli %select_n3A_869, %mul3A_870 : i32
      %jit3A_872 = arith.constant 8 : i32
      %eq3A_873 = arith.constant 0 : i32
      %eq3A_874 = arith.cmpi eq, %jit3A_872, %eq3A_873 : i32
      %jit3A_875 = arith.constant 1 : i32
      %select_n3A_876 = arith.select %eq3A_874, %jit3A_875, %jit3A_872 : i32
      %rem3A_877 = arith.remsi %add3A_845, %select_n3A_876 : i32
      %ne3A_878 = arith.constant 0 : i32
      %ne3A_879 = arith.cmpi ne, %rem3A_877, %ne3A_878 : i32
      %lt3A_880 = arith.constant 0 : i32
      %lt3A_881 = arith.cmpi slt, %rem3A_877, %lt3A_880 : i32
      %lt3A_882 = arith.constant 0 : i32
      %lt3A_883 = arith.cmpi slt, %select_n3A_876, %lt3A_882 : i32
      %ne3A_884 = arith.xori %lt3A_881, %lt3A_883 : i1
      %and3A_885 = arith.andi %ne3A_884, %ne3A_879 : i1
      %add3A_886 = arith.addi %rem3A_877, %select_n3A_876 : i32
      %select_n3A_887 = arith.select %and3A_885, %add3A_886, %rem3A_877 : i32
      %add3A_888 = arith.addi %mul3A_871, %select_n3A_887 : i32
      %jit3A_889 = arith.constant 8 : i32
      %div3A_890 = arith.divsi %add3A_845, %jit3A_889 : i32
      %sign3A_891 = arith.constant 0 : i32
      %sign3A_892 = arith.cmpi sgt, %add3A_845, %sign3A_891 : i32
      %sign3A_893 = arith.extui %sign3A_892 : i1 to i32
      %sign3A_894 = arith.constant 0 : i32
      %sign3A_895 = arith.cmpi slt, %add3A_845, %sign3A_894 : i32
      %sign3A_896 = arith.extui %sign3A_895 : i1 to i32
      %sign3A_897 = arith.subi %sign3A_893, %sign3A_896 : i32
      %sign3A_898 = arith.constant 0 : i32
      %sign3A_899 = arith.cmpi sgt, %jit3A_889, %sign3A_898 : i32
      %sign3A_900 = arith.extui %sign3A_899 : i1 to i32
      %sign3A_901 = arith.constant 0 : i32
      %sign3A_902 = arith.cmpi slt, %jit3A_889, %sign3A_901 : i32
      %sign3A_903 = arith.extui %sign3A_902 : i1 to i32
      %sign3A_904 = arith.subi %sign3A_900, %sign3A_903 : i32
      %ne3A_905 = arith.cmpi ne, %sign3A_897, %sign3A_904 : i32
      %rem3A_906 = arith.remsi %add3A_845, %jit3A_889 : i32
      %ne3A_907 = arith.constant 0 : i32
      %ne3A_908 = arith.cmpi ne, %rem3A_906, %ne3A_907 : i32
      %and3A_909 = arith.andi %ne3A_905, %ne3A_908 : i1
      %sub3A_910 = arith.constant 1 : i32
      %sub3A_911 = arith.subi %div3A_890, %sub3A_910 : i32
      %select_n3A_912 = arith.select %and3A_909, %sub3A_911, %div3A_890 : i32
      %jit3A_913 = arith.constant 8 : i32
      %eq3A_914 = arith.constant 0 : i32
      %eq3A_915 = arith.cmpi eq, %jit3A_913, %eq3A_914 : i32
      %jit3A_916 = arith.constant 1 : i32
      %select_n3A_917 = arith.select %eq3A_915, %jit3A_916, %jit3A_913 : i32
      %rem3A_918 = arith.remsi %select_n3A_912, %select_n3A_917 : i32
      %ne3A_919 = arith.constant 0 : i32
      %ne3A_920 = arith.cmpi ne, %rem3A_918, %ne3A_919 : i32
      %lt3A_921 = arith.constant 0 : i32
      %lt3A_922 = arith.cmpi slt, %rem3A_918, %lt3A_921 : i32
      %lt3A_923 = arith.constant 0 : i32
      %lt3A_924 = arith.cmpi slt, %select_n3A_917, %lt3A_923 : i32
      %ne3A_925 = arith.xori %lt3A_922, %lt3A_924 : i1
      %and3A_926 = arith.andi %ne3A_925, %ne3A_920 : i1
      %add3A_927 = arith.addi %rem3A_918, %select_n3A_917 : i32
      %select_n3A_928 = arith.select %and3A_926, %add3A_927, %rem3A_918 : i32
      %dma_start3A_929 = arith.constant 0 : i32
      %dma_start3A_930 = arith.constant 0 : i32
      %dma_start3A_931 = arith.constant 0 : i32
      %dma_start3A_932 = tpu.memref_slice %arg15[%dma_start3A_929, %dma_start3A_930, %dma_start3A_931] : memref<8x8x129xf32, #tpu.memory_space<vmem>> -> memref<8x8x128xf32, #tpu.memory_space<vmem>>
      %dma_start3A_933 = arith.constant 0 : i32
      %dma_start3A_934 = arith.constant 0 : i32
      %dma_start3A_935 = arith.constant 0 : i32
      %dma_start3A_936 = tpu.memref_slice %arg4[%add3A_888, %dma_start3A_933, %select_n3A_928, %dma_start3A_934, %dma_start3A_935] : memref<200x8x8x8x128xf32, #tpu.memory_space<hbm>> -> memref<1x8x1x8x128xf32, #tpu.memory_space<hbm>>
      %dma_start3A_937 = tpu.memref_squeeze %dma_start3A_936 : memref<1x8x1x8x128xf32, #tpu.memory_space<hbm>> -> memref<8x8x128xf32, #tpu.memory_space<hbm>>
      %dma_start3A_938 = arith.constant 0 : i32
      %dma_start3A_939 = arith.constant 0 : i32
      %dma_start3A_940 = arith.constant 0 : i32
      %dma_start3A_941 = tpu.memref_slice %arg4[%add3A_888, %dma_start3A_938, %select_n3A_928, %dma_start3A_939, %dma_start3A_940] : memref<200x8x8x8x128xf32, #tpu.memory_space<hbm>> -> memref<1x8x1x8x128xf32, #tpu.memory_space<hbm>>
      %dma_start3A_942 = tpu.memref_squeeze %dma_start3A_941 : memref<1x8x1x8x128xf32, #tpu.memory_space<hbm>> -> memref<8x8x128xf32, #tpu.memory_space<hbm>>
      %dma_start3A_943 = arith.constant 0 : i32
      %dma_start3A_944 = arith.constant 0 : i32
      %dma_start3A_945 = arith.constant 0 : i32
      %dma_start3A_946 = tpu.memref_slice %arg15[%dma_start3A_943, %dma_start3A_944, %dma_start3A_945] : memref<8x8x129xf32, #tpu.memory_space<vmem>> -> memref<8x8x128xf32, #tpu.memory_space<vmem>>
      tpu.enqueue_dma source(%dma_start3A_946 : memref<8x8x128xf32, #tpu.memory_space<vmem>>) target(%dma_start3A_942 : memref<8x8x128xf32, #tpu.memory_space<hbm>>) target_semaphore(%arg25 : memref<!tpu.dma_semaphore, #tpu.memory_space<semaphore_mem>>)
    }
    %scan3A_179 = arith.constant 10 : i32
    %dma_wait3A = arith.constant 0 : i32
    %dma_wait3A_180 = arith.constant 0 : i32
    %dma_wait3A_181 = arith.constant 0 : i32
    %dma_wait3A_182 = arith.constant 0 : i32
    %dma_wait3A_183 = arith.constant 0 : i32
    %dma_wait3A_184 = tpu.memref_slice %arg11[%dma_wait3A_181, %dma_wait3A_182, %dma_wait3A_183] : memref<8x8x129xf32, #tpu.memory_space<vmem>> -> memref<8x8x128xf32, #tpu.memory_space<vmem>>
    %dma_wait3A_185 = arith.constant 0 : i32
    %dma_wait3A_186 = arith.constant 0 : i32
    %dma_wait3A_187 = arith.constant 0 : i32
    %dma_wait3A_188 = tpu.memref_slice %arg4[%dma_wait3A, %dma_wait3A_185, %dma_wait3A_180, %dma_wait3A_186, %dma_wait3A_187] : memref<200x8x8x8x128xf32, #tpu.memory_space<hbm>> -> memref<1x8x1x8x128xf32, #tpu.memory_space<hbm>>
    %dma_wait3A_189 = tpu.memref_squeeze %dma_wait3A_188 : memref<1x8x1x8x128xf32, #tpu.memory_space<hbm>> -> memref<8x8x128xf32, #tpu.memory_space<hbm>>
    %dma_wait3A_190 = arith.constant 0 : i32
    %dma_wait3A_191 = arith.constant 0 : i32
    %dma_wait3A_192 = arith.constant 0 : i32
    %dma_wait3A_193 = tpu.memref_slice %arg4[%dma_wait3A, %dma_wait3A_190, %dma_wait3A_180, %dma_wait3A_191, %dma_wait3A_192] : memref<200x8x8x8x128xf32, #tpu.memory_space<hbm>> -> memref<1x8x1x8x128xf32, #tpu.memory_space<hbm>>
    %dma_wait3A_194 = tpu.memref_squeeze %dma_wait3A_193 : memref<1x8x1x8x128xf32, #tpu.memory_space<hbm>> -> memref<8x8x128xf32, #tpu.memory_space<hbm>>
    %dma_wait3A_195 = arith.constant 0 : i32
    %dma_wait3A_196 = arith.constant 0 : i32
    %dma_wait3A_197 = arith.constant 0 : i32
    %dma_wait3A_198 = tpu.memref_slice %arg11[%dma_wait3A_195, %dma_wait3A_196, %dma_wait3A_197] : memref<8x8x129xf32, #tpu.memory_space<vmem>> -> memref<8x8x128xf32, #tpu.memory_space<vmem>>
    tpu.wait_dma2 semaphore(%arg21 : memref<!tpu.dma_semaphore, #tpu.memory_space<semaphore_mem>>) src(%dma_wait3A_198 : memref<8x8x128xf32, #tpu.memory_space<vmem>>) dst(%dma_wait3A_194 : memref<8x8x128xf32, #tpu.memory_space<hbm>>)
    %dma_wait3A_199 = arith.constant 0 : i32
    %dma_wait3A_200 = arith.constant 0 : i32
    %dma_wait3A_201 = arith.constant 0 : i32
    %dma_wait3A_202 = arith.constant 0 : i32
    %dma_wait3A_203 = arith.constant 0 : i32
    %dma_wait3A_204 = tpu.memref_slice %arg12[%dma_wait3A_201, %dma_wait3A_202, %dma_wait3A_203] : memref<8x8x129xf32, #tpu.memory_space<vmem>> -> memref<8x8x128xf32, #tpu.memory_space<vmem>>
    %dma_wait3A_205 = arith.constant 0 : i32
    %dma_wait3A_206 = arith.constant 0 : i32
    %dma_wait3A_207 = arith.constant 0 : i32
    %dma_wait3A_208 = tpu.memref_slice %arg4[%dma_wait3A_199, %dma_wait3A_205, %dma_wait3A_200, %dma_wait3A_206, %dma_wait3A_207] : memref<200x8x8x8x128xf32, #tpu.memory_space<hbm>> -> memref<1x8x1x8x128xf32, #tpu.memory_space<hbm>>
    %dma_wait3A_209 = tpu.memref_squeeze %dma_wait3A_208 : memref<1x8x1x8x128xf32, #tpu.memory_space<hbm>> -> memref<8x8x128xf32, #tpu.memory_space<hbm>>
    %dma_wait3A_210 = arith.constant 0 : i32
    %dma_wait3A_211 = arith.constant 0 : i32
    %dma_wait3A_212 = arith.constant 0 : i32
    %dma_wait3A_213 = tpu.memref_slice %arg4[%dma_wait3A_199, %dma_wait3A_210, %dma_wait3A_200, %dma_wait3A_211, %dma_wait3A_212] : memref<200x8x8x8x128xf32, #tpu.memory_space<hbm>> -> memref<1x8x1x8x128xf32, #tpu.memory_space<hbm>>
    %dma_wait3A_214 = tpu.memref_squeeze %dma_wait3A_213 : memref<1x8x1x8x128xf32, #tpu.memory_space<hbm>> -> memref<8x8x128xf32, #tpu.memory_space<hbm>>
    %dma_wait3A_215 = arith.constant 0 : i32
    %dma_wait3A_216 = arith.constant 0 : i32
    %dma_wait3A_217 = arith.constant 0 : i32
    %dma_wait3A_218 = tpu.memref_slice %arg12[%dma_wait3A_215, %dma_wait3A_216, %dma_wait3A_217] : memref<8x8x129xf32, #tpu.memory_space<vmem>> -> memref<8x8x128xf32, #tpu.memory_space<vmem>>
    tpu.wait_dma2 semaphore(%arg22 : memref<!tpu.dma_semaphore, #tpu.memory_space<semaphore_mem>>) src(%dma_wait3A_218 : memref<8x8x128xf32, #tpu.memory_space<vmem>>) dst(%dma_wait3A_214 : memref<8x8x128xf32, #tpu.memory_space<hbm>>)
    %dma_wait3A_219 = arith.constant 0 : i32
    %dma_wait3A_220 = arith.constant 0 : i32
    %dma_wait3A_221 = arith.constant 0 : i32
    %dma_wait3A_222 = arith.constant 0 : i32
    %dma_wait3A_223 = arith.constant 0 : i32
    %dma_wait3A_224 = tpu.memref_slice %arg13[%dma_wait3A_221, %dma_wait3A_222, %dma_wait3A_223] : memref<8x8x129xf32, #tpu.memory_space<vmem>> -> memref<8x8x128xf32, #tpu.memory_space<vmem>>
    %dma_wait3A_225 = arith.constant 0 : i32
    %dma_wait3A_226 = arith.constant 0 : i32
    %dma_wait3A_227 = arith.constant 0 : i32
    %dma_wait3A_228 = tpu.memref_slice %arg4[%dma_wait3A_219, %dma_wait3A_225, %dma_wait3A_220, %dma_wait3A_226, %dma_wait3A_227] : memref<200x8x8x8x128xf32, #tpu.memory_space<hbm>> -> memref<1x8x1x8x128xf32, #tpu.memory_space<hbm>>
    %dma_wait3A_229 = tpu.memref_squeeze %dma_wait3A_228 : memref<1x8x1x8x128xf32, #tpu.memory_space<hbm>> -> memref<8x8x128xf32, #tpu.memory_space<hbm>>
    %dma_wait3A_230 = arith.constant 0 : i32
    %dma_wait3A_231 = arith.constant 0 : i32
    %dma_wait3A_232 = arith.constant 0 : i32
    %dma_wait3A_233 = tpu.memref_slice %arg4[%dma_wait3A_219, %dma_wait3A_230, %dma_wait3A_220, %dma_wait3A_231, %dma_wait3A_232] : memref<200x8x8x8x128xf32, #tpu.memory_space<hbm>> -> memref<1x8x1x8x128xf32, #tpu.memory_space<hbm>>
    %dma_wait3A_234 = tpu.memref_squeeze %dma_wait3A_233 : memref<1x8x1x8x128xf32, #tpu.memory_space<hbm>> -> memref<8x8x128xf32, #tpu.memory_space<hbm>>
    %dma_wait3A_235 = arith.constant 0 : i32
    %dma_wait3A_236 = arith.constant 0 : i32
    %dma_wait3A_237 = arith.constant 0 : i32
    %dma_wait3A_238 = tpu.memref_slice %arg13[%dma_wait3A_235, %dma_wait3A_236, %dma_wait3A_237] : memref<8x8x129xf32, #tpu.memory_space<vmem>> -> memref<8x8x128xf32, #tpu.memory_space<vmem>>
    tpu.wait_dma2 semaphore(%arg23 : memref<!tpu.dma_semaphore, #tpu.memory_space<semaphore_mem>>) src(%dma_wait3A_238 : memref<8x8x128xf32, #tpu.memory_space<vmem>>) dst(%dma_wait3A_234 : memref<8x8x128xf32, #tpu.memory_space<hbm>>)
    %dma_wait3A_239 = arith.constant 0 : i32
    %dma_wait3A_240 = arith.constant 0 : i32
    %dma_wait3A_241 = arith.constant 0 : i32
    %dma_wait3A_242 = arith.constant 0 : i32
    %dma_wait3A_243 = arith.constant 0 : i32
    %dma_wait3A_244 = tpu.memref_slice %arg14[%dma_wait3A_241, %dma_wait3A_242, %dma_wait3A_243] : memref<8x8x129xf32, #tpu.memory_space<vmem>> -> memref<8x8x128xf32, #tpu.memory_space<vmem>>
    %dma_wait3A_245 = arith.constant 0 : i32
    %dma_wait3A_246 = arith.constant 0 : i32
    %dma_wait3A_247 = arith.constant 0 : i32
    %dma_wait3A_248 = tpu.memref_slice %arg4[%dma_wait3A_239, %dma_wait3A_245, %dma_wait3A_240, %dma_wait3A_246, %dma_wait3A_247] : memref<200x8x8x8x128xf32, #tpu.memory_space<hbm>> -> memref<1x8x1x8x128xf32, #tpu.memory_space<hbm>>
    %dma_wait3A_249 = tpu.memref_squeeze %dma_wait3A_248 : memref<1x8x1x8x128xf32, #tpu.memory_space<hbm>> -> memref<8x8x128xf32, #tpu.memory_space<hbm>>
    %dma_wait3A_250 = arith.constant 0 : i32
    %dma_wait3A_251 = arith.constant 0 : i32
    %dma_wait3A_252 = arith.constant 0 : i32
    %dma_wait3A_253 = tpu.memref_slice %arg4[%dma_wait3A_239, %dma_wait3A_250, %dma_wait3A_240, %dma_wait3A_251, %dma_wait3A_252] : memref<200x8x8x8x128xf32, #tpu.memory_space<hbm>> -> memref<1x8x1x8x128xf32, #tpu.memory_space<hbm>>
    %dma_wait3A_254 = tpu.memref_squeeze %dma_wait3A_253 : memref<1x8x1x8x128xf32, #tpu.memory_space<hbm>> -> memref<8x8x128xf32, #tpu.memory_space<hbm>>
    %dma_wait3A_255 = arith.constant 0 : i32
    %dma_wait3A_256 = arith.constant 0 : i32
    %dma_wait3A_257 = arith.constant 0 : i32
    %dma_wait3A_258 = tpu.memref_slice %arg14[%dma_wait3A_255, %dma_wait3A_256, %dma_wait3A_257] : memref<8x8x129xf32, #tpu.memory_space<vmem>> -> memref<8x8x128xf32, #tpu.memory_space<vmem>>
    tpu.wait_dma2 semaphore(%arg24 : memref<!tpu.dma_semaphore, #tpu.memory_space<semaphore_mem>>) src(%dma_wait3A_258 : memref<8x8x128xf32, #tpu.memory_space<vmem>>) dst(%dma_wait3A_254 : memref<8x8x128xf32, #tpu.memory_space<hbm>>)
    %dma_wait3A_259 = arith.constant 0 : i32
    %dma_wait3A_260 = arith.constant 0 : i32
    %dma_wait3A_261 = arith.constant 0 : i32
    %dma_wait3A_262 = arith.constant 0 : i32
    %dma_wait3A_263 = arith.constant 0 : i32
    %dma_wait3A_264 = tpu.memref_slice %arg15[%dma_wait3A_261, %dma_wait3A_262, %dma_wait3A_263] : memref<8x8x129xf32, #tpu.memory_space<vmem>> -> memref<8x8x128xf32, #tpu.memory_space<vmem>>
    %dma_wait3A_265 = arith.constant 0 : i32
    %dma_wait3A_266 = arith.constant 0 : i32
    %dma_wait3A_267 = arith.constant 0 : i32
    %dma_wait3A_268 = tpu.memref_slice %arg4[%dma_wait3A_259, %dma_wait3A_265, %dma_wait3A_260, %dma_wait3A_266, %dma_wait3A_267] : memref<200x8x8x8x128xf32, #tpu.memory_space<hbm>> -> memref<1x8x1x8x128xf32, #tpu.memory_space<hbm>>
    %dma_wait3A_269 = tpu.memref_squeeze %dma_wait3A_268 : memref<1x8x1x8x128xf32, #tpu.memory_space<hbm>> -> memref<8x8x128xf32, #tpu.memory_space<hbm>>
    %dma_wait3A_270 = arith.constant 0 : i32
    %dma_wait3A_271 = arith.constant 0 : i32
    %dma_wait3A_272 = arith.constant 0 : i32
    %dma_wait3A_273 = tpu.memref_slice %arg4[%dma_wait3A_259, %dma_wait3A_270, %dma_wait3A_260, %dma_wait3A_271, %dma_wait3A_272] : memref<200x8x8x8x128xf32, #tpu.memory_space<hbm>> -> memref<1x8x1x8x128xf32, #tpu.memory_space<hbm>>
    %dma_wait3A_274 = tpu.memref_squeeze %dma_wait3A_273 : memref<1x8x1x8x128xf32, #tpu.memory_space<hbm>> -> memref<8x8x128xf32, #tpu.memory_space<hbm>>
    %dma_wait3A_275 = arith.constant 0 : i32
    %dma_wait3A_276 = arith.constant 0 : i32
    %dma_wait3A_277 = arith.constant 0 : i32
    %dma_wait3A_278 = tpu.memref_slice %arg15[%dma_wait3A_275, %dma_wait3A_276, %dma_wait3A_277] : memref<8x8x129xf32, #tpu.memory_space<vmem>> -> memref<8x8x128xf32, #tpu.memory_space<vmem>>
    tpu.wait_dma2 semaphore(%arg25 : memref<!tpu.dma_semaphore, #tpu.memory_space<semaphore_mem>>) src(%dma_wait3A_278 : memref<8x8x128xf32, #tpu.memory_space<vmem>>) dst(%dma_wait3A_274 : memref<8x8x128xf32, #tpu.memory_space<hbm>>)
    return
  }
}

</mosaic_0001>

<sc_bundles>
// kernel: kernel.3.cloned.1.call-start
scs
__scs_entry_jumppad:
0x0: {  	(pc) =	sbr.rel $0x88, $3  }
0x1: {  	(tag) =	ssettag $0x0;
	lr =	simm.s32 $0x1  }
0x2: {  	[smem:$0x3F9F] =	sst lr;
	_ =	strace $0xD0000000  }
0x3: {  	_ = 	snop  }
0x4: {  	_ = 	snop  }
0x5: {  	_ = 	snop  }
0x6: {  	_ = 	snop  }
0x7: {  	_ = 	snop  }
__scs_overlays_trampoline_lowered:
0x8: {  	[smem:$0x3FAE] =	sst s0  }
0x9: {  	[smem:$0x3FAF] =	sst s1  }
0xa: {  	[smem:$0x3FB0] =	sst s2  }
0xb: {  	[smem:$0x3FB1] =	sst s3  }
0xc: {  	[smem:$0x3FB2] =	sst s4  }
0xd: {  	[smem:$0x3FB3] =	sst s5  }
0xe: {  	[smem:$0x3FB4] =	sst s6  }
0xf: {  	[smem:$0x3FB5] =	sst s7  }
0x10: {  	[smem:$0x3FB6] =	sst s8  }
0x11: {  	[smem:$0x3FB7] =	sst s9;
	s0 =	simm.s32 @!p0 $0x0  }
0x12: {  	s1 =	sld [smem:$0x3F9D];
	s0 =	simm.s32 @p0 $0x1  }
0x13: {  	[smem:$0x3FB8] =	sst s0;
	s0 =	simm.s32 @!p1 $0x0  }
0x14: {  	s2 =	sld [smem:$0x3F9C];
	s0 =	simm.s32 @p1 $0x1  }
0x15: {  	[smem:$0x3FB9] =	sst s0;
	s0 =	simm.s32 @!p2 $0x0  }
0x16: {  	s3 =	sld [smem:$0x3FDB];
	s0 =	simm.s32 @p2 $0x1  }
0x17: {  	s4 =	simm.s32 $0x1BF5;
	[smem:$0x3FBB] =	sst s0  }
0x18: {  	s0 =	sld [smem:$0x3F9E];
	_ =	swait.ge [sflag:s4], $0x0  }
0x19: {  	s7 =	sld [smem:$0x3F9F]  }
0x1a: {  	s8 =	sadd.s32 $0xFFFFE003, lr  }
0x1b: {  	s9 =	sadd.s32 $0xFFFFFEF7, lr;
	s5 =	simm.s32 $0xFFFFFFFF;
	p2 =	slt.u32 s8, $0xFFFFF086  }
0x1c: {  	p1 =	slt.u32 s9, $0xF7A;
	s5 =	simm.s32 @!p2 $0x0  }
0x1d: {  	s5 =	simm.s32 @p1 $0x1;
	p0 =	seq.s32 s7, s2  }
0x1e: {  	s7 =	smul.u32 @!p0 $0xF7A, s2;
	p2 =	seq.s32 @!p0 s5, $0x0  }
0x1f: {  	s9 =	smul.u32 $0xF7A, s1;
	s8 =	simm.s32 @!p0 $0x1BF5;
	p2 =	por !p2, p0  }
0x20: {  	[sflag:s8] =	ssyncset.s32 @!p0 $0xFFFFF086;
	s6 =	sadd.s32 @!p0 s3, s7;
	s7 =	simm.s32 @!p0 $0x108  }
0x21: {  	s3 =	sadd.s32 s3, s9;
	s6 =	sadd.s32 @!p0 $0x88, s6;
	s7 =	simm.s32 @p2 $0x1082  }
0x22: {  	[simem:s7], [sflag:s8] =	dma.local @!p0 [hbm:s6], $0xF7A  }
0x23: {  	s9 =	sor.u32 $0xD0000000, s2;
	s6 =	simm.s32 $0x108;
	_ =	swait.ge @!p0 [sflag:s8], $0x0  }
0x24: {  	s3 =	sadd.s32 $0x88, s3;
	s6 =	simm.s32 @!p1 $0x1082;
	[sflag:s4] =	ssyncset.s32 $0xFFFFF086  }
0x25: {  	[simem:s6], [sflag:s4] =	dma.local [hbm:s3], $0xF7A  }
0x26: {  	[smem:$0x3F9F] =	sst s1;
	(tag) =	ssettag s2;
	_ =	strace s9  }
0x27: {  	s1 =	sld [smem:$0x3FAF]  }
0x28: {  	s2 =	sld [smem:$0x3FB0]  }
0x29: {  	s4 =	sld [smem:$0x3FB2]  }
0x2a: {  	p0 =	seq.s32 s5, $0x0;
	s5 =	sld [smem:$0x3FB3]  }
0x2b: {  	s6 =	sld [smem:$0x3FB4]  }
0x2c: {  	s7 =	sld [smem:$0x3FB5]  }
0x2d: {  	s3 =	simm.s32 $0x108;
	s8 =	sld [smem:$0x3FB6]  }
0x2e: {  	s3 =	simm.s32 @!p0 $0x1082;
	s9 =	sld [smem:$0x3FB7]  }
0x2f: {  	lr =	sadd.s32 s0, s3;
	s0 =	sld [smem:$0x3FAE]  }
0x30: {  	s3 =	sld [smem:$0x3FB1]  }
0x31: {  	[smem:$0x3FBA] =	sst s10  }
0x32: {  	s10 =	sld [smem:$0x3FB8];
	_ =	sdelay $0x3  }
0x33: {  	p0 =	seq.s32 s10, $0x1;
	s10 =	sld [smem:$0x3FBA];
	_ =	sdelay $0x3  }
0x34: {  	[smem:$0x3FBA] =	sst s10  }
0x35: {  	s10 =	sld [smem:$0x3FB9];
	_ =	sdelay $0x3  }
0x36: {  	p1 =	seq.s32 s10, $0x1;
	s10 =	sld [smem:$0x3FBA];
	_ =	sdelay $0x3  }
0x37: {  	[smem:$0x3FBA] =	sst s10  }
0x38: {  	s10 =	sld [smem:$0x3FBB]  }
0x39: {  	_ = 	snop;
	(pc) =	sbr.ind lr, $3  }
0x3a: {  	_ = 	snop  }
0x3b: {  	_ = 	snop  }
0x3c: {  	p2 =	seq.s32 s10, $0x1;
	s10 =	sld [smem:$0x3FBA]  }
0x3d: {  	_ =	shalt  }
0x3e: {  	_ =	shalt  }
0x3f: {  	_ =	shalt  }
0x40: {  	_ =	shalt  }
0x41: {  	_ =	shalt  }
0x42: {  	_ =	shalt  }
0x43: {  	_ =	shalt  }
0x44: {  	_ =	shalt  }
0x45: {  	_ =	shalt  }
0x46: {  	_ =	shalt  }
0x47: {  	_ =	shalt  }
0x48: {  	_ =	shalt  }
0x49: {  	_ =	shalt  }
0x4a: {  	_ =	shalt  }
0x4b: {  	_ =	shalt  }
0x4c: {  	_ =	shalt  }
0x4d: {  	_ =	shalt  }
0x4e: {  	_ =	shalt  }
0x4f: {  	_ =	shalt  }
0x50: {  	_ =	shalt  }
0x51: {  	_ =	shalt  }
0x52: {  	_ =	shalt  }
0x53: {  	_ =	shalt  }
0x54: {  	_ =	shalt  }
0x55: {  	_ =	shalt  }
0x56: {  	_ =	shalt  }
0x57: {  	_ =	shalt  }
0x58: {  	_ =	shalt  }
0x59: {  	_ =	shalt  }
0x5a: {  	_ =	shalt  }
0x5b: {  	_ =	shalt  }
0x5c: {  	_ =	shalt  }
0x5d: {  	_ =	shalt  }
0x5e: {  	_ =	shalt  }
0x5f: {  	_ =	shalt  }
0x60: {  	_ =	shalt  }
0x61: {  	_ =	shalt  }
0x62: {  	_ =	shalt  }
0x63: {  	_ =	shalt  }
0x64: {  	_ =	shalt  }
0x65: {  	_ =	shalt  }
0x66: {  	_ =	shalt  }
0x67: {  	_ =	shalt  }
0x68: {  	_ =	shalt  }
0x69: {  	_ =	shalt  }
0x6a: {  	_ =	shalt  }
0x6b: {  	_ =	shalt  }
0x6c: {  	_ =	shalt  }
0x6d: {  	_ =	shalt  }
0x6e: {  	_ =	shalt  }
0x6f: {  	_ =	shalt  }
0x70: {  	_ =	shalt  }
0x71: {  	_ =	shalt  }
0x72: {  	_ =	shalt  }
0x73: {  	_ =	shalt  }
0x74: {  	_ =	shalt  }
0x75: {  	_ =	shalt  }
0x76: {  	_ =	shalt  }
0x77: {  	_ =	shalt  }
0x78: {  	_ =	shalt  }
0x79: {  	_ =	shalt  }
0x7a: {  	_ =	shalt  }
0x7b: {  	_ =	shalt  }
0x7c: {  	_ =	shalt  }
0x7d: {  	_ =	shalt  }
0x7e: {  	_ =	shalt  }
0x7f: {  	_ =	shalt  }
0x80: {  	_ =	shalt  }
0x81: {  	_ =	shalt  }
0x82: {  	_ =	shalt  }
0x83: {  	_ =	shalt  }
0x84: {  	_ =	shalt  }
0x85: {  	_ =	shalt  }
0x86: {  	_ =	shalt  }
0x87: {  	_ =	shalt  }
.Lfunc_end0:
.L_simem_size_0:
called_computation_lowered:
.L_overlay_start_0:
0x88: {  	s2 =	sld [smem:$0x3FD9]  }
0x89: {  	s3 =	sld [smem:$0x3FFE];
	_ =	sdelay $0x1  }
0x8a: {  	s1 =	srdreg.scid  }
0x8b: {  	s0 =	sand.u32 $0x1, s1  }
0x8c: {  	s17 =	sshll.u32 s0, $0xA;
	s2 =	sadd.s32 s3, s2  }
0x8d: {  	s2 =	sadd.s32 s2, s17  }
0x8e: {  	[smem:$0x3FC6] =	sst s2  }
0x8f: {  	_ = 	snop  }
0x90: {  	s2 =	sld [smem:$0x3FC9]  }
0x91: {  	s18 =	sld [smem:$0x3FD0];
	(tm) =	ssettm $0x1  }
0x92: {  	s4 =	sld [smem:$0x3FFB];
	_ =	sdelay $0x3  }
0x93: {  	_ =	strace s4  }
0x94: {  	s4 =	sld [smem:$0x3FFC];
	_ =	sdelay $0x3  }
0x95: {  	_ =	strace s4  }
0x96: {  	s4 =	sld [smem:$0x3FFD];
	_ =	sdelay $0x3  }
0x97: {  	_ =	strace s4  }
0x98: {  	_ =	strace $0x8FFFFFFF  }
0x99: {  	s19 =	sld [smem:$0x3FDB];
	_ =	sdelay $0x1  }
0x9a: {  	s5 =	simm.s32 $_scs_section_size  }
0x9b: {  	s6 =	simm.s32 $_size__tile_overlayer_lowered;
	s7 =	simm.s32 $_tile_overlayer_lowered  }
0x9c: {  	s22 =	simm.s32 $0x1BFF;
	s21 =	sshll.u32 s7, $0x1;
	s4 =	sadd.s32 s5, s19  }
0x9d: {  	s8 =	simm.s32 $0x0;
	s20 =	sshll.u32 s6, $0x1;
	s6 =	sadd.s32 s21, s4  }
0x9e: {  	[timem:s8], [sflag:s22] =	dma.local [hbm:s6], s20  }
0x9f: {  	_ =	swait.ge [sflag:s22], s20  }
0xa0: {  	s5 =	ssub.s32 $0x0, s20;
	[sflag:s22] =	ssyncset.done $0x0  }
0xa1: {  	[sflag:s22] =	ssyncadd.s32 s5;
	_ =	sdelay $0x1  }
0xa2: {  	s23 =	simm.s32 $0x1B8B  }
0xa3: {  	_ =	swait.ge [sflag:s23], $0x1  }
0xa4: {  	[sflag:s23] =	ssyncset.done $0x0  }
0xa5: {  	s25 =	simm.s32 $0x1B8E;
	s24 =	sld [smem:$0x3FFE];
	[sflag:s23] =	ssyncadd.s32 $0xFFFFFFFF  }
0xa6: {  	s26 =	simm.s32 $execute0_lowered;
	[smem:$0x3FD2] =	sst s25  }
0xa7: {  	s6 =	sshll.u32 s26, $0x1;
	_ =	strace $0x80000046;
	[dreg:$0x1] =	wrdreg $0xFFFFFFFF  }
0xa8: {  	s28 =	simm.s32 $_size_execute0_lowered;
	s4 =	sadd.s32 s4, s6;
	[dreg:$0x0] =	wrdreg $0x0  }
0xa9: {  	s6 =	sshll.u32 s28, $0x1;
	[dreg:$0x2] =	wrdreg s4  }
0xaa: {  	[dreg:$0x3] =	wrdreg s6  }
0xab: {  	[dreg:$0x4] =	wrdreg $0xC0  }
0xac: {  	_ =	task [dreg:s8], $0x5FFFF  }
0xad: {  	[dreg:$0x1] =	wrdreg $0xFFFFFFFF  }
0xae: {  	[dreg:$0x0] =	wrdreg $0x60  }
0xaf: {  	[dreg:$0x2] =	wrdreg s24  }
0xb0: {  	[dreg:$0x3] =	wrdreg s2  }
0xb1: {  	[dreg:$0x4] =	wrdreg s18  }
0xb2: {  	[dreg:$0x5] =	wrdreg $0x9  }
0xb3: {  	_ =	task.clear_ibuf [dreg:s8], $0x6FFFF;
	_ =	strace $0x90000046  }
0xb4: {  	s29 =	simm.s32 $0x9;
	_ =	strace $0x80000048  }
0xb5: {  	_ =	swait.ge [sflag:s29], $0x1  }
0xb6: {  	[sflag:s29] =	ssyncadd.s32 $0xFFFFFFFF  }
0xb7: {  	_ =	strace $0x90000048  }
0xb8: {  	_ =	sfence  }
0xb9: {  	s30 =	sld [smem:$0x0];
	_ =	sdelay $0x2  }
0xba: {  	s31 =	sshll.u32 s1, $0xD;
	s1 =	sshrl.u32 s1, $0x2  }
0xbb: {  	s3 =	sand.u32 $0x4000, s31;
	s1 =	sadd.s32 s1, s30  }
0xbc: {  	s0 =	sor.u32 s3, s0;
	s1 =	sshll.u32 s1, $0x11  }
0xbd: {  	s0 =	sor.u32 s1, s0  }
0xbe: {  	s0 =	sadd.s32 $0x8F2B, s0  }
0xbf: {  	[sflag:s0] =	ssyncadd.remote.s32 $0x1  }
0xc0: {  	_ =	sfence.sel $0xFFFF  }
0xc1: {  	[dreg:$0x0] =	wrdreg $0xFFFFFFFF;
	(pc) =	sbr.abs _section_cstart, $3  }
0xc2: {  	[dreg:$0x1] =	wrdreg $0xFFFFFFFF  }
0xc3: {  	_ =	task.clear_ibuf [dreg:s8], $0x2FFFF;
	_ =	strace $0x9FFFFFFF  }
0xc4: {  	(tm) =	ssettm $0x7FFFFFFF  }
0xc5: {  	_ =	shalt  }
tec
execute0_lowered:
.L_overlay_start_1:
0x0: {  	(tag) =	ssettag $0x1  }
0x1: {  	s0 =	rddreg [dreg:$0x0]  }
0x2: {  	s1 =	rddreg [dreg:$0x1]  }
0x3: {  	s3 =	srdreg.scid;
	s5 =	stileid.u32  }
0x4: {  	s2 =	rddreg [dreg:$0x2];
	s12 =	simm.s32 $0x80;
	s20 =	simm.s32 $0x1  }
0x5: {  	s21 =	simm.s32 $0xB900;
	s22 =	simm.s32 $0x2;
	s23 =	simm.s32 $0x7  }
0x6: {  	s24 =	simm.s32 $0xDB00;
	s28 =	simm.s32 $0xFD00;
	s29 =	simm.s32 $0x4  }
0x7: {  	s30 =	simm.s32 $0x9;
	s31 =	simm.s32 $0x11F00;
	s15 =	simm.s32 $0x14100  }
0x8: {  	s10 =	simm.s32 $0x0;
	s4 =	sand.u32 $0x1, s3;
	s25 =	sshll.u32 s5, $0x1  }
0x9: {  	s3 =	simm.s32 $0x0;
	s5 =	sor.u32 s4, s25;
	s6 =	ssub.s32 $0x2, s4  }
0xa: {  	[smem:$0x7FF] =	sst s3;
	s25 =	simm.s32 $0x3;
	s7 =	smul.u32 $0x320, s5  }
0xb: {  	s8 =	sshrl.u32 s6, $0x1;
	s4 =	smul.u32 $0x32, s5;
	_ =	strace $0x80000047  }
0xc: {  	v0 =	vlaneseq.u32;
	s5 =	sadd.s32 $0xF42800, s0;
	s26 =	ssub.s32 s6, s8;
	s1 =	sadd.s32 s1, s7  }
0xd: {  	v0 =	vmul.u32 $0x88, v0;
	s7 =	sor.u32 $0x1, s4;
	s8 =	sadd.s32 $0x2, s4;
	s9 =	sadd.s32 $0x3, s4  }
0xe: {  	s0 =	smax.u32 s26, $0x1;
	s26 =	simm.s32 $0x8;
	[dreg:$0x4] =	wrdreg s1  }
0xf: {  	v1 =	vadd.s32 $0x880, v0;
	v2 =	vadd.s32 $0x1100, v0;
	v3 =	vadd.s32 $0x1980, v0;
	[dreg:$0x5] =	wrdreg s0;
	s1 =	simm.s32 $0x5;
	s0 =	simm.s32 $0xA  }
.LBB2_1:
0x10: {  	[dreg:$0x6] =	wrdreg s10  }
0x11: {  	s6 =	rddreg [dreg:$0x4];
	s11 =	simm.s32 $0xB  }
0x12: {  	[tilespmem:s3], [sflag:$0xB] =	stream.linear.gather [hbm4b:s6+s3], $0x1900, $0x38;
	[tilespmem:$0x16300] =	vst v63  }
0x13: {  	_ =	swait.ge [sflag:s11], $0x1900  }
0x14: {  	[sflag:s11] =	ssyncset.done $0x0  }
0x15: {  	s13 =	simm.s32 $0x1900;
	[sflag:s11] =	ssyncadd.s32 $0xFFFFE700  }
0x16: {  	[tilespmem:s13], [sflag:$0x1] =	stream.indirect.gather [hbm4b:s5+s12], $0x40, s3, s12, $0xb8;
	[tilespmem:$0x16300] =	vst v63  }
0x17: {  	s14 =	simm.s32 $0x3900  }
0x18: {  	[tilespmem:s14], [sflag:$0x2] =	stream.indirect.gather [hbm4b:s5+s12], $0x40, s12, s12, $0xb8;
	[tilespmem:$0x16300] =	vst v63  }
0x19: {  	s16 =	simm.s32 $0x100;
	s17 =	simm.s32 $0x5900  }
0x1a: {  	[tilespmem:s17], [sflag:$0x3] =	stream.indirect.gather [hbm4b:s5+s12], $0x40, s16, s12, $0xb8;
	[tilespmem:$0x16300] =	vst v63  }
0x1b: {  	s18 =	simm.s32 $0x180;
	s19 =	simm.s32 $0x7900;
	s10 =	simm.s32 $0x0  }
0x1c: {  	[tilespmem:s19], [sflag:$0x4] =	stream.indirect.gather [hbm4b:s5+s12], $0x40, s18, s12, $0xb8;
	[tilespmem:$0x16300] =	vst v63  }
.LBB2_2:
0x1d: {  	s17 =	smul.u32 $0x5, s10;
	_ =	sdelay $0x1  }
0x1e: {  	s11 =	sadd.s32 $0x4, s17  }
0x1f: {  	s6 =	sshll.u32 s11, $0x7  }
0x20: {  	s13 =	simm.s32 $0x9900;
	s6 =	sand.u32 $0x3FFFFF80, s6  }
0x21: {  	[tilespmem:s13], [sflag:$0x5] =	stream.indirect.gather [hbm4b:s5+s12], $0x40, s6, s12, $0xb8;
	[tilespmem:$0x16300] =	vst v63  }
0x22: {  	_ =	swait.ge [sflag:s20], $0x2000  }
0x23: {  	p0 =	seq.s32 s10, $0x0;
	[sflag:s20] =	ssyncset.done $0x0  }
0x24: {  	s6 =	simm.s32 @!p0 $0x6;
	[sflag:s20] =	ssyncadd.s32 $0xFFFFE000  }
0x25: {  	_ =	swait.ge @!p0 [sflag:s6], $0x2000  }
0x26: {  	[sflag:s6] =	ssyncset.done @!p0 $0x0  }
0x27: {  	s14 =	simm.s32 $0x0;
	[sflag:s6] =	ssyncadd.s32 @!p0 $0xFFFFE000;
	s6 =	simm.s32 $0x1980  }
0x28: {  	v4 =	vmov s14;
	v5 =	vld [tilespmem:s6+$0xFFFFFF80]  }
0x29: {  	v4 =	vand.u32 $0x7C, v4  }
0x2a: {  	v6 =	vadd.s32 v0, v4;
	_ =	sdelay $0x2  }
0x2b: {  	v5 =	vmul.f32 $8.000000000e+00, v5;
	_ =	sdelay $0x1  }
0x2c: {  	[tilespmem:v6+s21+$0x0] =	vst.idx.msk $0xffff, v5  }
0x2d: {  	v5 =	vld [tilespmem:s6+$0xFFFFFF90];
	_ =	sdelay $0x1  }
0x2e: {  	v6 =	vadd.s32 v1, v4;
	_ =	sdelay $0x2  }
0x2f: {  	v5 =	vmul.f32 $8.000000000e+00, v5;
	_ =	sdelay $0x1  }
0x30: {  	[tilespmem:v6+s21+$0x0] =	vst.idx.msk $0xffff, v5  }
0x31: {  	v5 =	vld [tilespmem:s6+$0xFFFFFFA0];
	_ =	sdelay $0x1  }
0x32: {  	v6 =	vadd.s32 v2, v4;
	_ =	sdelay $0x2  }
0x33: {  	v5 =	vmul.f32 $8.000000000e+00, v5;
	_ =	sdelay $0x1  }
0x34: {  	[tilespmem:v6+s21+$0x0] =	vst.idx.msk $0xffff, v5  }
0x35: {  	v5 =	vld [tilespmem:s6+$0xFFFFFFB0];
	_ =	sdelay $0x1  }
0x36: {  	v4 =	vadd.s32 v3, v4;
	_ =	sdelay $0x2  }
0x37: {  	v5 =	vmul.f32 $8.000000000e+00, v5;
	_ =	sdelay $0x1  }
0x38: {  	s16 =	simm.s32 $0x1;
	[tilespmem:v4+s21+$0x0] =	vst.idx.msk $0xffff, v5  }
0x39: {  	v4 =	vmov s16;
	v5 =	vld [tilespmem:s6+$0xFFFFFFC0]  }
0x3a: {  	v4 =	vand.u32 $0x7D, v4  }
0x3b: {  	v6 =	vadd.s32 v0, v4;
	_ =	sdelay $0x2  }
0x3c: {  	v5 =	vmul.f32 $8.000000000e+00, v5;
	_ =	sdelay $0x1  }
0x3d: {  	[tilespmem:v6+s21+$0x0] =	vst.idx.msk $0xffff, v5  }
0x3e: {  	v5 =	vld [tilespmem:s6+$0xFFFFFFD0];
	_ =	sdelay $0x1  }
0x3f: {  	v6 =	vadd.s32 v1, v4;
	_ =	sdelay $0x2  }
0x40: {  	v5 =	vmul.f32 $8.000000000e+00, v5;
	_ =	sdelay $0x1  }
0x41: {  	[tilespmem:v6+s21+$0x0] =	vst.idx.msk $0xffff, v5  }
0x42: {  	v5 =	vld [tilespmem:s6+$0xFFFFFFE0];
	_ =	sdelay $0x1  }
0x43: {  	v6 =	vadd.s32 v2, v4;
	_ =	sdelay $0x2  }
0x44: {  	v5 =	vmul.f32 $8.000000000e+00, v5;
	_ =	sdelay $0x1  }
0x45: {  	[tilespmem:v6+s21+$0x0] =	vst.idx.msk $0xffff, v5  }
0x46: {  	v5 =	vld [tilespmem:s6+$0xFFFFFFF0];
	_ =	sdelay $0x1  }
0x47: {  	v4 =	vadd.s32 v3, v4;
	_ =	sdelay $0x2  }
0x48: {  	v5 =	vmul.f32 $8.000000000e+00, v5;
	_ =	sdelay $0x1  }
0x49: {  	s18 =	simm.s32 $0x2;
	[tilespmem:v4+s21+$0x0] =	vst.idx.msk $0xffff, v5  }
0x4a: {  	v4 =	vmov s18;
	v5 =	vld [tilespmem:s6+$0x0]  }
0x4b: {  	v4 =	vand.u32 $0x7E, v4  }
0x4c: {  	v6 =	vadd.s32 v0, v4;
	_ =	sdelay $0x2  }
0x4d: {  	v5 =	vmul.f32 $8.000000000e+00, v5;
	_ =	sdelay $0x1  }
0x4e: {  	[tilespmem:v6+s21+$0x0] =	vst.idx.msk $0xffff, v5  }
0x4f: {  	v5 =	vld [tilespmem:s6+$0x10];
	_ =	sdelay $0x1  }
0x50: {  	v6 =	vadd.s32 v1, v4;
	_ =	sdelay $0x2  }
0x51: {  	v5 =	vmul.f32 $8.000000000e+00, v5;
	_ =	sdelay $0x1  }
0x52: {  	[tilespmem:v6+s21+$0x0] =	vst.idx.msk $0xffff, v5  }
0x53: {  	v5 =	vld [tilespmem:s6+$0x20];
	_ =	sdelay $0x1  }
0x54: {  	v6 =	vadd.s32 v2, v4;
	_ =	sdelay $0x2  }
0x55: {  	v5 =	vmul.f32 $8.000000000e+00, v5;
	_ =	sdelay $0x1  }
0x56: {  	[tilespmem:v6+s21+$0x0] =	vst.idx.msk $0xffff, v5  }
0x57: {  	v5 =	vld [tilespmem:s6+$0x30];
	_ =	sdelay $0x1  }
0x58: {  	v4 =	vadd.s32 v3, v4;
	_ =	sdelay $0x2  }
0x59: {  	v5 =	vmul.f32 $8.000000000e+00, v5;
	_ =	sdelay $0x1  }
0x5a: {  	s19 =	simm.s32 $0x3;
	[tilespmem:v4+s21+$0x0] =	vst.idx.msk $0xffff, v5  }
0x5b: {  	v4 =	vmov s19;
	v5 =	vld [tilespmem:s6+$0x40]  }
0x5c: {  	v4 =	vand.u32 $0x7F, v4  }
0x5d: {  	v6 =	vadd.s32 v0, v4;
	_ =	sdelay $0x2  }
0x5e: {  	v5 =	vmul.f32 $8.000000000e+00, v5;
	_ =	sdelay $0x1  }
0x5f: {  	[tilespmem:v6+s21+$0x0] =	vst.idx.msk $0xffff, v5  }
0x60: {  	v5 =	vld [tilespmem:s6+$0x50];
	_ =	sdelay $0x1  }
0x61: {  	v6 =	vadd.s32 v1, v4;
	_ =	sdelay $0x2  }
0x62: {  	v5 =	vmul.f32 $8.000000000e+00, v5;
	_ =	sdelay $0x1  }
0x63: {  	[tilespmem:v6+s21+$0x0] =	vst.idx.msk $0xffff, v5  }
0x64: {  	v5 =	vld [tilespmem:s6+$0x60];
	_ =	sdelay $0x1  }
0x65: {  	v6 =	vadd.s32 v2, v4;
	_ =	sdelay $0x2  }
0x66: {  	v5 =	vmul.f32 $8.000000000e+00, v5;
	_ =	sdelay $0x1  }
0x67: {  	[tilespmem:v6+s21+$0x0] =	vst.idx.msk $0xffff, v5  }
0x68: {  	v5 =	vld [tilespmem:s6+$0x70];
	_ =	sdelay $0x1  }
0x69: {  	v4 =	vadd.s32 v3, v4;
	_ =	sdelay $0x2  }
0x6a: {  	s13 =	simm.s32 $0x4;
	v5 =	vmul.f32 $8.000000000e+00, v5  }
.LBB2_3:
0x6b: {  	p1 =	sne.s32 s13, $0x7C  }
0x6c: {  	s6 =	sadd.s32 $0x100, s6;
	s14 =	smov.u32 s13;
	s13 =	sadd.s32 $0x4, s13;
	[tilespmem:v4+s21+$0x0] =	vst.idx.msk $0xffff, v5  }
0x6d: {  	v4 =	vmov s14;
	v5 =	vld [tilespmem:s6+$0xFFFFFF80]  }
0x6e: {  	v4 =	vand.u32 $0x7C, v4  }
0x6f: {  	v6 =	vadd.s32 v0, v4;
	_ =	sdelay $0x2  }
0x70: {  	v5 =	vmul.f32 $8.000000000e+00, v5;
	_ =	sdelay $0x1  }
0x71: {  	[tilespmem:v6+s21+$0x0] =	vst.idx.msk $0xffff, v5  }
0x72: {  	v5 =	vld [tilespmem:s6+$0xFFFFFF90];
	_ =	sdelay $0x1  }
0x73: {  	v6 =	vadd.s32 v1, v4;
	_ =	sdelay $0x2  }
0x74: {  	v5 =	vmul.f32 $8.000000000e+00, v5;
	_ =	sdelay $0x1  }
0x75: {  	[tilespmem:v6+s21+$0x0] =	vst.idx.msk $0xffff, v5  }
0x76: {  	v5 =	vld [tilespmem:s6+$0xFFFFFFA0];
	_ =	sdelay $0x1  }
0x77: {  	v6 =	vadd.s32 v2, v4;
	_ =	sdelay $0x2  }
0x78: {  	v5 =	vmul.f32 $8.000000000e+00, v5;
	_ =	sdelay $0x1  }
0x79: {  	[tilespmem:v6+s21+$0x0] =	vst.idx.msk $0xffff, v5  }
0x7a: {  	v5 =	vld [tilespmem:s6+$0xFFFFFFB0];
	_ =	sdelay $0x1  }
0x7b: {  	v4 =	vadd.s32 v3, v4;
	_ =	sdelay $0x2  }
0x7c: {  	v5 =	vmul.f32 $8.000000000e+00, v5;
	_ =	sdelay $0x1  }
0x7d: {  	s16 =	sadd.s32 $0x1, s14;
	[tilespmem:v4+s21+$0x0] =	vst.idx.msk $0xffff, v5  }
0x7e: {  	v4 =	vmov s16;
	v5 =	vld [tilespmem:s6+$0xFFFFFFC0]  }
0x7f: {  	v4 =	vand.u32 $0x7D, v4  }
0x80: {  	v6 =	vadd.s32 v0, v4;
	_ =	sdelay $0x2  }
0x81: {  	v5 =	vmul.f32 $8.000000000e+00, v5;
	_ =	sdelay $0x1  }
0x82: {  	[tilespmem:v6+s21+$0x0] =	vst.idx.msk $0xffff, v5  }
0x83: {  	v5 =	vld [tilespmem:s6+$0xFFFFFFD0];
	_ =	sdelay $0x1  }
0x84: {  	v6 =	vadd.s32 v1, v4;
	_ =	sdelay $0x2  }
0x85: {  	v5 =	vmul.f32 $8.000000000e+00, v5;
	_ =	sdelay $0x1  }
0x86: {  	[tilespmem:v6+s21+$0x0] =	vst.idx.msk $0xffff, v5  }
0x87: {  	v5 =	vld [tilespmem:s6+$0xFFFFFFE0];
	_ =	sdelay $0x1  }
0x88: {  	v6 =	vadd.s32 v2, v4;
	_ =	sdelay $0x2  }
0x89: {  	v5 =	vmul.f32 $8.000000000e+00, v5;
	_ =	sdelay $0x1  }
0x8a: {  	[tilespmem:v6+s21+$0x0] =	vst.idx.msk $0xffff, v5  }
0x8b: {  	v5 =	vld [tilespmem:s6+$0xFFFFFFF0];
	_ =	sdelay $0x1  }
0x8c: {  	v4 =	vadd.s32 v3, v4;
	_ =	sdelay $0x2  }
0x8d: {  	v5 =	vmul.f32 $8.000000000e+00, v5;
	_ =	sdelay $0x1  }
0x8e: {  	s16 =	sadd.s32 $0x2, s14;
	[tilespmem:v4+s21+$0x0] =	vst.idx.msk $0xffff, v5  }
0x8f: {  	v4 =	vmov s16;
	v5 =	vld [tilespmem:s6+$0x0]  }
0x90: {  	v4 =	vand.u32 $0x7E, v4  }
0x91: {  	v6 =	vadd.s32 v0, v4;
	_ =	sdelay $0x2  }
0x92: {  	v5 =	vmul.f32 $8.000000000e+00, v5;
	_ =	sdelay $0x1  }
0x93: {  	[tilespmem:v6+s21+$0x0] =	vst.idx.msk $0xffff, v5  }
0x94: {  	v5 =	vld [tilespmem:s6+$0x10];
	_ =	sdelay $0x1  }
0x95: {  	v6 =	vadd.s32 v1, v4;
	_ =	sdelay $0x2  }
0x96: {  	v5 =	vmul.f32 $8.000000000e+00, v5;
	_ =	sdelay $0x1  }
0x97: {  	[tilespmem:v6+s21+$0x0] =	vst.idx.msk $0xffff, v5  }
0x98: {  	v5 =	vld [tilespmem:s6+$0x20];
	_ =	sdelay $0x1  }
0x99: {  	v6 =	vadd.s32 v2, v4;
	_ =	sdelay $0x2  }
0x9a: {  	v5 =	vmul.f32 $8.000000000e+00, v5;
	_ =	sdelay $0x1  }
0x9b: {  	[tilespmem:v6+s21+$0x0] =	vst.idx.msk $0xffff, v5  }
0x9c: {  	v5 =	vld [tilespmem:s6+$0x30];
	_ =	sdelay $0x1  }
0x9d: {  	v4 =	vadd.s32 v3, v4;
	_ =	sdelay $0x2  }
0x9e: {  	v5 =	vmul.f32 $8.000000000e+00, v5;
	_ =	sdelay $0x1  }
0x9f: {  	s14 =	sadd.s32 $0x3, s14;
	[tilespmem:v4+s21+$0x0] =	vst.idx.msk $0xffff, v5  }
0xa0: {  	v4 =	vmov s14;
	v5 =	vld [tilespmem:s6+$0x40]  }
0xa1: {  	v4 =	vand.u32 $0x7F, v4  }
0xa2: {  	v6 =	vadd.s32 v0, v4;
	_ =	sdelay $0x2  }
0xa3: {  	v5 =	vmul.f32 $8.000000000e+00, v5;
	_ =	sdelay $0x1  }
0xa4: {  	[tilespmem:v6+s21+$0x0] =	vst.idx.msk $0xffff, v5  }
0xa5: {  	v5 =	vld [tilespmem:s6+$0x50];
	_ =	sdelay $0x1  }
0xa6: {  	v6 =	vadd.s32 v1, v4;
	_ =	sdelay $0x2  }
0xa7: {  	v5 =	vmul.f32 $8.000000000e+00, v5;
	_ =	sdelay $0x1  }
0xa8: {  	[tilespmem:v6+s21+$0x0] =	vst.idx.msk $0xffff, v5  }
0xa9: {  	v5 =	vld [tilespmem:s6+$0x60];
	_ =	sdelay $0x1  }
0xaa: {  	v6 =	vadd.s32 v2, v4;
	_ =	sdelay $0x2  }
0xab: {  	v5 =	vmul.f32 $8.000000000e+00, v5;
	_ =	sdelay $0x1  }
0xac: {  	[tilespmem:v6+s21+$0x0] =	vst.idx.msk $0xffff, v5  }
0xad: {  	v5 =	vld [tilespmem:s6+$0x70]  }
.Ltmp0:
0xae: {  	(pc) =	sbr.rel @p1 .LBB2_3-.Ltmp0, $2  }
0xaf: {  	v4 =	vadd.s32 v3, v4;
	_ =	sdelay $0x2  }
0xb0: {  	v5 =	vmul.f32 $8.000000000e+00, v5  }
0xb1: {  	s6 =	sadd.s32 s4, s17  }
0xb2: {  	s13 =	sshll.u32 s6, $0xA;
	s14 =	sshll.u32 s6, $0xD;
	s6 =	sshll.u32 s6, $0x4  }
0xb3: {  	s13 =	sand.u32 $0xFFF0000, s13;
	s14 =	sand.u32 $0xE000, s14;
	s6 =	sand.u32 $0x380, s6  }
0xb4: {  	s13 =	sor.u32 s14, s13;
	s6 =	sadd.s32 s2, s6  }
0xb5: {  	s19 =	simm.s32 $0xB900;
	[tilespmem:v4+s21+$0x0] =	vst.idx.msk $0xffff, v5;
	s13 =	sadd.s32 s13, s6  }
0xb6: {  	[hbm4b:s13+s3] =	stream.linear.scatter [tilespmem:s19], [sflag:$0x6], $0x80, $0x38;
	[tilespmem:$0x16300] =	vst v63  }
0xb7: {  	s14 =	simm.s32 $0xB988;
	s16 =	sadd.s32 $0x10, s13  }
0xb8: {  	[hbm4b:s16+s3] =	stream.linear.scatter [tilespmem:s14], [sflag:$0x6], $0x80, $0x38;
	[tilespmem:$0x16300] =	vst v63  }
0xb9: {  	s18 =	simm.s32 $0xBA10;
	s19 =	sadd.s32 $0x20, s13  }
0xba: {  	[hbm4b:s19+s3] =	stream.linear.scatter [tilespmem:s18], [sflag:$0x6], $0x80, $0x38;
	[tilespmem:$0x16300] =	vst v63  }
0xbb: {  	s14 =	simm.s32 $0xBA98;
	s16 =	sadd.s32 $0x30, s13  }
0xbc: {  	[hbm4b:s16+s3] =	stream.linear.scatter [tilespmem:s14], [sflag:$0x6], $0x80, $0x38;
	[tilespmem:$0x16300] =	vst v63  }
0xbd: {  	s18 =	simm.s32 $0xBB20;
	s19 =	sadd.s32 $0x40, s13  }
0xbe: {  	[hbm4b:s19+s3] =	stream.linear.scatter [tilespmem:s18], [sflag:$0x6], $0x80, $0x38;
	[tilespmem:$0x16300] =	vst v63  }
0xbf: {  	s6 =	simm.s32 $0x440;
	s14 =	simm.s32 $0xBBA8;
	s16 =	sadd.s32 $0x50, s13  }
0xc0: {  	[hbm4b:s16+s3] =	stream.linear.scatter [tilespmem:s14], [sflag:$0x6], $0x80, $0x38;
	[tilespmem:$0x16300] =	vst v63  }
0xc1: {  	s18 =	simm.s32 $0xBC30;
	s19 =	sadd.s32 $0x60, s13;
	s14 =	simm.s32 $0x2200  }
0xc2: {  	[hbm4b:s19+s3] =	stream.linear.scatter [tilespmem:s18], [sflag:$0x6], $0x80, $0x38;
	[tilespmem:$0x16300] =	vst v63  }
0xc3: {  	s16 =	simm.s32 $0xBCB8;
	s18 =	sadd.s32 $0x70, s13;
	s13 =	sadd.s32 $0x400, s13  }
.LBB2_5:
0xc4: {  	[hbm4b:s18+s3] =	stream.linear.scatter [tilespmem:s16], [sflag:$0x6], $0x80, $0x38;
	[tilespmem:$0x16300] =	vst v63  }
0xc5: {  	s16 =	smov.u32 s6;
	s6 =	smov.u32 s14  }
0xc6: {  	s19 =	sadd.s32 $0x1100, s14;
	s6 =	sshra.s32 s6, $0x2;
	s18 =	sadd.s32 $0xB900, s16  }
0xc7: {  	[hbm4b:s13+s3] =	stream.linear.scatter [tilespmem:s18], [sflag:$0x6], $0x80, $0x38;
	[tilespmem:$0x16300] =	vst v63  }
0xc8: {  	p1 =	sne.s32 s14, $0x7700;
	s14 =	sadd.s32 $0xB988, s16;
	s18 =	sadd.s32 $0x10, s13  }
0xc9: {  	[hbm4b:s18+s3] =	stream.linear.scatter [tilespmem:s14], [sflag:$0x6], $0x80, $0x38;
	[tilespmem:$0x16300] =	vst v63  }
0xca: {  	s14 =	sadd.s32 $0xBA10, s16;
	s18 =	sadd.s32 $0x20, s13  }
0xcb: {  	[hbm4b:s18+s3] =	stream.linear.scatter [tilespmem:s14], [sflag:$0x6], $0x80, $0x38;
	[tilespmem:$0x16300] =	vst v63  }
0xcc: {  	s14 =	sadd.s32 $0xBA98, s16;
	s18 =	sadd.s32 $0x30, s13  }
0xcd: {  	[hbm4b:s18+s3] =	stream.linear.scatter [tilespmem:s14], [sflag:$0x6], $0x80, $0x38;
	[tilespmem:$0x16300] =	vst v63  }
0xce: {  	s14 =	sadd.s32 $0xBB20, s16;
	s18 =	sadd.s32 $0x40, s13  }
0xcf: {  	[hbm4b:s18+s3] =	stream.linear.scatter [tilespmem:s14], [sflag:$0x6], $0x80, $0x38;
	[tilespmem:$0x16300] =	vst v63  }
.Ltmp1:
0xd0: {  	s14 =	sadd.s32 $0xBBA8, s16;
	s18 =	sadd.s32 $0x50, s13;
	(pc) =	sbr.rel @p1 .LBB2_5-.Ltmp1, $4  }
0xd1: {  	[hbm4b:s18+s3] =	stream.linear.scatter [tilespmem:s14], [sflag:$0x6], $0x80, $0x38;
	[tilespmem:$0x16300] =	vst v63  }
0xd2: {  	s14 =	sadd.s32 $0xBC30, s16;
	s18 =	sadd.s32 $0x60, s13;
	s16 =	sadd.s32 $0xBCB8, s16  }
0xd3: {  	[hbm4b:s18+s3] =	stream.linear.scatter [tilespmem:s14], [sflag:$0x6], $0x80, $0x38;
	[tilespmem:$0x16300] =	vst v63  }
0xd4: {  	s18 =	sadd.s32 $0x70, s13;
	s13 =	sadd.s32 $0x400, s13;
	s14 =	smov.u32 s19  }
0xd5: {  	[hbm4b:s18+s3] =	stream.linear.scatter [tilespmem:s16], [sflag:$0x6], $0x80, $0x38;
	[tilespmem:$0x16300] =	vst v63  }
0xd6: {  	s14 =	sadd.s32 $0xB900, s6  }
0xd7: {  	[hbm4b:s13+s3] =	stream.linear.scatter [tilespmem:s14], [sflag:$0x6], $0x80, $0x38;
	[tilespmem:$0x16300] =	vst v63  }
0xd8: {  	s18 =	sadd.s32 $0xB988, s6;
	s19 =	sadd.s32 $0x10, s13  }
0xd9: {  	[hbm4b:s19+s3] =	stream.linear.scatter [tilespmem:s18], [sflag:$0x6], $0x80, $0x38;
	[tilespmem:$0x16300] =	vst v63  }
0xda: {  	s18 =	sadd.s32 $0xBA10, s6;
	s19 =	sadd.s32 $0x20, s13  }
0xdb: {  	[hbm4b:s19+s3] =	stream.linear.scatter [tilespmem:s18], [sflag:$0x6], $0x80, $0x38;
	[tilespmem:$0x16300] =	vst v63  }
0xdc: {  	s18 =	sadd.s32 $0xBA98, s6;
	s19 =	sadd.s32 $0x30, s13  }
0xdd: {  	[hbm4b:s19+s3] =	stream.linear.scatter [tilespmem:s18], [sflag:$0x6], $0x80, $0x38;
	[tilespmem:$0x16300] =	vst v63  }
0xde: {  	s18 =	sadd.s32 $0xBB20, s6;
	s19 =	sadd.s32 $0x40, s13  }
0xdf: {  	[hbm4b:s19+s3] =	stream.linear.scatter [tilespmem:s18], [sflag:$0x6], $0x80, $0x38;
	[tilespmem:$0x16300] =	vst v63  }
0xe0: {  	p1 =	sne.s32 s10, $0x9;
	s18 =	sadd.s32 $0xBBA8, s6;
	s19 =	sadd.s32 $0x50, s13  }
0xe1: {  	[hbm4b:s19+s3] =	stream.linear.scatter [tilespmem:s18], [sflag:$0x6], $0x80, $0x38;
	[tilespmem:$0x16300] =	vst v63  }
.Ltmp2:
0xe2: {  	_ = 	snop;
	(pc) =	sbr.rel @p1 .LBB2_8-.Ltmp2, $4  }
0xe3: {  	s18 =	sadd.s32 $0xBC30, s6;
	s19 =	sadd.s32 $0x60, s13  }
0xe4: {  	[hbm4b:s19+s3] =	stream.linear.scatter [tilespmem:s18], [sflag:$0x6], $0x80, $0x38;
	[tilespmem:$0x16300] =	vst v63  }
0xe5: {  	s18 =	sadd.s32 $0xBCB8, s6;
	s19 =	sadd.s32 $0x70, s13  }
0xe6: {  	[hbm4b:s19+s3] =	stream.linear.scatter [tilespmem:s18], [sflag:$0x6], $0x80, $0x38;
	[tilespmem:$0x16300] =	vst v63  }
.Ltmp3:
0xe7: {  	(pc) =	sbr.rel .LBB2_9-.Ltmp3, $4  }
0xe8: {  	_ = 	snop  }
0xe9: {  	_ =	swait.ge [sflag:s22], $0x2000  }
0xea: {  	[sflag:s22] =	ssyncset.done $0x0  }
0xeb: {  	[sflag:s22] =	ssyncadd.s32 $0xFFFFE000  }
.LBB2_8:
0xec: {  	s6 =	smul.u32 $0xA00, s10;
	_ =	sdelay $0x1  }
0xed: {  	s6 =	sshra.s32 s6, $0x2  }
.Ltmp4:
0xee: {  	s13 =	simm.s32 $0x1900;
	s6 =	sadd.s32 $0x280, s6;
	(pc) =	sbr.rel @p0 .LBB2_10-.Ltmp4, $4  }
0xef: {  	[tilespmem:s13], [sflag:$0x1] =	stream.indirect.gather [hbm4b:s5+s12], $0x40, s6, s12, $0xb8;
	[tilespmem:$0x16300] =	vst v63  }
0xf0: {  	_ =	swait.ge [sflag:s22], $0x2000  }
0xf1: {  	[sflag:s22] =	ssyncset.done $0x0  }
0xf2: {  	[sflag:s22] =	ssyncadd.s32 $0xFFFFE000  }
.LBB2_9:
0xf3: {  	_ =	swait.ge [sflag:s23], $0x2000  }
0xf4: {  	[sflag:s23] =	ssyncset.done $0x0  }
0xf5: {  	[sflag:s23] =	ssyncadd.s32 $0xFFFFE000  }
.LBB2_10:
0xf6: {  	s13 =	simm.s32 $0x0;
	s6 =	simm.s32 $0x3980  }
0xf7: {  	v4 =	vmov s13;
	v5 =	vld [tilespmem:s6+$0xFFFFFF80]  }
0xf8: {  	v4 =	vand.u32 $0x7C, v4  }
0xf9: {  	v6 =	vadd.s32 v0, v4;
	_ =	sdelay $0x2  }
0xfa: {  	v5 =	vmul.f32 $8.000000000e+00, v5;
	_ =	sdelay $0x1  }
0xfb: {  	[tilespmem:v6+s24+$0x0] =	vst.idx.msk $0xffff, v5  }
0xfc: {  	v5 =	vld [tilespmem:s6+$0xFFFFFF90];
	_ =	sdelay $0x1  }
0xfd: {  	v6 =	vadd.s32 v1, v4;
	_ =	sdelay $0x2  }
0xfe: {  	v5 =	vmul.f32 $8.000000000e+00, v5;
	_ =	sdelay $0x1  }
0xff: {  	[tilespmem:v6+s24+$0x0] =	vst.idx.msk $0xffff, v5  }
0x100: {  	v5 =	vld [tilespmem:s6+$0xFFFFFFA0];
	_ =	sdelay $0x1  }
0x101: {  	v6 =	vadd.s32 v2, v4;
	_ =	sdelay $0x2  }
0x102: {  	v5 =	vmul.f32 $8.000000000e+00, v5;
	_ =	sdelay $0x1  }
0x103: {  	[tilespmem:v6+s24+$0x0] =	vst.idx.msk $0xffff, v5  }
0x104: {  	v5 =	vld [tilespmem:s6+$0xFFFFFFB0];
	_ =	sdelay $0x1  }
0x105: {  	v4 =	vadd.s32 v3, v4;
	_ =	sdelay $0x2  }
0x106: {  	v5 =	vmul.f32 $8.000000000e+00, v5;
	_ =	sdelay $0x1  }
0x107: {  	s16 =	simm.s32 $0x1;
	[tilespmem:v4+s24+$0x0] =	vst.idx.msk $0xffff, v5  }
0x108: {  	v4 =	vmov s16;
	v5 =	vld [tilespmem:s6+$0xFFFFFFC0]  }
0x109: {  	v4 =	vand.u32 $0x7D, v4  }
0x10a: {  	v6 =	vadd.s32 v0, v4;
	_ =	sdelay $0x2  }
0x10b: {  	v5 =	vmul.f32 $8.000000000e+00, v5;
	_ =	sdelay $0x1  }
0x10c: {  	[tilespmem:v6+s24+$0x0] =	vst.idx.msk $0xffff, v5  }
0x10d: {  	v5 =	vld [tilespmem:s6+$0xFFFFFFD0];
	_ =	sdelay $0x1  }
0x10e: {  	v6 =	vadd.s32 v1, v4;
	_ =	sdelay $0x2  }
0x10f: {  	v5 =	vmul.f32 $8.000000000e+00, v5;
	_ =	sdelay $0x1  }
0x110: {  	[tilespmem:v6+s24+$0x0] =	vst.idx.msk $0xffff, v5  }
0x111: {  	v5 =	vld [tilespmem:s6+$0xFFFFFFE0];
	_ =	sdelay $0x1  }
0x112: {  	v6 =	vadd.s32 v2, v4;
	_ =	sdelay $0x2  }
0x113: {  	v5 =	vmul.f32 $8.000000000e+00, v5;
	_ =	sdelay $0x1  }
0x114: {  	[tilespmem:v6+s24+$0x0] =	vst.idx.msk $0xffff, v5  }
0x115: {  	v5 =	vld [tilespmem:s6+$0xFFFFFFF0];
	_ =	sdelay $0x1  }
0x116: {  	v4 =	vadd.s32 v3, v4;
	_ =	sdelay $0x2  }
0x117: {  	v5 =	vmul.f32 $8.000000000e+00, v5;
	_ =	sdelay $0x1  }
0x118: {  	s18 =	simm.s32 $0x2;
	[tilespmem:v4+s24+$0x0] =	vst.idx.msk $0xffff, v5  }
0x119: {  	v4 =	vmov s18;
	v5 =	vld [tilespmem:s6+$0x0]  }
0x11a: {  	v4 =	vand.u32 $0x7E, v4  }
0x11b: {  	v6 =	vadd.s32 v0, v4;
	_ =	sdelay $0x2  }
0x11c: {  	v5 =	vmul.f32 $8.000000000e+00, v5;
	_ =	sdelay $0x1  }
0x11d: {  	[tilespmem:v6+s24+$0x0] =	vst.idx.msk $0xffff, v5  }
0x11e: {  	v5 =	vld [tilespmem:s6+$0x10];
	_ =	sdelay $0x1  }
0x11f: {  	v6 =	vadd.s32 v1, v4;
	_ =	sdelay $0x2  }
0x120: {  	v5 =	vmul.f32 $8.000000000e+00, v5;
	_ =	sdelay $0x1  }
0x121: {  	[tilespmem:v6+s24+$0x0] =	vst.idx.msk $0xffff, v5  }
0x122: {  	v5 =	vld [tilespmem:s6+$0x20];
	_ =	sdelay $0x1  }
0x123: {  	v6 =	vadd.s32 v2, v4;
	_ =	sdelay $0x2  }
0x124: {  	v5 =	vmul.f32 $8.000000000e+00, v5;
	_ =	sdelay $0x1  }
0x125: {  	[tilespmem:v6+s24+$0x0] =	vst.idx.msk $0xffff, v5  }
0x126: {  	v5 =	vld [tilespmem:s6+$0x30];
	_ =	sdelay $0x1  }
0x127: {  	v4 =	vadd.s32 v3, v4;
	_ =	sdelay $0x2  }
0x128: {  	v5 =	vmul.f32 $8.000000000e+00, v5;
	_ =	sdelay $0x1  }
0x129: {  	s19 =	simm.s32 $0x3;
	[tilespmem:v4+s24+$0x0] =	vst.idx.msk $0xffff, v5  }
0x12a: {  	v4 =	vmov s19;
	v5 =	vld [tilespmem:s6+$0x40]  }
0x12b: {  	v4 =	vand.u32 $0x7F, v4  }
0x12c: {  	v6 =	vadd.s32 v0, v4;
	_ =	sdelay $0x2  }
0x12d: {  	v5 =	vmul.f32 $8.000000000e+00, v5;
	_ =	sdelay $0x1  }
0x12e: {  	[tilespmem:v6+s24+$0x0] =	vst.idx.msk $0xffff, v5  }
0x12f: {  	v5 =	vld [tilespmem:s6+$0x50];
	_ =	sdelay $0x1  }
0x130: {  	v6 =	vadd.s32 v1, v4;
	_ =	sdelay $0x2  }
0x131: {  	v5 =	vmul.f32 $8.000000000e+00, v5;
	_ =	sdelay $0x1  }
0x132: {  	[tilespmem:v6+s24+$0x0] =	vst.idx.msk $0xffff, v5  }
0x133: {  	v5 =	vld [tilespmem:s6+$0x60];
	_ =	sdelay $0x1  }
0x134: {  	v6 =	vadd.s32 v2, v4;
	_ =	sdelay $0x2  }
0x135: {  	v5 =	vmul.f32 $8.000000000e+00, v5;
	_ =	sdelay $0x1  }
0x136: {  	[tilespmem:v6+s24+$0x0] =	vst.idx.msk $0xffff, v5  }
0x137: {  	v5 =	vld [tilespmem:s6+$0x70];
	_ =	sdelay $0x1  }
0x138: {  	v4 =	vadd.s32 v3, v4;
	_ =	sdelay $0x2  }
0x139: {  	s13 =	simm.s32 $0x4;
	v5 =	vmul.f32 $8.000000000e+00, v5  }
.LBB2_11:
0x13a: {  	p2 =	sne.s32 s13, $0x7C  }
0x13b: {  	s6 =	sadd.s32 $0x100, s6;
	s14 =	smov.u32 s13;
	s13 =	sadd.s32 $0x4, s13;
	[tilespmem:v4+s24+$0x0] =	vst.idx.msk $0xffff, v5  }
0x13c: {  	v4 =	vmov s14;
	v5 =	vld [tilespmem:s6+$0xFFFFFF80]  }
0x13d: {  	v4 =	vand.u32 $0x7C, v4  }
0x13e: {  	v6 =	vadd.s32 v0, v4;
	_ =	sdelay $0x2  }
0x13f: {  	v5 =	vmul.f32 $8.000000000e+00, v5;
	_ =	sdelay $0x1  }
0x140: {  	[tilespmem:v6+s24+$0x0] =	vst.idx.msk $0xffff, v5  }
0x141: {  	v5 =	vld [tilespmem:s6+$0xFFFFFF90];
	_ =	sdelay $0x1  }
0x142: {  	v6 =	vadd.s32 v1, v4;
	_ =	sdelay $0x2  }
0x143: {  	v5 =	vmul.f32 $8.000000000e+00, v5;
	_ =	sdelay $0x1  }
0x144: {  	[tilespmem:v6+s24+$0x0] =	vst.idx.msk $0xffff, v5  }
0x145: {  	v5 =	vld [tilespmem:s6+$0xFFFFFFA0];
	_ =	sdelay $0x1  }
0x146: {  	v6 =	vadd.s32 v2, v4;
	_ =	sdelay $0x2  }
0x147: {  	v5 =	vmul.f32 $8.000000000e+00, v5;
	_ =	sdelay $0x1  }
0x148: {  	[tilespmem:v6+s24+$0x0] =	vst.idx.msk $0xffff, v5  }
0x149: {  	v5 =	vld [tilespmem:s6+$0xFFFFFFB0];
	_ =	sdelay $0x1  }
0x14a: {  	v4 =	vadd.s32 v3, v4;
	_ =	sdelay $0x2  }
0x14b: {  	v5 =	vmul.f32 $8.000000000e+00, v5;
	_ =	sdelay $0x1  }
0x14c: {  	s16 =	sadd.s32 $0x1, s14;
	[tilespmem:v4+s24+$0x0] =	vst.idx.msk $0xffff, v5  }
0x14d: {  	v4 =	vmov s16;
	v5 =	vld [tilespmem:s6+$0xFFFFFFC0]  }
0x14e: {  	v4 =	vand.u32 $0x7D, v4  }
0x14f: {  	v6 =	vadd.s32 v0, v4;
	_ =	sdelay $0x2  }
0x150: {  	v5 =	vmul.f32 $8.000000000e+00, v5;
	_ =	sdelay $0x1  }
0x151: {  	[tilespmem:v6+s24+$0x0] =	vst.idx.msk $0xffff, v5  }
0x152: {  	v5 =	vld [tilespmem:s6+$0xFFFFFFD0];
	_ =	sdelay $0x1  }
0x153: {  	v6 =	vadd.s32 v1, v4;
	_ =	sdelay $0x2  }
0x154: {  	v5 =	vmul.f32 $8.000000000e+00, v5;
	_ =	sdelay $0x1  }
0x155: {  	[tilespmem:v6+s24+$0x0] =	vst.idx.msk $0xffff, v5  }
0x156: {  	v5 =	vld [tilespmem:s6+$0xFFFFFFE0];
	_ =	sdelay $0x1  }
0x157: {  	v6 =	vadd.s32 v2, v4;
	_ =	sdelay $0x2  }
0x158: {  	v5 =	vmul.f32 $8.000000000e+00, v5;
	_ =	sdelay $0x1  }
0x159: {  	[tilespmem:v6+s24+$0x0] =	vst.idx.msk $0xffff, v5  }
0x15a: {  	v5 =	vld [tilespmem:s6+$0xFFFFFFF0];
	_ =	sdelay $0x1  }
0x15b: {  	v4 =	vadd.s32 v3, v4;
	_ =	sdelay $0x2  }
0x15c: {  	v5 =	vmul.f32 $8.000000000e+00, v5;
	_ =	sdelay $0x1  }
0x15d: {  	s16 =	sadd.s32 $0x2, s14;
	[tilespmem:v4+s24+$0x0] =	vst.idx.msk $0xffff, v5  }
0x15e: {  	v4 =	vmov s16;
	v5 =	vld [tilespmem:s6+$0x0]  }
0x15f: {  	v4 =	vand.u32 $0x7E, v4  }
0x160: {  	v6 =	vadd.s32 v0, v4;
	_ =	sdelay $0x2  }
0x161: {  	v5 =	vmul.f32 $8.000000000e+00, v5;
	_ =	sdelay $0x1  }
0x162: {  	[tilespmem:v6+s24+$0x0] =	vst.idx.msk $0xffff, v5  }
0x163: {  	v5 =	vld [tilespmem:s6+$0x10];
	_ =	sdelay $0x1  }
0x164: {  	v6 =	vadd.s32 v1, v4;
	_ =	sdelay $0x2  }
0x165: {  	v5 =	vmul.f32 $8.000000000e+00, v5;
	_ =	sdelay $0x1  }
0x166: {  	[tilespmem:v6+s24+$0x0] =	vst.idx.msk $0xffff, v5  }
0x167: {  	v5 =	vld [tilespmem:s6+$0x20];
	_ =	sdelay $0x1  }
0x168: {  	v6 =	vadd.s32 v2, v4;
	_ =	sdelay $0x2  }
0x169: {  	v5 =	vmul.f32 $8.000000000e+00, v5;
	_ =	sdelay $0x1  }
0x16a: {  	[tilespmem:v6+s24+$0x0] =	vst.idx.msk $0xffff, v5  }
0x16b: {  	v5 =	vld [tilespmem:s6+$0x30];
	_ =	sdelay $0x1  }
0x16c: {  	v4 =	vadd.s32 v3, v4;
	_ =	sdelay $0x2  }
0x16d: {  	v5 =	vmul.f32 $8.000000000e+00, v5;
	_ =	sdelay $0x1  }
0x16e: {  	s14 =	sadd.s32 $0x3, s14;
	[tilespmem:v4+s24+$0x0] =	vst.idx.msk $0xffff, v5  }
0x16f: {  	v4 =	vmov s14;
	v5 =	vld [tilespmem:s6+$0x40]  }
0x170: {  	v4 =	vand.u32 $0x7F, v4  }
0x171: {  	v6 =	vadd.s32 v0, v4;
	_ =	sdelay $0x2  }
0x172: {  	v5 =	vmul.f32 $8.000000000e+00, v5;
	_ =	sdelay $0x1  }
0x173: {  	[tilespmem:v6+s24+$0x0] =	vst.idx.msk $0xffff, v5  }
0x174: {  	v5 =	vld [tilespmem:s6+$0x50];
	_ =	sdelay $0x1  }
0x175: {  	v6 =	vadd.s32 v1, v4;
	_ =	sdelay $0x2  }
0x176: {  	v5 =	vmul.f32 $8.000000000e+00, v5;
	_ =	sdelay $0x1  }
0x177: {  	[tilespmem:v6+s24+$0x0] =	vst.idx.msk $0xffff, v5  }
0x178: {  	v5 =	vld [tilespmem:s6+$0x60];
	_ =	sdelay $0x1  }
0x179: {  	v6 =	vadd.s32 v2, v4;
	_ =	sdelay $0x2  }
0x17a: {  	v5 =	vmul.f32 $8.000000000e+00, v5;
	_ =	sdelay $0x1  }
0x17b: {  	[tilespmem:v6+s24+$0x0] =	vst.idx.msk $0xffff, v5  }
0x17c: {  	v5 =	vld [tilespmem:s6+$0x70]  }
.Ltmp5:
0x17d: {  	(pc) =	sbr.rel @p2 .LBB2_11-.Ltmp5, $2  }
0x17e: {  	v4 =	vadd.s32 v3, v4;
	_ =	sdelay $0x2  }
0x17f: {  	v5 =	vmul.f32 $8.000000000e+00, v5  }
0x180: {  	s6 =	sadd.s32 s17, s7  }
0x181: {  	s13 =	sshll.u32 s6, $0xA;
	s14 =	sshll.u32 s6, $0xD;
	s6 =	sshll.u32 s6, $0x4  }
0x182: {  	s13 =	sand.u32 $0xFFF0000, s13;
	s14 =	sand.u32 $0xE000, s14;
	s6 =	sand.u32 $0x380, s6  }
0x183: {  	s13 =	sor.u32 s14, s13;
	s6 =	sadd.s32 s2, s6  }
0x184: {  	s19 =	simm.s32 $0xDB00;
	[tilespmem:v4+s24+$0x0] =	vst.idx.msk $0xffff, v5;
	s13 =	sadd.s32 s13, s6  }
0x185: {  	[hbm4b:s13+s3] =	stream.linear.scatter [tilespmem:s19], [sflag:$0x7], $0x80, $0x38;
	[tilespmem:$0x16300] =	vst v63  }
0x186: {  	s14 =	simm.s32 $0xDB88;
	s16 =	sadd.s32 $0x10, s13  }
0x187: {  	[hbm4b:s16+s3] =	stream.linear.scatter [tilespmem:s14], [sflag:$0x7], $0x80, $0x38;
	[tilespmem:$0x16300] =	vst v63  }
0x188: {  	s18 =	simm.s32 $0xDC10;
	s19 =	sadd.s32 $0x20, s13  }
0x189: {  	[hbm4b:s19+s3] =	stream.linear.scatter [tilespmem:s18], [sflag:$0x7], $0x80, $0x38;
	[tilespmem:$0x16300] =	vst v63  }
0x18a: {  	s14 =	simm.s32 $0xDC98;
	s16 =	sadd.s32 $0x30, s13  }
0x18b: {  	[hbm4b:s16+s3] =	stream.linear.scatter [tilespmem:s14], [sflag:$0x7], $0x80, $0x38;
	[tilespmem:$0x16300] =	vst v63  }
0x18c: {  	s18 =	simm.s32 $0xDD20;
	s19 =	sadd.s32 $0x40, s13  }
0x18d: {  	[hbm4b:s19+s3] =	stream.linear.scatter [tilespmem:s18], [sflag:$0x7], $0x80, $0x38;
	[tilespmem:$0x16300] =	vst v63  }
0x18e: {  	s6 =	simm.s32 $0x440;
	s14 =	simm.s32 $0xDDA8;
	s16 =	sadd.s32 $0x50, s13  }
0x18f: {  	[hbm4b:s16+s3] =	stream.linear.scatter [tilespmem:s14], [sflag:$0x7], $0x80, $0x38;
	[tilespmem:$0x16300] =	vst v63  }
0x190: {  	s18 =	simm.s32 $0xDE30;
	s19 =	sadd.s32 $0x60, s13;
	s14 =	simm.s32 $0x2200  }
0x191: {  	[hbm4b:s19+s3] =	stream.linear.scatter [tilespmem:s18], [sflag:$0x7], $0x80, $0x38;
	[tilespmem:$0x16300] =	vst v63  }
0x192: {  	s16 =	simm.s32 $0xDEB8;
	s18 =	sadd.s32 $0x70, s13;
	s13 =	sadd.s32 $0x400, s13  }
.LBB2_13:
0x193: {  	[hbm4b:s18+s3] =	stream.linear.scatter [tilespmem:s16], [sflag:$0x7], $0x80, $0x38;
	[tilespmem:$0x16300] =	vst v63  }
0x194: {  	s16 =	smov.u32 s6;
	s6 =	smov.u32 s14  }
0x195: {  	s19 =	sadd.s32 $0x1100, s14;
	s6 =	sshra.s32 s6, $0x2;
	s18 =	sadd.s32 $0xDB00, s16  }
0x196: {  	[hbm4b:s13+s3] =	stream.linear.scatter [tilespmem:s18], [sflag:$0x7], $0x80, $0x38;
	[tilespmem:$0x16300] =	vst v63  }
0x197: {  	p2 =	sne.s32 s14, $0x7700;
	s14 =	sadd.s32 $0xDB88, s16;
	s18 =	sadd.s32 $0x10, s13  }
0x198: {  	[hbm4b:s18+s3] =	stream.linear.scatter [tilespmem:s14], [sflag:$0x7], $0x80, $0x38;
	[tilespmem:$0x16300] =	vst v63  }
0x199: {  	s14 =	sadd.s32 $0xDC10, s16;
	s18 =	sadd.s32 $0x20, s13  }
0x19a: {  	[hbm4b:s18+s3] =	stream.linear.scatter [tilespmem:s14], [sflag:$0x7], $0x80, $0x38;
	[tilespmem:$0x16300] =	vst v63  }
0x19b: {  	s14 =	sadd.s32 $0xDC98, s16;
	s18 =	sadd.s32 $0x30, s13  }
0x19c: {  	[hbm4b:s18+s3] =	stream.linear.scatter [tilespmem:s14], [sflag:$0x7], $0x80, $0x38;
	[tilespmem:$0x16300] =	vst v63  }
0x19d: {  	s14 =	sadd.s32 $0xDD20, s16;
	s18 =	sadd.s32 $0x40, s13  }
0x19e: {  	[hbm4b:s18+s3] =	stream.linear.scatter [tilespmem:s14], [sflag:$0x7], $0x80, $0x38;
	[tilespmem:$0x16300] =	vst v63  }
.Ltmp6:
0x19f: {  	s14 =	sadd.s32 $0xDDA8, s16;
	s18 =	sadd.s32 $0x50, s13;
	(pc) =	sbr.rel @p2 .LBB2_13-.Ltmp6, $4  }
0x1a0: {  	[hbm4b:s18+s3] =	stream.linear.scatter [tilespmem:s14], [sflag:$0x7], $0x80, $0x38;
	[tilespmem:$0x16300] =	vst v63  }
0x1a1: {  	s14 =	sadd.s32 $0xDE30, s16;
	s18 =	sadd.s32 $0x60, s13;
	s16 =	sadd.s32 $0xDEB8, s16  }
0x1a2: {  	[hbm4b:s18+s3] =	stream.linear.scatter [tilespmem:s14], [sflag:$0x7], $0x80, $0x38;
	[tilespmem:$0x16300] =	vst v63  }
0x1a3: {  	s18 =	sadd.s32 $0x70, s13;
	s13 =	sadd.s32 $0x400, s13;
	s14 =	smov.u32 s19  }
0x1a4: {  	[hbm4b:s18+s3] =	stream.linear.scatter [tilespmem:s16], [sflag:$0x7], $0x80, $0x38;
	[tilespmem:$0x16300] =	vst v63  }
0x1a5: {  	s14 =	sadd.s32 $0xDB00, s6  }
0x1a6: {  	[hbm4b:s13+s3] =	stream.linear.scatter [tilespmem:s14], [sflag:$0x7], $0x80, $0x38;
	[tilespmem:$0x16300] =	vst v63  }
0x1a7: {  	s18 =	sadd.s32 $0xDB88, s6;
	s19 =	sadd.s32 $0x10, s13  }
0x1a8: {  	[hbm4b:s19+s3] =	stream.linear.scatter [tilespmem:s18], [sflag:$0x7], $0x80, $0x38;
	[tilespmem:$0x16300] =	vst v63  }
0x1a9: {  	s18 =	sadd.s32 $0xDC10, s6;
	s19 =	sadd.s32 $0x20, s13  }
0x1aa: {  	[hbm4b:s19+s3] =	stream.linear.scatter [tilespmem:s18], [sflag:$0x7], $0x80, $0x38;
	[tilespmem:$0x16300] =	vst v63  }
0x1ab: {  	s18 =	sadd.s32 $0xDC98, s6;
	s19 =	sadd.s32 $0x30, s13  }
0x1ac: {  	[hbm4b:s19+s3] =	stream.linear.scatter [tilespmem:s18], [sflag:$0x7], $0x80, $0x38;
	[tilespmem:$0x16300] =	vst v63  }
0x1ad: {  	s18 =	sadd.s32 $0xDD20, s6;
	s19 =	sadd.s32 $0x40, s13  }
0x1ae: {  	[hbm4b:s19+s3] =	stream.linear.scatter [tilespmem:s18], [sflag:$0x7], $0x80, $0x38;
	[tilespmem:$0x16300] =	vst v63  }
0x1af: {  	s18 =	sadd.s32 $0xDDA8, s6;
	s19 =	sadd.s32 $0x50, s13  }
0x1b0: {  	[hbm4b:s19+s3] =	stream.linear.scatter [tilespmem:s18], [sflag:$0x7], $0x80, $0x38;
	[tilespmem:$0x16300] =	vst v63  }
.Ltmp7:
0x1b1: {  	_ = 	snop;
	(pc) =	sbr.rel @p1 .LBB2_16-.Ltmp7, $4  }
0x1b2: {  	s18 =	sadd.s32 $0xDE30, s6;
	s19 =	sadd.s32 $0x60, s13  }
0x1b3: {  	[hbm4b:s19+s3] =	stream.linear.scatter [tilespmem:s18], [sflag:$0x7], $0x80, $0x38;
	[tilespmem:$0x16300] =	vst v63  }
0x1b4: {  	s18 =	sadd.s32 $0xDEB8, s6;
	s19 =	sadd.s32 $0x70, s13  }
0x1b5: {  	[hbm4b:s19+s3] =	stream.linear.scatter [tilespmem:s18], [sflag:$0x7], $0x80, $0x38;
	[tilespmem:$0x16300] =	vst v63  }
.Ltmp8:
0x1b6: {  	(pc) =	sbr.rel .LBB2_17-.Ltmp8, $4  }
0x1b7: {  	_ = 	snop  }
0x1b8: {  	_ =	swait.ge [sflag:s25], $0x2000  }
0x1b9: {  	[sflag:s25] =	ssyncset.done $0x0  }
0x1ba: {  	[sflag:s25] =	ssyncadd.s32 $0xFFFFE000  }
.LBB2_16:
0x1bb: {  	s6 =	smul.u32 $0xA00, s10;
	_ =	sdelay $0x1  }
0x1bc: {  	s6 =	sshra.s32 s6, $0x2  }
.Ltmp9:
0x1bd: {  	s13 =	simm.s32 $0x3900;
	s6 =	sadd.s32 $0x300, s6;
	(pc) =	sbr.rel @p0 .LBB2_18-.Ltmp9, $4  }
0x1be: {  	[tilespmem:s13], [sflag:$0x2] =	stream.indirect.gather [hbm4b:s5+s12], $0x40, s6, s12, $0xb8;
	[tilespmem:$0x16300] =	vst v63  }
0x1bf: {  	_ =	swait.ge [sflag:s25], $0x2000  }
0x1c0: {  	[sflag:s25] =	ssyncset.done $0x0  }
0x1c1: {  	[sflag:s25] =	ssyncadd.s32 $0xFFFFE000  }
.LBB2_17:
0x1c2: {  	_ =	swait.ge [sflag:s26], $0x2000  }
0x1c3: {  	[sflag:s26] =	ssyncset.done $0x0  }
0x1c4: {  	[sflag:s26] =	ssyncadd.s32 $0xFFFFE000  }
.LBB2_18:
0x1c5: {  	s13 =	simm.s32 $0x0;
	s6 =	simm.s32 $0x5980  }
0x1c6: {  	v4 =	vmov s13;
	v5 =	vld [tilespmem:s6+$0xFFFFFF80]  }
0x1c7: {  	v4 =	vand.u32 $0x7C, v4  }
0x1c8: {  	v6 =	vadd.s32 v0, v4;
	_ =	sdelay $0x2  }
0x1c9: {  	v5 =	vmul.f32 $8.000000000e+00, v5;
	_ =	sdelay $0x1  }
0x1ca: {  	[tilespmem:v6+s28+$0x0] =	vst.idx.msk $0xffff, v5  }
0x1cb: {  	v5 =	vld [tilespmem:s6+$0xFFFFFF90];
	_ =	sdelay $0x1  }
0x1cc: {  	v6 =	vadd.s32 v1, v4;
	_ =	sdelay $0x2  }
0x1cd: {  	v5 =	vmul.f32 $8.000000000e+00, v5;
	_ =	sdelay $0x1  }
0x1ce: {  	[tilespmem:v6+s28+$0x0] =	vst.idx.msk $0xffff, v5  }
0x1cf: {  	v5 =	vld [tilespmem:s6+$0xFFFFFFA0];
	_ =	sdelay $0x1  }
0x1d0: {  	v6 =	vadd.s32 v2, v4;
	_ =	sdelay $0x2  }
0x1d1: {  	v5 =	vmul.f32 $8.000000000e+00, v5;
	_ =	sdelay $0x1  }
0x1d2: {  	[tilespmem:v6+s28+$0x0] =	vst.idx.msk $0xffff, v5  }
0x1d3: {  	v5 =	vld [tilespmem:s6+$0xFFFFFFB0];
	_ =	sdelay $0x1  }
0x1d4: {  	v4 =	vadd.s32 v3, v4;
	_ =	sdelay $0x2  }
0x1d5: {  	v5 =	vmul.f32 $8.000000000e+00, v5;
	_ =	sdelay $0x1  }
0x1d6: {  	s16 =	simm.s32 $0x1;
	[tilespmem:v4+s28+$0x0] =	vst.idx.msk $0xffff, v5  }
0x1d7: {  	v4 =	vmov s16;
	v5 =	vld [tilespmem:s6+$0xFFFFFFC0]  }
0x1d8: {  	v4 =	vand.u32 $0x7D, v4  }
0x1d9: {  	v6 =	vadd.s32 v0, v4;
	_ =	sdelay $0x2  }
0x1da: {  	v5 =	vmul.f32 $8.000000000e+00, v5;
	_ =	sdelay $0x1  }
0x1db: {  	[tilespmem:v6+s28+$0x0] =	vst.idx.msk $0xffff, v5  }
0x1dc: {  	v5 =	vld [tilespmem:s6+$0xFFFFFFD0];
	_ =	sdelay $0x1  }
0x1dd: {  	v6 =	vadd.s32 v1, v4;
	_ =	sdelay $0x2  }
0x1de: {  	v5 =	vmul.f32 $8.000000000e+00, v5;
	_ =	sdelay $0x1  }
0x1df: {  	[tilespmem:v6+s28+$0x0] =	vst.idx.msk $0xffff, v5  }
0x1e0: {  	v5 =	vld [tilespmem:s6+$0xFFFFFFE0];
	_ =	sdelay $0x1  }
0x1e1: {  	v6 =	vadd.s32 v2, v4;
	_ =	sdelay $0x2  }
0x1e2: {  	v5 =	vmul.f32 $8.000000000e+00, v5;
	_ =	sdelay $0x1  }
0x1e3: {  	[tilespmem:v6+s28+$0x0] =	vst.idx.msk $0xffff, v5  }
0x1e4: {  	v5 =	vld [tilespmem:s6+$0xFFFFFFF0];
	_ =	sdelay $0x1  }
0x1e5: {  	v4 =	vadd.s32 v3, v4;
	_ =	sdelay $0x2  }
0x1e6: {  	v5 =	vmul.f32 $8.000000000e+00, v5;
	_ =	sdelay $0x1  }
0x1e7: {  	s18 =	simm.s32 $0x2;
	[tilespmem:v4+s28+$0x0] =	vst.idx.msk $0xffff, v5  }
0x1e8: {  	v4 =	vmov s18;
	v5 =	vld [tilespmem:s6+$0x0]  }
0x1e9: {  	v4 =	vand.u32 $0x7E, v4  }
0x1ea: {  	v6 =	vadd.s32 v0, v4;
	_ =	sdelay $0x2  }
0x1eb: {  	v5 =	vmul.f32 $8.000000000e+00, v5;
	_ =	sdelay $0x1  }
0x1ec: {  	[tilespmem:v6+s28+$0x0] =	vst.idx.msk $0xffff, v5  }
0x1ed: {  	v5 =	vld [tilespmem:s6+$0x10];
	_ =	sdelay $0x1  }
0x1ee: {  	v6 =	vadd.s32 v1, v4;
	_ =	sdelay $0x2  }
0x1ef: {  	v5 =	vmul.f32 $8.000000000e+00, v5;
	_ =	sdelay $0x1  }
0x1f0: {  	[tilespmem:v6+s28+$0x0] =	vst.idx.msk $0xffff, v5  }
0x1f1: {  	v5 =	vld [tilespmem:s6+$0x20];
	_ =	sdelay $0x1  }
0x1f2: {  	v6 =	vadd.s32 v2, v4;
	_ =	sdelay $0x2  }
0x1f3: {  	v5 =	vmul.f32 $8.000000000e+00, v5;
	_ =	sdelay $0x1  }
0x1f4: {  	[tilespmem:v6+s28+$0x0] =	vst.idx.msk $0xffff, v5  }
0x1f5: {  	v5 =	vld [tilespmem:s6+$0x30];
	_ =	sdelay $0x1  }
0x1f6: {  	v4 =	vadd.s32 v3, v4;
	_ =	sdelay $0x2  }
0x1f7: {  	v5 =	vmul.f32 $8.000000000e+00, v5;
	_ =	sdelay $0x1  }
0x1f8: {  	s19 =	simm.s32 $0x3;
	[tilespmem:v4+s28+$0x0] =	vst.idx.msk $0xffff, v5  }
0x1f9: {  	v4 =	vmov s19;
	v5 =	vld [tilespmem:s6+$0x40]  }
0x1fa: {  	v4 =	vand.u32 $0x7F, v4  }
0x1fb: {  	v6 =	vadd.s32 v0, v4;
	_ =	sdelay $0x2  }
0x1fc: {  	v5 =	vmul.f32 $8.000000000e+00, v5;
	_ =	sdelay $0x1  }
0x1fd: {  	[tilespmem:v6+s28+$0x0] =	vst.idx.msk $0xffff, v5  }
0x1fe: {  	v5 =	vld [tilespmem:s6+$0x50];
	_ =	sdelay $0x1  }
0x1ff: {  	v6 =	vadd.s32 v1, v4;
	_ =	sdelay $0x2  }
0x200: {  	v5 =	vmul.f32 $8.000000000e+00, v5;
	_ =	sdelay $0x1  }
0x201: {  	[tilespmem:v6+s28+$0x0] =	vst.idx.msk $0xffff, v5  }
0x202: {  	v5 =	vld [tilespmem:s6+$0x60];
	_ =	sdelay $0x1  }
0x203: {  	v6 =	vadd.s32 v2, v4;
	_ =	sdelay $0x2  }
0x204: {  	v5 =	vmul.f32 $8.000000000e+00, v5;
	_ =	sdelay $0x1  }
0x205: {  	[tilespmem:v6+s28+$0x0] =	vst.idx.msk $0xffff, v5  }
0x206: {  	v5 =	vld [tilespmem:s6+$0x70];
	_ =	sdelay $0x1  }
0x207: {  	v4 =	vadd.s32 v3, v4;
	_ =	sdelay $0x2  }
0x208: {  	s13 =	simm.s32 $0x4;
	v5 =	vmul.f32 $8.000000000e+00, v5  }
.LBB2_19:
0x209: {  	p2 =	sne.s32 s13, $0x7C  }
0x20a: {  	s6 =	sadd.s32 $0x100, s6;
	s14 =	smov.u32 s13;
	s13 =	sadd.s32 $0x4, s13;
	[tilespmem:v4+s28+$0x0] =	vst.idx.msk $0xffff, v5  }
0x20b: {  	v4 =	vmov s14;
	v5 =	vld [tilespmem:s6+$0xFFFFFF80]  }
0x20c: {  	v4 =	vand.u32 $0x7C, v4  }
0x20d: {  	v6 =	vadd.s32 v0, v4;
	_ =	sdelay $0x2  }
0x20e: {  	v5 =	vmul.f32 $8.000000000e+00, v5;
	_ =	sdelay $0x1  }
0x20f: {  	[tilespmem:v6+s28+$0x0] =	vst.idx.msk $0xffff, v5  }
0x210: {  	v5 =	vld [tilespmem:s6+$0xFFFFFF90];
	_ =	sdelay $0x1  }
0x211: {  	v6 =	vadd.s32 v1, v4;
	_ =	sdelay $0x2  }
0x212: {  	v5 =	vmul.f32 $8.000000000e+00, v5;
	_ =	sdelay $0x1  }
0x213: {  	[tilespmem:v6+s28+$0x0] =	vst.idx.msk $0xffff, v5  }
0x214: {  	v5 =	vld [tilespmem:s6+$0xFFFFFFA0];
	_ =	sdelay $0x1  }
0x215: {  	v6 =	vadd.s32 v2, v4;
	_ =	sdelay $0x2  }
0x216: {  	v5 =	vmul.f32 $8.000000000e+00, v5;
	_ =	sdelay $0x1  }
0x217: {  	[tilespmem:v6+s28+$0x0] =	vst.idx.msk $0xffff, v5  }
0x218: {  	v5 =	vld [tilespmem:s6+$0xFFFFFFB0];
	_ =	sdelay $0x1  }
0x219: {  	v4 =	vadd.s32 v3, v4;
	_ =	sdelay $0x2  }
0x21a: {  	v5 =	vmul.f32 $8.000000000e+00, v5;
	_ =	sdelay $0x1  }
0x21b: {  	s16 =	sadd.s32 $0x1, s14;
	[tilespmem:v4+s28+$0x0] =	vst.idx.msk $0xffff, v5  }
0x21c: {  	v4 =	vmov s16;
	v5 =	vld [tilespmem:s6+$0xFFFFFFC0]  }
0x21d: {  	v4 =	vand.u32 $0x7D, v4  }
0x21e: {  	v6 =	vadd.s32 v0, v4;
	_ =	sdelay $0x2  }
0x21f: {  	v5 =	vmul.f32 $8.000000000e+00, v5;
	_ =	sdelay $0x1  }
0x220: {  	[tilespmem:v6+s28+$0x0] =	vst.idx.msk $0xffff, v5  }
0x221: {  	v5 =	vld [tilespmem:s6+$0xFFFFFFD0];
	_ =	sdelay $0x1  }
0x222: {  	v6 =	vadd.s32 v1, v4;
	_ =	sdelay $0x2  }
0x223: {  	v5 =	vmul.f32 $8.000000000e+00, v5;
	_ =	sdelay $0x1  }
0x224: {  	[tilespmem:v6+s28+$0x0] =	vst.idx.msk $0xffff, v5  }
0x225: {  	v5 =	vld [tilespmem:s6+$0xFFFFFFE0];
	_ =	sdelay $0x1  }
0x226: {  	v6 =	vadd.s32 v2, v4;
	_ =	sdelay $0x2  }
0x227: {  	v5 =	vmul.f32 $8.000000000e+00, v5;
	_ =	sdelay $0x1  }
0x228: {  	[tilespmem:v6+s28+$0x0] =	vst.idx.msk $0xffff, v5  }
0x229: {  	v5 =	vld [tilespmem:s6+$0xFFFFFFF0];
	_ =	sdelay $0x1  }
0x22a: {  	v4 =	vadd.s32 v3, v4;
	_ =	sdelay $0x2  }
0x22b: {  	v5 =	vmul.f32 $8.000000000e+00, v5;
	_ =	sdelay $0x1  }
0x22c: {  	s16 =	sadd.s32 $0x2, s14;
	[tilespmem:v4+s28+$0x0] =	vst.idx.msk $0xffff, v5  }
0x22d: {  	v4 =	vmov s16;
	v5 =	vld [tilespmem:s6+$0x0]  }
0x22e: {  	v4 =	vand.u32 $0x7E, v4  }
0x22f: {  	v6 =	vadd.s32 v0, v4;
	_ =	sdelay $0x2  }
0x230: {  	v5 =	vmul.f32 $8.000000000e+00, v5;
	_ =	sdelay $0x1  }
0x231: {  	[tilespmem:v6+s28+$0x0] =	vst.idx.msk $0xffff, v5  }
0x232: {  	v5 =	vld [tilespmem:s6+$0x10];
	_ =	sdelay $0x1  }
0x233: {  	v6 =	vadd.s32 v1, v4;
	_ =	sdelay $0x2  }
0x234: {  	v5 =	vmul.f32 $8.000000000e+00, v5;
	_ =	sdelay $0x1  }
0x235: {  	[tilespmem:v6+s28+$0x0] =	vst.idx.msk $0xffff, v5  }
0x236: {  	v5 =	vld [tilespmem:s6+$0x20];
	_ =	sdelay $0x1  }
0x237: {  	v6 =	vadd.s32 v2, v4;
	_ =	sdelay $0x2  }
0x238: {  	v5 =	vmul.f32 $8.000000000e+00, v5;
	_ =	sdelay $0x1  }
0x239: {  	[tilespmem:v6+s28+$0x0] =	vst.idx.msk $0xffff, v5  }
0x23a: {  	v5 =	vld [tilespmem:s6+$0x30];
	_ =	sdelay $0x1  }
0x23b: {  	v4 =	vadd.s32 v3, v4;
	_ =	sdelay $0x2  }
0x23c: {  	v5 =	vmul.f32 $8.000000000e+00, v5;
	_ =	sdelay $0x1  }
0x23d: {  	s14 =	sadd.s32 $0x3, s14;
	[tilespmem:v4+s28+$0x0] =	vst.idx.msk $0xffff, v5  }
0x23e: {  	v4 =	vmov s14;
	v5 =	vld [tilespmem:s6+$0x40]  }
0x23f: {  	v4 =	vand.u32 $0x7F, v4  }
0x240: {  	v6 =	vadd.s32 v0, v4;
	_ =	sdelay $0x2  }
0x241: {  	v5 =	vmul.f32 $8.000000000e+00, v5;
	_ =	sdelay $0x1  }
0x242: {  	[tilespmem:v6+s28+$0x0] =	vst.idx.msk $0xffff, v5  }
0x243: {  	v5 =	vld [tilespmem:s6+$0x50];
	_ =	sdelay $0x1  }
0x244: {  	v6 =	vadd.s32 v1, v4;
	_ =	sdelay $0x2  }
0x245: {  	v5 =	vmul.f32 $8.000000000e+00, v5;
	_ =	sdelay $0x1  }
0x246: {  	[tilespmem:v6+s28+$0x0] =	vst.idx.msk $0xffff, v5  }
0x247: {  	v5 =	vld [tilespmem:s6+$0x60];
	_ =	sdelay $0x1  }
0x248: {  	v6 =	vadd.s32 v2, v4;
	_ =	sdelay $0x2  }
0x249: {  	v5 =	vmul.f32 $8.000000000e+00, v5;
	_ =	sdelay $0x1  }
0x24a: {  	[tilespmem:v6+s28+$0x0] =	vst.idx.msk $0xffff, v5  }
0x24b: {  	v5 =	vld [tilespmem:s6+$0x70]  }
.Ltmp10:
0x24c: {  	(pc) =	sbr.rel @p2 .LBB2_19-.Ltmp10, $2  }
0x24d: {  	v4 =	vadd.s32 v3, v4;
	_ =	sdelay $0x2  }
0x24e: {  	v5 =	vmul.f32 $8.000000000e+00, v5  }
0x24f: {  	s6 =	sadd.s32 s17, s8  }
0x250: {  	s13 =	sshll.u32 s6, $0xA;
	s14 =	sshll.u32 s6, $0xD;
	s6 =	sshll.u32 s6, $0x4  }
0x251: {  	s13 =	sand.u32 $0xFFF0000, s13;
	s14 =	sand.u32 $0xE000, s14;
	s6 =	sand.u32 $0x380, s6  }
0x252: {  	s13 =	sor.u32 s14, s13;
	s6 =	sadd.s32 s2, s6  }
0x253: {  	s19 =	simm.s32 $0xFD00;
	[tilespmem:v4+s28+$0x0] =	vst.idx.msk $0xffff, v5;
	s13 =	sadd.s32 s13, s6  }
0x254: {  	[hbm4b:s13+s3] =	stream.linear.scatter [tilespmem:s19], [sflag:$0x8], $0x80, $0x38;
	[tilespmem:$0x16300] =	vst v63  }
0x255: {  	s14 =	simm.s32 $0xFD88;
	s16 =	sadd.s32 $0x10, s13  }
0x256: {  	[hbm4b:s16+s3] =	stream.linear.scatter [tilespmem:s14], [sflag:$0x8], $0x80, $0x38;
	[tilespmem:$0x16300] =	vst v63  }
0x257: {  	s18 =	simm.s32 $0xFE10;
	s19 =	sadd.s32 $0x20, s13  }
0x258: {  	[hbm4b:s19+s3] =	stream.linear.scatter [tilespmem:s18], [sflag:$0x8], $0x80, $0x38;
	[tilespmem:$0x16300] =	vst v63  }
0x259: {  	s14 =	simm.s32 $0xFE98;
	s16 =	sadd.s32 $0x30, s13  }
0x25a: {  	[hbm4b:s16+s3] =	stream.linear.scatter [tilespmem:s14], [sflag:$0x8], $0x80, $0x38;
	[tilespmem:$0x16300] =	vst v63  }
0x25b: {  	s18 =	simm.s32 $0xFF20;
	s19 =	sadd.s32 $0x40, s13  }
0x25c: {  	[hbm4b:s19+s3] =	stream.linear.scatter [tilespmem:s18], [sflag:$0x8], $0x80, $0x38;
	[tilespmem:$0x16300] =	vst v63  }
0x25d: {  	s6 =	simm.s32 $0x440;
	s14 =	simm.s32 $0xFFA8;
	s16 =	sadd.s32 $0x50, s13  }
0x25e: {  	[hbm4b:s16+s3] =	stream.linear.scatter [tilespmem:s14], [sflag:$0x8], $0x80, $0x38;
	[tilespmem:$0x16300] =	vst v63  }
0x25f: {  	s18 =	simm.s32 $0x10030;
	s19 =	sadd.s32 $0x60, s13;
	s14 =	simm.s32 $0x2200  }
0x260: {  	[hbm4b:s19+s3] =	stream.linear.scatter [tilespmem:s18], [sflag:$0x8], $0x80, $0x38;
	[tilespmem:$0x16300] =	vst v63  }
0x261: {  	s16 =	simm.s32 $0x100B8;
	s18 =	sadd.s32 $0x70, s13;
	s13 =	sadd.s32 $0x400, s13  }
.LBB2_21:
0x262: {  	[hbm4b:s18+s3] =	stream.linear.scatter [tilespmem:s16], [sflag:$0x8], $0x80, $0x38;
	[tilespmem:$0x16300] =	vst v63  }
0x263: {  	s16 =	smov.u32 s6;
	s6 =	smov.u32 s14  }
0x264: {  	s19 =	sadd.s32 $0x1100, s14;
	s6 =	sshra.s32 s6, $0x2;
	s18 =	sadd.s32 $0xFD00, s16  }
0x265: {  	[hbm4b:s13+s3] =	stream.linear.scatter [tilespmem:s18], [sflag:$0x8], $0x80, $0x38;
	[tilespmem:$0x16300] =	vst v63  }
0x266: {  	p2 =	sne.s32 s14, $0x7700;
	s14 =	sadd.s32 $0xFD88, s16;
	s18 =	sadd.s32 $0x10, s13  }
0x267: {  	[hbm4b:s18+s3] =	stream.linear.scatter [tilespmem:s14], [sflag:$0x8], $0x80, $0x38;
	[tilespmem:$0x16300] =	vst v63  }
0x268: {  	s14 =	sadd.s32 $0xFE10, s16;
	s18 =	sadd.s32 $0x20, s13  }
0x269: {  	[hbm4b:s18+s3] =	stream.linear.scatter [tilespmem:s14], [sflag:$0x8], $0x80, $0x38;
	[tilespmem:$0x16300] =	vst v63  }
0x26a: {  	s14 =	sadd.s32 $0xFE98, s16;
	s18 =	sadd.s32 $0x30, s13  }
0x26b: {  	[hbm4b:s18+s3] =	stream.linear.scatter [tilespmem:s14], [sflag:$0x8], $0x80, $0x38;
	[tilespmem:$0x16300] =	vst v63  }
0x26c: {  	s14 =	sadd.s32 $0xFF20, s16;
	s18 =	sadd.s32 $0x40, s13  }
0x26d: {  	[hbm4b:s18+s3] =	stream.linear.scatter [tilespmem:s14], [sflag:$0x8], $0x80, $0x38;
	[tilespmem:$0x16300] =	vst v63  }
.Ltmp11:
0x26e: {  	s14 =	sadd.s32 $0xFFA8, s16;
	s18 =	sadd.s32 $0x50, s13;
	(pc) =	sbr.rel @p2 .LBB2_21-.Ltmp11, $4  }
0x26f: {  	[hbm4b:s18+s3] =	stream.linear.scatter [tilespmem:s14], [sflag:$0x8], $0x80, $0x38;
	[tilespmem:$0x16300] =	vst v63  }
0x270: {  	s14 =	sadd.s32 $0x10030, s16;
	s18 =	sadd.s32 $0x60, s13;
	s16 =	sadd.s32 $0x100B8, s16  }
0x271: {  	[hbm4b:s18+s3] =	stream.linear.scatter [tilespmem:s14], [sflag:$0x8], $0x80, $0x38;
	[tilespmem:$0x16300] =	vst v63  }
0x272: {  	s18 =	sadd.s32 $0x70, s13;
	s13 =	sadd.s32 $0x400, s13;
	s14 =	smov.u32 s19  }
0x273: {  	[hbm4b:s18+s3] =	stream.linear.scatter [tilespmem:s16], [sflag:$0x8], $0x80, $0x38;
	[tilespmem:$0x16300] =	vst v63  }
0x274: {  	s14 =	sadd.s32 $0xFD00, s6  }
0x275: {  	[hbm4b:s13+s3] =	stream.linear.scatter [tilespmem:s14], [sflag:$0x8], $0x80, $0x38;
	[tilespmem:$0x16300] =	vst v63  }
0x276: {  	s18 =	sadd.s32 $0xFD88, s6;
	s19 =	sadd.s32 $0x10, s13  }
0x277: {  	[hbm4b:s19+s3] =	stream.linear.scatter [tilespmem:s18], [sflag:$0x8], $0x80, $0x38;
	[tilespmem:$0x16300] =	vst v63  }
0x278: {  	s18 =	sadd.s32 $0xFE10, s6;
	s19 =	sadd.s32 $0x20, s13  }
0x279: {  	[hbm4b:s19+s3] =	stream.linear.scatter [tilespmem:s18], [sflag:$0x8], $0x80, $0x38;
	[tilespmem:$0x16300] =	vst v63  }
0x27a: {  	s18 =	sadd.s32 $0xFE98, s6;
	s19 =	sadd.s32 $0x30, s13  }
0x27b: {  	[hbm4b:s19+s3] =	stream.linear.scatter [tilespmem:s18], [sflag:$0x8], $0x80, $0x38;
	[tilespmem:$0x16300] =	vst v63  }
0x27c: {  	s18 =	sadd.s32 $0xFF20, s6;
	s19 =	sadd.s32 $0x40, s13  }
0x27d: {  	[hbm4b:s19+s3] =	stream.linear.scatter [tilespmem:s18], [sflag:$0x8], $0x80, $0x38;
	[tilespmem:$0x16300] =	vst v63  }
0x27e: {  	s18 =	sadd.s32 $0xFFA8, s6;
	s19 =	sadd.s32 $0x50, s13  }
0x27f: {  	[hbm4b:s19+s3] =	stream.linear.scatter [tilespmem:s18], [sflag:$0x8], $0x80, $0x38;
	[tilespmem:$0x16300] =	vst v63  }
.Ltmp12:
0x280: {  	_ = 	snop;
	(pc) =	sbr.rel @p1 .LBB2_24-.Ltmp12, $4  }
0x281: {  	s18 =	sadd.s32 $0x10030, s6;
	s19 =	sadd.s32 $0x60, s13  }
0x282: {  	[hbm4b:s19+s3] =	stream.linear.scatter [tilespmem:s18], [sflag:$0x8], $0x80, $0x38;
	[tilespmem:$0x16300] =	vst v63  }
0x283: {  	s18 =	sadd.s32 $0x100B8, s6;
	s19 =	sadd.s32 $0x70, s13  }
0x284: {  	[hbm4b:s19+s3] =	stream.linear.scatter [tilespmem:s18], [sflag:$0x8], $0x80, $0x38;
	[tilespmem:$0x16300] =	vst v63  }
.Ltmp13:
0x285: {  	(pc) =	sbr.rel .LBB2_25-.Ltmp13, $4  }
0x286: {  	_ = 	snop  }
0x287: {  	_ =	swait.ge [sflag:s29], $0x2000  }
0x288: {  	[sflag:s29] =	ssyncset.done $0x0  }
0x289: {  	[sflag:s29] =	ssyncadd.s32 $0xFFFFE000  }
.LBB2_24:
0x28a: {  	s6 =	smul.u32 $0xA00, s10;
	_ =	sdelay $0x1  }
0x28b: {  	s6 =	sshra.s32 s6, $0x2  }
.Ltmp14:
0x28c: {  	s13 =	simm.s32 $0x5900;
	s6 =	sadd.s32 $0x380, s6;
	(pc) =	sbr.rel @p0 .LBB2_26-.Ltmp14, $4  }
0x28d: {  	[tilespmem:s13], [sflag:$0x3] =	stream.indirect.gather [hbm4b:s5+s12], $0x40, s6, s12, $0xb8;
	[tilespmem:$0x16300] =	vst v63  }
0x28e: {  	_ =	swait.ge [sflag:s29], $0x2000  }
0x28f: {  	[sflag:s29] =	ssyncset.done $0x0  }
0x290: {  	[sflag:s29] =	ssyncadd.s32 $0xFFFFE000  }
.LBB2_25:
0x291: {  	_ =	swait.ge [sflag:s30], $0x2000  }
0x292: {  	[sflag:s30] =	ssyncset.done $0x0  }
0x293: {  	[sflag:s30] =	ssyncadd.s32 $0xFFFFE000  }
.LBB2_26:
0x294: {  	s13 =	simm.s32 $0x0;
	s6 =	simm.s32 $0x7980  }
0x295: {  	v4 =	vmov s13;
	v5 =	vld [tilespmem:s6+$0xFFFFFF80]  }
0x296: {  	v4 =	vand.u32 $0x7C, v4  }
0x297: {  	v6 =	vadd.s32 v0, v4;
	_ =	sdelay $0x2  }
0x298: {  	v5 =	vmul.f32 $8.000000000e+00, v5;
	_ =	sdelay $0x1  }
0x299: {  	[tilespmem:v6+s31+$0x0] =	vst.idx.msk $0xffff, v5  }
0x29a: {  	v5 =	vld [tilespmem:s6+$0xFFFFFF90];
	_ =	sdelay $0x1  }
0x29b: {  	v6 =	vadd.s32 v1, v4;
	_ =	sdelay $0x2  }
0x29c: {  	v5 =	vmul.f32 $8.000000000e+00, v5;
	_ =	sdelay $0x1  }
0x29d: {  	[tilespmem:v6+s31+$0x0] =	vst.idx.msk $0xffff, v5  }
0x29e: {  	v5 =	vld [tilespmem:s6+$0xFFFFFFA0];
	_ =	sdelay $0x1  }
0x29f: {  	v6 =	vadd.s32 v2, v4;
	_ =	sdelay $0x2  }
0x2a0: {  	v5 =	vmul.f32 $8.000000000e+00, v5;
	_ =	sdelay $0x1  }
0x2a1: {  	[tilespmem:v6+s31+$0x0] =	vst.idx.msk $0xffff, v5  }
0x2a2: {  	v5 =	vld [tilespmem:s6+$0xFFFFFFB0];
	_ =	sdelay $0x1  }
0x2a3: {  	v4 =	vadd.s32 v3, v4;
	_ =	sdelay $0x2  }
0x2a4: {  	v5 =	vmul.f32 $8.000000000e+00, v5;
	_ =	sdelay $0x1  }
0x2a5: {  	s16 =	simm.s32 $0x1;
	[tilespmem:v4+s31+$0x0] =	vst.idx.msk $0xffff, v5  }
0x2a6: {  	v4 =	vmov s16;
	v5 =	vld [tilespmem:s6+$0xFFFFFFC0]  }
0x2a7: {  	v4 =	vand.u32 $0x7D, v4  }
0x2a8: {  	v6 =	vadd.s32 v0, v4;
	_ =	sdelay $0x2  }
0x2a9: {  	v5 =	vmul.f32 $8.000000000e+00, v5;
	_ =	sdelay $0x1  }
0x2aa: {  	[tilespmem:v6+s31+$0x0] =	vst.idx.msk $0xffff, v5  }
0x2ab: {  	v5 =	vld [tilespmem:s6+$0xFFFFFFD0];
	_ =	sdelay $0x1  }
0x2ac: {  	v6 =	vadd.s32 v1, v4;
	_ =	sdelay $0x2  }
0x2ad: {  	v5 =	vmul.f32 $8.000000000e+00, v5;
	_ =	sdelay $0x1  }
0x2ae: {  	[tilespmem:v6+s31+$0x0] =	vst.idx.msk $0xffff, v5  }
0x2af: {  	v5 =	vld [tilespmem:s6+$0xFFFFFFE0];
	_ =	sdelay $0x1  }
0x2b0: {  	v6 =	vadd.s32 v2, v4;
	_ =	sdelay $0x2  }
0x2b1: {  	v5 =	vmul.f32 $8.000000000e+00, v5;
	_ =	sdelay $0x1  }
0x2b2: {  	[tilespmem:v6+s31+$0x0] =	vst.idx.msk $0xffff, v5  }
0x2b3: {  	v5 =	vld [tilespmem:s6+$0xFFFFFFF0];
	_ =	sdelay $0x1  }
0x2b4: {  	v4 =	vadd.s32 v3, v4;
	_ =	sdelay $0x2  }
0x2b5: {  	v5 =	vmul.f32 $8.000000000e+00, v5;
	_ =	sdelay $0x1  }
0x2b6: {  	s18 =	simm.s32 $0x2;
	[tilespmem:v4+s31+$0x0] =	vst.idx.msk $0xffff, v5  }
0x2b7: {  	v4 =	vmov s18;
	v5 =	vld [tilespmem:s6+$0x0]  }
0x2b8: {  	v4 =	vand.u32 $0x7E, v4  }
0x2b9: {  	v6 =	vadd.s32 v0, v4;
	_ =	sdelay $0x2  }
0x2ba: {  	v5 =	vmul.f32 $8.000000000e+00, v5;
	_ =	sdelay $0x1  }
0x2bb: {  	[tilespmem:v6+s31+$0x0] =	vst.idx.msk $0xffff, v5  }
0x2bc: {  	v5 =	vld [tilespmem:s6+$0x10];
	_ =	sdelay $0x1  }
0x2bd: {  	v6 =	vadd.s32 v1, v4;
	_ =	sdelay $0x2  }
0x2be: {  	v5 =	vmul.f32 $8.000000000e+00, v5;
	_ =	sdelay $0x1  }
0x2bf: {  	[tilespmem:v6+s31+$0x0] =	vst.idx.msk $0xffff, v5  }
0x2c0: {  	v5 =	vld [tilespmem:s6+$0x20];
	_ =	sdelay $0x1  }
0x2c1: {  	v6 =	vadd.s32 v2, v4;
	_ =	sdelay $0x2  }
0x2c2: {  	v5 =	vmul.f32 $8.000000000e+00, v5;
	_ =	sdelay $0x1  }
0x2c3: {  	[tilespmem:v6+s31+$0x0] =	vst.idx.msk $0xffff, v5  }
0x2c4: {  	v5 =	vld [tilespmem:s6+$0x30];
	_ =	sdelay $0x1  }
0x2c5: {  	v4 =	vadd.s32 v3, v4;
	_ =	sdelay $0x2  }
0x2c6: {  	v5 =	vmul.f32 $8.000000000e+00, v5;
	_ =	sdelay $0x1  }
0x2c7: {  	s19 =	simm.s32 $0x3;
	[tilespmem:v4+s31+$0x0] =	vst.idx.msk $0xffff, v5  }
0x2c8: {  	v4 =	vmov s19;
	v5 =	vld [tilespmem:s6+$0x40]  }
0x2c9: {  	v4 =	vand.u32 $0x7F, v4  }
0x2ca: {  	v6 =	vadd.s32 v0, v4;
	_ =	sdelay $0x2  }
0x2cb: {  	v5 =	vmul.f32 $8.000000000e+00, v5;
	_ =	sdelay $0x1  }
0x2cc: {  	[tilespmem:v6+s31+$0x0] =	vst.idx.msk $0xffff, v5  }
0x2cd: {  	v5 =	vld [tilespmem:s6+$0x50];
	_ =	sdelay $0x1  }
0x2ce: {  	v6 =	vadd.s32 v1, v4;
	_ =	sdelay $0x2  }
0x2cf: {  	v5 =	vmul.f32 $8.000000000e+00, v5;
	_ =	sdelay $0x1  }
0x2d0: {  	[tilespmem:v6+s31+$0x0] =	vst.idx.msk $0xffff, v5  }
0x2d1: {  	v5 =	vld [tilespmem:s6+$0x60];
	_ =	sdelay $0x1  }
0x2d2: {  	v6 =	vadd.s32 v2, v4;
	_ =	sdelay $0x2  }
0x2d3: {  	v5 =	vmul.f32 $8.000000000e+00, v5;
	_ =	sdelay $0x1  }
0x2d4: {  	[tilespmem:v6+s31+$0x0] =	vst.idx.msk $0xffff, v5  }
0x2d5: {  	v5 =	vld [tilespmem:s6+$0x70];
	_ =	sdelay $0x1  }
0x2d6: {  	v4 =	vadd.s32 v3, v4;
	_ =	sdelay $0x2  }
0x2d7: {  	s13 =	simm.s32 $0x4;
	v5 =	vmul.f32 $8.000000000e+00, v5  }
.LBB2_27:
0x2d8: {  	p2 =	sne.s32 s13, $0x7C  }
0x2d9: {  	s6 =	sadd.s32 $0x100, s6;
	s14 =	smov.u32 s13;
	s13 =	sadd.s32 $0x4, s13;
	[tilespmem:v4+s31+$0x0] =	vst.idx.msk $0xffff, v5  }
0x2da: {  	v4 =	vmov s14;
	v5 =	vld [tilespmem:s6+$0xFFFFFF80]  }
0x2db: {  	v4 =	vand.u32 $0x7C, v4  }
0x2dc: {  	v6 =	vadd.s32 v0, v4;
	_ =	sdelay $0x2  }
0x2dd: {  	v5 =	vmul.f32 $8.000000000e+00, v5;
	_ =	sdelay $0x1  }
0x2de: {  	[tilespmem:v6+s31+$0x0] =	vst.idx.msk $0xffff, v5  }
0x2df: {  	v5 =	vld [tilespmem:s6+$0xFFFFFF90];
	_ =	sdelay $0x1  }
0x2e0: {  	v6 =	vadd.s32 v1, v4;
	_ =	sdelay $0x2  }
0x2e1: {  	v5 =	vmul.f32 $8.000000000e+00, v5;
	_ =	sdelay $0x1  }
0x2e2: {  	[tilespmem:v6+s31+$0x0] =	vst.idx.msk $0xffff, v5  }
0x2e3: {  	v5 =	vld [tilespmem:s6+$0xFFFFFFA0];
	_ =	sdelay $0x1  }
0x2e4: {  	v6 =	vadd.s32 v2, v4;
	_ =	sdelay $0x2  }
0x2e5: {  	v5 =	vmul.f32 $8.000000000e+00, v5;
	_ =	sdelay $0x1  }
0x2e6: {  	[tilespmem:v6+s31+$0x0] =	vst.idx.msk $0xffff, v5  }
0x2e7: {  	v5 =	vld [tilespmem:s6+$0xFFFFFFB0];
	_ =	sdelay $0x1  }
0x2e8: {  	v4 =	vadd.s32 v3, v4;
	_ =	sdelay $0x2  }
0x2e9: {  	v5 =	vmul.f32 $8.000000000e+00, v5;
	_ =	sdelay $0x1  }
0x2ea: {  	s16 =	sadd.s32 $0x1, s14;
	[tilespmem:v4+s31+$0x0] =	vst.idx.msk $0xffff, v5  }
0x2eb: {  	v4 =	vmov s16;
	v5 =	vld [tilespmem:s6+$0xFFFFFFC0]  }
0x2ec: {  	v4 =	vand.u32 $0x7D, v4  }
0x2ed: {  	v6 =	vadd.s32 v0, v4;
	_ =	sdelay $0x2  }
0x2ee: {  	v5 =	vmul.f32 $8.000000000e+00, v5;
	_ =	sdelay $0x1  }
0x2ef: {  	[tilespmem:v6+s31+$0x0] =	vst.idx.msk $0xffff, v5  }
0x2f0: {  	v5 =	vld [tilespmem:s6+$0xFFFFFFD0];
	_ =	sdelay $0x1  }
0x2f1: {  	v6 =	vadd.s32 v1, v4;
	_ =	sdelay $0x2  }
0x2f2: {  	v5 =	vmul.f32 $8.000000000e+00, v5;
	_ =	sdelay $0x1  }
0x2f3: {  	[tilespmem:v6+s31+$0x0] =	vst.idx.msk $0xffff, v5  }
0x2f4: {  	v5 =	vld [tilespmem:s6+$0xFFFFFFE0];
	_ =	sdelay $0x1  }
0x2f5: {  	v6 =	vadd.s32 v2, v4;
	_ =	sdelay $0x2  }
0x2f6: {  	v5 =	vmul.f32 $8.000000000e+00, v5;
	_ =	sdelay $0x1  }
0x2f7: {  	[tilespmem:v6+s31+$0x0] =	vst.idx.msk $0xffff, v5  }
0x2f8: {  	v5 =	vld [tilespmem:s6+$0xFFFFFFF0];
	_ =	sdelay $0x1  }
0x2f9: {  	v4 =	vadd.s32 v3, v4;
	_ =	sdelay $0x2  }
0x2fa: {  	v5 =	vmul.f32 $8.000000000e+00, v5;
	_ =	sdelay $0x1  }
0x2fb: {  	s16 =	sadd.s32 $0x2, s14;
	[tilespmem:v4+s31+$0x0] =	vst.idx.msk $0xffff, v5  }
0x2fc: {  	v4 =	vmov s16;
	v5 =	vld [tilespmem:s6+$0x0]  }
0x2fd: {  	v4 =	vand.u32 $0x7E, v4  }
0x2fe: {  	v6 =	vadd.s32 v0, v4;
	_ =	sdelay $0x2  }
0x2ff: {  	v5 =	vmul.f32 $8.000000000e+00, v5;
	_ =	sdelay $0x1  }
0x300: {  	[tilespmem:v6+s31+$0x0] =	vst.idx.msk $0xffff, v5  }
0x301: {  	v5 =	vld [tilespmem:s6+$0x10];
	_ =	sdelay $0x1  }
0x302: {  	v6 =	vadd.s32 v1, v4;
	_ =	sdelay $0x2  }
0x303: {  	v5 =	vmul.f32 $8.000000000e+00, v5;
	_ =	sdelay $0x1  }
0x304: {  	[tilespmem:v6+s31+$0x0] =	vst.idx.msk $0xffff, v5  }
0x305: {  	v5 =	vld [tilespmem:s6+$0x20];
	_ =	sdelay $0x1  }
0x306: {  	v6 =	vadd.s32 v2, v4;
	_ =	sdelay $0x2  }
0x307: {  	v5 =	vmul.f32 $8.000000000e+00, v5;
	_ =	sdelay $0x1  }
0x308: {  	[tilespmem:v6+s31+$0x0] =	vst.idx.msk $0xffff, v5  }
0x309: {  	v5 =	vld [tilespmem:s6+$0x30];
	_ =	sdelay $0x1  }
0x30a: {  	v4 =	vadd.s32 v3, v4;
	_ =	sdelay $0x2  }
0x30b: {  	v5 =	vmul.f32 $8.000000000e+00, v5;
	_ =	sdelay $0x1  }
0x30c: {  	s14 =	sadd.s32 $0x3, s14;
	[tilespmem:v4+s31+$0x0] =	vst.idx.msk $0xffff, v5  }
0x30d: {  	v4 =	vmov s14;
	v5 =	vld [tilespmem:s6+$0x40]  }
0x30e: {  	v4 =	vand.u32 $0x7F, v4  }
0x30f: {  	v6 =	vadd.s32 v0, v4;
	_ =	sdelay $0x2  }
0x310: {  	v5 =	vmul.f32 $8.000000000e+00, v5;
	_ =	sdelay $0x1  }
0x311: {  	[tilespmem:v6+s31+$0x0] =	vst.idx.msk $0xffff, v5  }
0x312: {  	v5 =	vld [tilespmem:s6+$0x50];
	_ =	sdelay $0x1  }
0x313: {  	v6 =	vadd.s32 v1, v4;
	_ =	sdelay $0x2  }
0x314: {  	v5 =	vmul.f32 $8.000000000e+00, v5;
	_ =	sdelay $0x1  }
0x315: {  	[tilespmem:v6+s31+$0x0] =	vst.idx.msk $0xffff, v5  }
0x316: {  	v5 =	vld [tilespmem:s6+$0x60];
	_ =	sdelay $0x1  }
0x317: {  	v6 =	vadd.s32 v2, v4;
	_ =	sdelay $0x2  }
0x318: {  	v5 =	vmul.f32 $8.000000000e+00, v5;
	_ =	sdelay $0x1  }
0x319: {  	[tilespmem:v6+s31+$0x0] =	vst.idx.msk $0xffff, v5  }
0x31a: {  	v5 =	vld [tilespmem:s6+$0x70]  }
.Ltmp15:
0x31b: {  	(pc) =	sbr.rel @p2 .LBB2_27-.Ltmp15, $2  }
0x31c: {  	v4 =	vadd.s32 v3, v4;
	_ =	sdelay $0x2  }
0x31d: {  	v5 =	vmul.f32 $8.000000000e+00, v5  }
0x31e: {  	s6 =	sadd.s32 s17, s9  }
0x31f: {  	s13 =	sshll.u32 s6, $0xA;
	s14 =	sshll.u32 s6, $0xD;
	s6 =	sshll.u32 s6, $0x4  }
0x320: {  	s13 =	sand.u32 $0xFFF0000, s13;
	s14 =	sand.u32 $0xE000, s14;
	s6 =	sand.u32 $0x380, s6  }
0x321: {  	s13 =	sor.u32 s14, s13;
	s6 =	sadd.s32 s2, s6  }
0x322: {  	[tilespmem:v4+s31+$0x0] =	vst.idx.msk $0xffff, v5;
	s14 =	simm.s32 $0x11F00;
	s13 =	sadd.s32 s13, s6  }
0x323: {  	[hbm4b:s13+s3] =	stream.linear.scatter [tilespmem:s14], [sflag:$0x9], $0x80, $0x38;
	[tilespmem:$0x16300] =	vst v63  }
0x324: {  	s16 =	simm.s32 $0x11F88;
	s17 =	sadd.s32 $0x10, s13  }
0x325: {  	[hbm4b:s17+s3] =	stream.linear.scatter [tilespmem:s16], [sflag:$0x9], $0x80, $0x38;
	[tilespmem:$0x16300] =	vst v63  }
0x326: {  	s18 =	simm.s32 $0x12010;
	s6 =	simm.s32 $0x440;
	s19 =	sadd.s32 $0x20, s13  }
0x327: {  	[hbm4b:s19+s3] =	stream.linear.scatter [tilespmem:s18], [sflag:$0x9], $0x80, $0x38;
	[tilespmem:$0x16300] =	vst v63  }
0x328: {  	s14 =	simm.s32 $0x2200;
	s16 =	simm.s32 $0x12098;
	s17 =	sadd.s32 $0x30, s13  }
0x329: {  	[hbm4b:s17+s3] =	stream.linear.scatter [tilespmem:s16], [sflag:$0x9], $0x80, $0x38;
	[tilespmem:$0x16300] =	vst v63  }
0x32a: {  	s18 =	simm.s32 $0x12120;
	s19 =	sadd.s32 $0x40, s13;
	s16 =	simm.s32 $0x121A8  }
0x32b: {  	[hbm4b:s19+s3] =	stream.linear.scatter [tilespmem:s18], [sflag:$0x9], $0x80, $0x38;
	[tilespmem:$0x16300] =	vst v63  }
0x32c: {  	s17 =	sadd.s32 $0x50, s13;
	s18 =	simm.s32 $0x12230;
	s19 =	sadd.s32 $0x60, s13  }
0x32d: {  	[hbm4b:s17+s3] =	stream.linear.scatter [tilespmem:s16], [sflag:$0x9], $0x80, $0x38;
	[tilespmem:$0x16300] =	vst v63  }
0x32e: {  	s16 =	simm.s32 $0x122B8;
	s17 =	sadd.s32 $0x70, s13;
	s13 =	sadd.s32 $0x400, s13  }
0x32f: {  	[hbm4b:s19+s3] =	stream.linear.scatter [tilespmem:s18], [sflag:$0x9], $0x80, $0x38;
	[tilespmem:$0x16300] =	vst v63  }
.LBB2_29:
0x330: {  	[hbm4b:s17+s3] =	stream.linear.scatter [tilespmem:s16], [sflag:$0x9], $0x80, $0x38;
	[tilespmem:$0x16300] =	vst v63  }
0x331: {  	s16 =	smov.u32 s6;
	s6 =	smov.u32 s14  }
0x332: {  	s18 =	sadd.s32 $0x1100, s14;
	s6 =	sshra.s32 s6, $0x2;
	s17 =	sadd.s32 $0x11F00, s16  }
0x333: {  	[hbm4b:s13+s3] =	stream.linear.scatter [tilespmem:s17], [sflag:$0x9], $0x80, $0x38;
	[tilespmem:$0x16300] =	vst v63  }
0x334: {  	p2 =	sne.s32 s14, $0x7700;
	s14 =	sadd.s32 $0x11F88, s16;
	s17 =	sadd.s32 $0x10, s13  }
0x335: {  	[hbm4b:s17+s3] =	stream.linear.scatter [tilespmem:s14], [sflag:$0x9], $0x80, $0x38;
	[tilespmem:$0x16300] =	vst v63  }
0x336: {  	s14 =	sadd.s32 $0x12010, s16;
	s17 =	sadd.s32 $0x20, s13  }
0x337: {  	[hbm4b:s17+s3] =	stream.linear.scatter [tilespmem:s14], [sflag:$0x9], $0x80, $0x38;
	[tilespmem:$0x16300] =	vst v63  }
0x338: {  	s14 =	sadd.s32 $0x12098, s16;
	s17 =	sadd.s32 $0x30, s13  }
0x339: {  	[hbm4b:s17+s3] =	stream.linear.scatter [tilespmem:s14], [sflag:$0x9], $0x80, $0x38;
	[tilespmem:$0x16300] =	vst v63  }
0x33a: {  	s14 =	sadd.s32 $0x12120, s16;
	s17 =	sadd.s32 $0x40, s13  }
0x33b: {  	[hbm4b:s17+s3] =	stream.linear.scatter [tilespmem:s14], [sflag:$0x9], $0x80, $0x38;
	[tilespmem:$0x16300] =	vst v63  }
.Ltmp16:
0x33c: {  	s14 =	sadd.s32 $0x121A8, s16;
	s17 =	sadd.s32 $0x50, s13;
	(pc) =	sbr.rel @p2 .LBB2_29-.Ltmp16, $4  }
0x33d: {  	[hbm4b:s17+s3] =	stream.linear.scatter [tilespmem:s14], [sflag:$0x9], $0x80, $0x38;
	[tilespmem:$0x16300] =	vst v63  }
0x33e: {  	s14 =	sadd.s32 $0x12230, s16;
	s17 =	sadd.s32 $0x60, s13;
	s16 =	sadd.s32 $0x122B8, s16  }
0x33f: {  	[hbm4b:s17+s3] =	stream.linear.scatter [tilespmem:s14], [sflag:$0x9], $0x80, $0x38;
	[tilespmem:$0x16300] =	vst v63  }
0x340: {  	s17 =	sadd.s32 $0x70, s13;
	s13 =	sadd.s32 $0x400, s13;
	s14 =	smov.u32 s18  }
0x341: {  	[hbm4b:s17+s3] =	stream.linear.scatter [tilespmem:s16], [sflag:$0x9], $0x80, $0x38;
	[tilespmem:$0x16300] =	vst v63  }
0x342: {  	s14 =	sadd.s32 $0x11F00, s6  }
0x343: {  	[hbm4b:s13+s3] =	stream.linear.scatter [tilespmem:s14], [sflag:$0x9], $0x80, $0x38;
	[tilespmem:$0x16300] =	vst v63  }
0x344: {  	s18 =	sadd.s32 $0x11F88, s6;
	s19 =	sadd.s32 $0x10, s13  }
0x345: {  	[hbm4b:s19+s3] =	stream.linear.scatter [tilespmem:s18], [sflag:$0x9], $0x80, $0x38;
	[tilespmem:$0x16300] =	vst v63  }
0x346: {  	s16 =	sadd.s32 $0x12010, s6;
	s17 =	sadd.s32 $0x20, s13  }
0x347: {  	[hbm4b:s17+s3] =	stream.linear.scatter [tilespmem:s16], [sflag:$0x9], $0x80, $0x38;
	[tilespmem:$0x16300] =	vst v63  }
0x348: {  	s18 =	sadd.s32 $0x12098, s6;
	s19 =	sadd.s32 $0x30, s13  }
0x349: {  	[hbm4b:s19+s3] =	stream.linear.scatter [tilespmem:s18], [sflag:$0x9], $0x80, $0x38;
	[tilespmem:$0x16300] =	vst v63  }
0x34a: {  	s16 =	sadd.s32 $0x12120, s6;
	s17 =	sadd.s32 $0x40, s13  }
0x34b: {  	[hbm4b:s17+s3] =	stream.linear.scatter [tilespmem:s16], [sflag:$0x9], $0x80, $0x38;
	[tilespmem:$0x16300] =	vst v63  }
0x34c: {  	s18 =	sadd.s32 $0x121A8, s6;
	s19 =	sadd.s32 $0x50, s13  }
0x34d: {  	[hbm4b:s19+s3] =	stream.linear.scatter [tilespmem:s18], [sflag:$0x9], $0x80, $0x38;
	[tilespmem:$0x16300] =	vst v63  }
.Ltmp17:
0x34e: {  	_ = 	snop;
	(pc) =	sbr.rel @p1 .LBB2_32-.Ltmp17, $4  }
0x34f: {  	s16 =	sadd.s32 $0x12230, s6;
	s17 =	sadd.s32 $0x60, s13  }
0x350: {  	[hbm4b:s17+s3] =	stream.linear.scatter [tilespmem:s16], [sflag:$0x9], $0x80, $0x38;
	[tilespmem:$0x16300] =	vst v63  }
0x351: {  	s18 =	sadd.s32 $0x122B8, s6;
	s19 =	sadd.s32 $0x70, s13  }
0x352: {  	[hbm4b:s19+s3] =	stream.linear.scatter [tilespmem:s18], [sflag:$0x9], $0x80, $0x38;
	[tilespmem:$0x16300] =	vst v63  }
.Ltmp18:
0x353: {  	(pc) =	sbr.rel .LBB2_33-.Ltmp18, $4  }
0x354: {  	_ = 	snop  }
0x355: {  	_ =	swait.ge [sflag:s1], $0x2000  }
0x356: {  	[sflag:s1] =	ssyncset.done $0x0  }
0x357: {  	[sflag:s1] =	ssyncadd.s32 $0xFFFFE000  }
.LBB2_32:
0x358: {  	s6 =	smul.u32 $0xA00, s10;
	_ =	sdelay $0x1  }
0x359: {  	s6 =	sshra.s32 s6, $0x2  }
.Ltmp19:
0x35a: {  	s13 =	simm.s32 $0x7900;
	s6 =	sadd.s32 $0x400, s6;
	(pc) =	sbr.rel @p0 .LBB2_34-.Ltmp19, $4  }
0x35b: {  	[tilespmem:s13], [sflag:$0x4] =	stream.indirect.gather [hbm4b:s5+s12], $0x40, s6, s12, $0xb8;
	[tilespmem:$0x16300] =	vst v63  }
0x35c: {  	_ =	swait.ge [sflag:s1], $0x2000  }
0x35d: {  	[sflag:s1] =	ssyncset.done $0x0  }
0x35e: {  	[sflag:s1] =	ssyncadd.s32 $0xFFFFE000  }
.LBB2_33:
0x35f: {  	_ =	swait.ge [sflag:s0], $0x2000  }
0x360: {  	[sflag:s0] =	ssyncset.done $0x0  }
0x361: {  	[sflag:s0] =	ssyncadd.s32 $0xFFFFE000  }
.LBB2_34:
0x362: {  	s13 =	simm.s32 $0x0;
	s6 =	simm.s32 $0x9980  }
0x363: {  	v4 =	vmov s13;
	v5 =	vld [tilespmem:s6+$0xFFFFFF80]  }
0x364: {  	v4 =	vand.u32 $0x7C, v4  }
0x365: {  	v6 =	vadd.s32 v0, v4;
	_ =	sdelay $0x2  }
0x366: {  	v5 =	vmul.f32 $8.000000000e+00, v5;
	_ =	sdelay $0x1  }
0x367: {  	[tilespmem:v6+s15+$0x0] =	vst.idx.msk $0xffff, v5  }
0x368: {  	v5 =	vld [tilespmem:s6+$0xFFFFFF90];
	_ =	sdelay $0x1  }
0x369: {  	v6 =	vadd.s32 v1, v4;
	_ =	sdelay $0x2  }
0x36a: {  	v5 =	vmul.f32 $8.000000000e+00, v5;
	_ =	sdelay $0x1  }
0x36b: {  	[tilespmem:v6+s15+$0x0] =	vst.idx.msk $0xffff, v5  }
0x36c: {  	v5 =	vld [tilespmem:s6+$0xFFFFFFA0];
	_ =	sdelay $0x1  }
0x36d: {  	v6 =	vadd.s32 v2, v4;
	_ =	sdelay $0x2  }
0x36e: {  	v5 =	vmul.f32 $8.000000000e+00, v5;
	_ =	sdelay $0x1  }
0x36f: {  	[tilespmem:v6+s15+$0x0] =	vst.idx.msk $0xffff, v5  }
0x370: {  	v5 =	vld [tilespmem:s6+$0xFFFFFFB0];
	_ =	sdelay $0x1  }
0x371: {  	v4 =	vadd.s32 v3, v4;
	_ =	sdelay $0x2  }
0x372: {  	v5 =	vmul.f32 $8.000000000e+00, v5;
	_ =	sdelay $0x1  }
0x373: {  	s17 =	simm.s32 $0x1;
	[tilespmem:v4+s15+$0x0] =	vst.idx.msk $0xffff, v5  }
0x374: {  	v4 =	vmov s17;
	v5 =	vld [tilespmem:s6+$0xFFFFFFC0]  }
0x375: {  	v4 =	vand.u32 $0x7D, v4  }
0x376: {  	v6 =	vadd.s32 v0, v4;
	_ =	sdelay $0x2  }
0x377: {  	v5 =	vmul.f32 $8.000000000e+00, v5;
	_ =	sdelay $0x1  }
0x378: {  	[tilespmem:v6+s15+$0x0] =	vst.idx.msk $0xffff, v5  }
0x379: {  	v5 =	vld [tilespmem:s6+$0xFFFFFFD0];
	_ =	sdelay $0x1  }
0x37a: {  	v6 =	vadd.s32 v1, v4;
	_ =	sdelay $0x2  }
0x37b: {  	v5 =	vmul.f32 $8.000000000e+00, v5;
	_ =	sdelay $0x1  }
0x37c: {  	[tilespmem:v6+s15+$0x0] =	vst.idx.msk $0xffff, v5  }
0x37d: {  	v5 =	vld [tilespmem:s6+$0xFFFFFFE0];
	_ =	sdelay $0x1  }
0x37e: {  	v6 =	vadd.s32 v2, v4;
	_ =	sdelay $0x2  }
0x37f: {  	v5 =	vmul.f32 $8.000000000e+00, v5;
	_ =	sdelay $0x1  }
0x380: {  	[tilespmem:v6+s15+$0x0] =	vst.idx.msk $0xffff, v5  }
0x381: {  	v5 =	vld [tilespmem:s6+$0xFFFFFFF0];
	_ =	sdelay $0x1  }
0x382: {  	v4 =	vadd.s32 v3, v4;
	_ =	sdelay $0x2  }
0x383: {  	v5 =	vmul.f32 $8.000000000e+00, v5;
	_ =	sdelay $0x1  }
0x384: {  	s18 =	simm.s32 $0x2;
	[tilespmem:v4+s15+$0x0] =	vst.idx.msk $0xffff, v5  }
0x385: {  	v4 =	vmov s18;
	v5 =	vld [tilespmem:s6+$0x0]  }
0x386: {  	v4 =	vand.u32 $0x7E, v4  }
0x387: {  	v6 =	vadd.s32 v0, v4;
	_ =	sdelay $0x2  }
0x388: {  	v5 =	vmul.f32 $8.000000000e+00, v5;
	_ =	sdelay $0x1  }
0x389: {  	[tilespmem:v6+s15+$0x0] =	vst.idx.msk $0xffff, v5  }
0x38a: {  	v5 =	vld [tilespmem:s6+$0x10];
	_ =	sdelay $0x1  }
0x38b: {  	v6 =	vadd.s32 v1, v4;
	_ =	sdelay $0x2  }
0x38c: {  	v5 =	vmul.f32 $8.000000000e+00, v5;
	_ =	sdelay $0x1  }
0x38d: {  	[tilespmem:v6+s15+$0x0] =	vst.idx.msk $0xffff, v5  }
0x38e: {  	v5 =	vld [tilespmem:s6+$0x20];
	_ =	sdelay $0x1  }
0x38f: {  	v6 =	vadd.s32 v2, v4;
	_ =	sdelay $0x2  }
0x390: {  	v5 =	vmul.f32 $8.000000000e+00, v5;
	_ =	sdelay $0x1  }
0x391: {  	[tilespmem:v6+s15+$0x0] =	vst.idx.msk $0xffff, v5  }
0x392: {  	v5 =	vld [tilespmem:s6+$0x30];
	_ =	sdelay $0x1  }
0x393: {  	v4 =	vadd.s32 v3, v4;
	_ =	sdelay $0x2  }
0x394: {  	v5 =	vmul.f32 $8.000000000e+00, v5;
	_ =	sdelay $0x1  }
0x395: {  	s19 =	simm.s32 $0x3;
	[tilespmem:v4+s15+$0x0] =	vst.idx.msk $0xffff, v5  }
0x396: {  	v4 =	vmov s19;
	v5 =	vld [tilespmem:s6+$0x40]  }
0x397: {  	v4 =	vand.u32 $0x7F, v4  }
0x398: {  	v6 =	vadd.s32 v0, v4;
	_ =	sdelay $0x2  }
0x399: {  	v5 =	vmul.f32 $8.000000000e+00, v5;
	_ =	sdelay $0x1  }
0x39a: {  	[tilespmem:v6+s15+$0x0] =	vst.idx.msk $0xffff, v5  }
0x39b: {  	v5 =	vld [tilespmem:s6+$0x50];
	_ =	sdelay $0x1  }
0x39c: {  	v6 =	vadd.s32 v1, v4;
	_ =	sdelay $0x2  }
0x39d: {  	v5 =	vmul.f32 $8.000000000e+00, v5;
	_ =	sdelay $0x1  }
0x39e: {  	[tilespmem:v6+s15+$0x0] =	vst.idx.msk $0xffff, v5  }
0x39f: {  	v5 =	vld [tilespmem:s6+$0x60];
	_ =	sdelay $0x1  }
0x3a0: {  	v6 =	vadd.s32 v2, v4;
	_ =	sdelay $0x2  }
0x3a1: {  	v5 =	vmul.f32 $8.000000000e+00, v5;
	_ =	sdelay $0x1  }
0x3a2: {  	[tilespmem:v6+s15+$0x0] =	vst.idx.msk $0xffff, v5  }
0x3a3: {  	v5 =	vld [tilespmem:s6+$0x70];
	_ =	sdelay $0x1  }
0x3a4: {  	v4 =	vadd.s32 v3, v4;
	_ =	sdelay $0x2  }
0x3a5: {  	s13 =	simm.s32 $0x4;
	v5 =	vmul.f32 $8.000000000e+00, v5  }
.LBB2_35:
0x3a6: {  	p0 =	sne.s32 s13, $0x7C  }
0x3a7: {  	s6 =	sadd.s32 $0x100, s6;
	s14 =	smov.u32 s13;
	s13 =	sadd.s32 $0x4, s13;
	[tilespmem:v4+s15+$0x0] =	vst.idx.msk $0xffff, v5  }
0x3a8: {  	v4 =	vmov s14;
	v5 =	vld [tilespmem:s6+$0xFFFFFF80]  }
0x3a9: {  	v4 =	vand.u32 $0x7C, v4  }
0x3aa: {  	v6 =	vadd.s32 v0, v4;
	_ =	sdelay $0x2  }
0x3ab: {  	v5 =	vmul.f32 $8.000000000e+00, v5;
	_ =	sdelay $0x1  }
0x3ac: {  	[tilespmem:v6+s15+$0x0] =	vst.idx.msk $0xffff, v5  }
0x3ad: {  	v5 =	vld [tilespmem:s6+$0xFFFFFF90];
	_ =	sdelay $0x1  }
0x3ae: {  	v6 =	vadd.s32 v1, v4;
	_ =	sdelay $0x2  }
0x3af: {  	v5 =	vmul.f32 $8.000000000e+00, v5;
	_ =	sdelay $0x1  }
0x3b0: {  	[tilespmem:v6+s15+$0x0] =	vst.idx.msk $0xffff, v5  }
0x3b1: {  	v5 =	vld [tilespmem:s6+$0xFFFFFFA0];
	_ =	sdelay $0x1  }
0x3b2: {  	v6 =	vadd.s32 v2, v4;
	_ =	sdelay $0x2  }
0x3b3: {  	v5 =	vmul.f32 $8.000000000e+00, v5;
	_ =	sdelay $0x1  }
0x3b4: {  	[tilespmem:v6+s15+$0x0] =	vst.idx.msk $0xffff, v5  }
0x3b5: {  	v5 =	vld [tilespmem:s6+$0xFFFFFFB0];
	_ =	sdelay $0x1  }
0x3b6: {  	v4 =	vadd.s32 v3, v4;
	_ =	sdelay $0x2  }
0x3b7: {  	v5 =	vmul.f32 $8.000000000e+00, v5;
	_ =	sdelay $0x1  }
0x3b8: {  	s16 =	sadd.s32 $0x1, s14;
	[tilespmem:v4+s15+$0x0] =	vst.idx.msk $0xffff, v5  }
0x3b9: {  	v4 =	vmov s16;
	v5 =	vld [tilespmem:s6+$0xFFFFFFC0]  }
0x3ba: {  	v4 =	vand.u32 $0x7D, v4  }
0x3bb: {  	v6 =	vadd.s32 v0, v4;
	_ =	sdelay $0x2  }
0x3bc: {  	v5 =	vmul.f32 $8.000000000e+00, v5;
	_ =	sdelay $0x1  }
0x3bd: {  	[tilespmem:v6+s15+$0x0] =	vst.idx.msk $0xffff, v5  }
0x3be: {  	v5 =	vld [tilespmem:s6+$0xFFFFFFD0];
	_ =	sdelay $0x1  }
0x3bf: {  	v6 =	vadd.s32 v1, v4;
	_ =	sdelay $0x2  }
0x3c0: {  	v5 =	vmul.f32 $8.000000000e+00, v5;
	_ =	sdelay $0x1  }
0x3c1: {  	[tilespmem:v6+s15+$0x0] =	vst.idx.msk $0xffff, v5  }
0x3c2: {  	v5 =	vld [tilespmem:s6+$0xFFFFFFE0];
	_ =	sdelay $0x1  }
0x3c3: {  	v6 =	vadd.s32 v2, v4;
	_ =	sdelay $0x2  }
0x3c4: {  	v5 =	vmul.f32 $8.000000000e+00, v5;
	_ =	sdelay $0x1  }
0x3c5: {  	[tilespmem:v6+s15+$0x0] =	vst.idx.msk $0xffff, v5  }
0x3c6: {  	v5 =	vld [tilespmem:s6+$0xFFFFFFF0];
	_ =	sdelay $0x1  }
0x3c7: {  	v4 =	vadd.s32 v3, v4;
	_ =	sdelay $0x2  }
0x3c8: {  	v5 =	vmul.f32 $8.000000000e+00, v5;
	_ =	sdelay $0x1  }
0x3c9: {  	s16 =	sadd.s32 $0x2, s14;
	[tilespmem:v4+s15+$0x0] =	vst.idx.msk $0xffff, v5  }
0x3ca: {  	v4 =	vmov s16;
	v5 =	vld [tilespmem:s6+$0x0]  }
0x3cb: {  	v4 =	vand.u32 $0x7E, v4  }
0x3cc: {  	v6 =	vadd.s32 v0, v4;
	_ =	sdelay $0x2  }
0x3cd: {  	v5 =	vmul.f32 $8.000000000e+00, v5;
	_ =	sdelay $0x1  }
0x3ce: {  	[tilespmem:v6+s15+$0x0] =	vst.idx.msk $0xffff, v5  }
0x3cf: {  	v5 =	vld [tilespmem:s6+$0x10];
	_ =	sdelay $0x1  }
0x3d0: {  	v6 =	vadd.s32 v1, v4;
	_ =	sdelay $0x2  }
0x3d1: {  	v5 =	vmul.f32 $8.000000000e+00, v5;
	_ =	sdelay $0x1  }
0x3d2: {  	[tilespmem:v6+s15+$0x0] =	vst.idx.msk $0xffff, v5  }
0x3d3: {  	v5 =	vld [tilespmem:s6+$0x20];
	_ =	sdelay $0x1  }
0x3d4: {  	v6 =	vadd.s32 v2, v4;
	_ =	sdelay $0x2  }
0x3d5: {  	v5 =	vmul.f32 $8.000000000e+00, v5;
	_ =	sdelay $0x1  }
0x3d6: {  	[tilespmem:v6+s15+$0x0] =	vst.idx.msk $0xffff, v5  }
0x3d7: {  	v5 =	vld [tilespmem:s6+$0x30];
	_ =	sdelay $0x1  }
0x3d8: {  	v4 =	vadd.s32 v3, v4;
	_ =	sdelay $0x2  }
0x3d9: {  	v5 =	vmul.f32 $8.000000000e+00, v5;
	_ =	sdelay $0x1  }
0x3da: {  	s14 =	sadd.s32 $0x3, s14;
	[tilespmem:v4+s15+$0x0] =	vst.idx.msk $0xffff, v5  }
0x3db: {  	v4 =	vmov s14;
	v5 =	vld [tilespmem:s6+$0x40]  }
0x3dc: {  	v4 =	vand.u32 $0x7F, v4  }
0x3dd: {  	v6 =	vadd.s32 v0, v4;
	_ =	sdelay $0x2  }
0x3de: {  	v5 =	vmul.f32 $8.000000000e+00, v5;
	_ =	sdelay $0x1  }
0x3df: {  	[tilespmem:v6+s15+$0x0] =	vst.idx.msk $0xffff, v5  }
0x3e0: {  	v5 =	vld [tilespmem:s6+$0x50];
	_ =	sdelay $0x1  }
0x3e1: {  	v6 =	vadd.s32 v1, v4;
	_ =	sdelay $0x2  }
0x3e2: {  	v5 =	vmul.f32 $8.000000000e+00, v5;
	_ =	sdelay $0x1  }
0x3e3: {  	[tilespmem:v6+s15+$0x0] =	vst.idx.msk $0xffff, v5  }
0x3e4: {  	v5 =	vld [tilespmem:s6+$0x60];
	_ =	sdelay $0x1  }
0x3e5: {  	v6 =	vadd.s32 v2, v4;
	_ =	sdelay $0x2  }
0x3e6: {  	v5 =	vmul.f32 $8.000000000e+00, v5;
	_ =	sdelay $0x1  }
0x3e7: {  	[tilespmem:v6+s15+$0x0] =	vst.idx.msk $0xffff, v5  }
0x3e8: {  	v5 =	vld [tilespmem:s6+$0x70]  }
.Ltmp20:
0x3e9: {  	(pc) =	sbr.rel @p0 .LBB2_35-.Ltmp20, $2  }
0x3ea: {  	v4 =	vadd.s32 v3, v4;
	_ =	sdelay $0x2  }
0x3eb: {  	v5 =	vmul.f32 $8.000000000e+00, v5  }
0x3ec: {  	s6 =	sadd.s32 s4, s11  }
0x3ed: {  	s11 =	sshll.u32 s6, $0xA;
	s13 =	sshll.u32 s6, $0xD;
	s6 =	sshll.u32 s6, $0x4  }
0x3ee: {  	s11 =	sand.u32 $0xFFF0000, s11;
	s13 =	sand.u32 $0xE000, s13;
	s6 =	sand.u32 $0x380, s6  }
0x3ef: {  	s11 =	sor.u32 s13, s11;
	s6 =	sadd.s32 s2, s6  }
0x3f0: {  	s19 =	simm.s32 $0x14100;
	[tilespmem:v4+s15+$0x0] =	vst.idx.msk $0xffff, v5;
	s11 =	sadd.s32 s11, s6  }
0x3f1: {  	[hbm4b:s11+s3] =	stream.linear.scatter [tilespmem:s19], [sflag:$0xA], $0x80, $0x38;
	[tilespmem:$0x16300] =	vst v63  }
0x3f2: {  	s13 =	simm.s32 $0x14188;
	s14 =	sadd.s32 $0x10, s11  }
0x3f3: {  	[hbm4b:s14+s3] =	stream.linear.scatter [tilespmem:s13], [sflag:$0xA], $0x80, $0x38;
	[tilespmem:$0x16300] =	vst v63  }
0x3f4: {  	s16 =	simm.s32 $0x14210;
	s18 =	simm.s32 $0x14298;
	s17 =	sadd.s32 $0x20, s11  }
0x3f5: {  	[hbm4b:s17+s3] =	stream.linear.scatter [tilespmem:s16], [sflag:$0xA], $0x80, $0x38;
	[tilespmem:$0x16300] =	vst v63  }
0x3f6: {  	s6 =	simm.s32 $0x440;
	s19 =	sadd.s32 $0x30, s11;
	s13 =	simm.s32 $0x14320  }
0x3f7: {  	[hbm4b:s19+s3] =	stream.linear.scatter [tilespmem:s18], [sflag:$0xA], $0x80, $0x38;
	[tilespmem:$0x16300] =	vst v63  }
0x3f8: {  	s14 =	sadd.s32 $0x40, s11;
	s16 =	simm.s32 $0x143A8;
	s17 =	sadd.s32 $0x50, s11  }
0x3f9: {  	[hbm4b:s14+s3] =	stream.linear.scatter [tilespmem:s13], [sflag:$0xA], $0x80, $0x38;
	[tilespmem:$0x16300] =	vst v63  }
0x3fa: {  	s18 =	simm.s32 $0x14430;
	s19 =	sadd.s32 $0x60, s11;
	s13 =	simm.s32 $0x2200  }
0x3fb: {  	[hbm4b:s17+s3] =	stream.linear.scatter [tilespmem:s16], [sflag:$0xA], $0x80, $0x38;
	[tilespmem:$0x16300] =	vst v63  }
0x3fc: {  	s14 =	simm.s32 $0x144B8;
	s16 =	sadd.s32 $0x70, s11;
	s11 =	sadd.s32 $0x400, s11  }
0x3fd: {  	[hbm4b:s19+s3] =	stream.linear.scatter [tilespmem:s18], [sflag:$0xA], $0x80, $0x38;
	[tilespmem:$0x16300] =	vst v63  }
.LBB2_37:
0x3fe: {  	[hbm4b:s16+s3] =	stream.linear.scatter [tilespmem:s14], [sflag:$0xA], $0x80, $0x38;
	[tilespmem:$0x16300] =	vst v63  }
0x3ff: {  	s14 =	smov.u32 s6;
	s6 =	smov.u32 s13  }
0x400: {  	s17 =	sadd.s32 $0x1100, s13;
	s6 =	sshra.s32 s6, $0x2;
	s16 =	sadd.s32 $0x14100, s14  }
0x401: {  	[hbm4b:s11+s3] =	stream.linear.scatter [tilespmem:s16], [sflag:$0xA], $0x80, $0x38;
	[tilespmem:$0x16300] =	vst v63  }
0x402: {  	p0 =	sne.s32 s13, $0x7700;
	s13 =	sadd.s32 $0x14188, s14;
	s16 =	sadd.s32 $0x10, s11  }
0x403: {  	[hbm4b:s16+s3] =	stream.linear.scatter [tilespmem:s13], [sflag:$0xA], $0x80, $0x38;
	[tilespmem:$0x16300] =	vst v63  }
0x404: {  	s13 =	sadd.s32 $0x14210, s14;
	s16 =	sadd.s32 $0x20, s11  }
0x405: {  	[hbm4b:s16+s3] =	stream.linear.scatter [tilespmem:s13], [sflag:$0xA], $0x80, $0x38;
	[tilespmem:$0x16300] =	vst v63  }
0x406: {  	s13 =	sadd.s32 $0x14298, s14;
	s16 =	sadd.s32 $0x30, s11  }
0x407: {  	[hbm4b:s16+s3] =	stream.linear.scatter [tilespmem:s13], [sflag:$0xA], $0x80, $0x38;
	[tilespmem:$0x16300] =	vst v63  }
0x408: {  	s13 =	sadd.s32 $0x14320, s14;
	s16 =	sadd.s32 $0x40, s11  }
0x409: {  	[hbm4b:s16+s3] =	stream.linear.scatter [tilespmem:s13], [sflag:$0xA], $0x80, $0x38;
	[tilespmem:$0x16300] =	vst v63  }
.Ltmp21:
0x40a: {  	s13 =	sadd.s32 $0x143A8, s14;
	s16 =	sadd.s32 $0x50, s11;
	(pc) =	sbr.rel @p0 .LBB2_37-.Ltmp21, $4  }
0x40b: {  	[hbm4b:s16+s3] =	stream.linear.scatter [tilespmem:s13], [sflag:$0xA], $0x80, $0x38;
	[tilespmem:$0x16300] =	vst v63  }
0x40c: {  	s13 =	sadd.s32 $0x14430, s14;
	s16 =	sadd.s32 $0x60, s11;
	s14 =	sadd.s32 $0x144B8, s14  }
0x40d: {  	[hbm4b:s16+s3] =	stream.linear.scatter [tilespmem:s13], [sflag:$0xA], $0x80, $0x38;
	[tilespmem:$0x16300] =	vst v63  }
0x40e: {  	s16 =	sadd.s32 $0x70, s11;
	s11 =	sadd.s32 $0x400, s11;
	s13 =	smov.u32 s17  }
0x40f: {  	[hbm4b:s16+s3] =	stream.linear.scatter [tilespmem:s14], [sflag:$0xA], $0x80, $0x38;
	[tilespmem:$0x16300] =	vst v63  }
0x410: {  	s13 =	sadd.s32 $0x14100, s6  }
0x411: {  	[hbm4b:s11+s3] =	stream.linear.scatter [tilespmem:s13], [sflag:$0xA], $0x80, $0x38;
	[tilespmem:$0x16300] =	vst v63  }
0x412: {  	s18 =	sadd.s32 $0x14188, s6;
	s19 =	sadd.s32 $0x10, s11  }
0x413: {  	[hbm4b:s19+s3] =	stream.linear.scatter [tilespmem:s18], [sflag:$0xA], $0x80, $0x38;
	[tilespmem:$0x16300] =	vst v63  }
0x414: {  	s16 =	sadd.s32 $0x14210, s6;
	s17 =	sadd.s32 $0x20, s11  }
0x415: {  	[hbm4b:s17+s3] =	stream.linear.scatter [tilespmem:s16], [sflag:$0xA], $0x80, $0x38;
	[tilespmem:$0x16300] =	vst v63  }
0x416: {  	s18 =	sadd.s32 $0x14298, s6;
	s19 =	sadd.s32 $0x30, s11  }
0x417: {  	[hbm4b:s19+s3] =	stream.linear.scatter [tilespmem:s18], [sflag:$0xA], $0x80, $0x38;
	[tilespmem:$0x16300] =	vst v63  }
0x418: {  	s10 =	sadd.s32 $0x1, s10;
	s16 =	sadd.s32 $0x14320, s6;
	s17 =	sadd.s32 $0x40, s11  }
0x419: {  	[hbm4b:s17+s3] =	stream.linear.scatter [tilespmem:s16], [sflag:$0xA], $0x80, $0x38;
	[tilespmem:$0x16300] =	vst v63  }
0x41a: {  	p0 =	sne.s32 s10, $0xA;
	s18 =	sadd.s32 $0x143A8, s6;
	s19 =	sadd.s32 $0x50, s11  }
0x41b: {  	[hbm4b:s19+s3] =	stream.linear.scatter [tilespmem:s18], [sflag:$0xA], $0x80, $0x38;
	[tilespmem:$0x16300] =	vst v63  }
.Ltmp22:
0x41c: {  	_ = 	snop;
	(pc) =	sbr.rel @p0 .LBB2_2-.Ltmp22, $4  }
0x41d: {  	s16 =	sadd.s32 $0x14430, s6;
	s17 =	sadd.s32 $0x60, s11  }
0x41e: {  	[hbm4b:s17+s3] =	stream.linear.scatter [tilespmem:s16], [sflag:$0xA], $0x80, $0x38;
	[tilespmem:$0x16300] =	vst v63  }
0x41f: {  	s18 =	sadd.s32 $0x144B8, s6;
	s19 =	sadd.s32 $0x70, s11  }
0x420: {  	[hbm4b:s19+s3] =	stream.linear.scatter [tilespmem:s18], [sflag:$0xA], $0x80, $0x38;
	[tilespmem:$0x16300] =	vst v63  }
0x421: {  	s6 =	simm.s32 $0x6  }
0x422: {  	_ =	swait.ge [sflag:s6], $0x2000  }
0x423: {  	[sflag:s6] =	ssyncset.done $0x0  }
0x424: {  	[sflag:s6] =	ssyncadd.s32 $0xFFFFE000  }
0x425: {  	_ =	swait.ge [sflag:s23], $0x2000  }
0x426: {  	[sflag:s23] =	ssyncset.done $0x0  }
0x427: {  	[sflag:s23] =	ssyncadd.s32 $0xFFFFE000  }
0x428: {  	_ =	swait.ge [sflag:s26], $0x2000  }
0x429: {  	[sflag:s26] =	ssyncset.done $0x0  }
0x42a: {  	[sflag:s26] =	ssyncadd.s32 $0xFFFFE000  }
0x42b: {  	_ =	swait.ge [sflag:s30], $0x2000  }
0x42c: {  	[sflag:s30] =	ssyncset.done $0x0  }
0x42d: {  	[sflag:s30] =	ssyncadd.s32 $0xFFFFE000  }
0x42e: {  	_ =	swait.ge [sflag:s0], $0x2000  }
0x42f: {  	s10 =	rddreg [dreg:$0x6]  }
0x430: {  	s19 =	rddreg [dreg:$0x5];
	s10 =	sadd.s32 $0x1, s10  }
0x431: {  	p0 =	sne.s32 s10, s19  }
.Ltmp23:
0x432: {  	_ = 	snop;
	(pc) =	sbr.rel @p0 .LBB2_1-.Ltmp23, $3  }
0x433: {  	_ =	sdelay $0x1  }
0x434: {  	[sflag:s0] =	ssyncset.done $0x0  }
0x435: {  	[sflag:s0] =	ssyncadd.s32 $0xFFFFE000  }
0x436: {  	_ =	sfence.sel $0x180000  }
0x437: {  	[bflag:$0x0] =	sbarrier.arrive $0xFFFF  }
0x438: {  	_ =	strace $0x90000047  }
0x439: {  	s0 =	stileid.u32;
	[bflag:$0x2] =	sbarrier.arrive $0xFFFF  }
0x43a: {  	p0 =	sne.s32 s0, $0x0;
	s0 =	rddreg [dreg:$0x3]  }
0x43b: {  	s0 =	sadd.s32 @!p0 $0x100000, s0  }
0x43c: {  	[sflag:s0] =	ssyncadd.tile.s32 @!p0 $0x1;
	_ =	shalt  }
.Lfunc_end2:
_tile_overlayer_lowered:
.L_overlay_start_2:
0x43d: {  	(tag) =	ssettag $0x2  }
0x43e: {  	s0 =	rddreg [dreg:$0x0];
	s2 =	stileid.u32  }
0x43f: {  	s1 =	rddreg [dreg:$0x1];
	p0 =	sne.s32 s2, $0x0  }
0x440: {  	s3 =	rddreg [dreg:$0x2];
	[bflag:$0x3] =	sbarrier.arrive $0xFFFF;
	s2 =	simm.s32 @!p0 $0x1C0B  }
0x441: {  	[timem:s3], [sflag:s2] =	dma.local @!p0 [hbm:s0], s1  }
0x442: {  	s0 =	simm.s32 @!p0 $0xB  }
0x443: {  	_ =	swait.ge @!p0 [sflag:s0], s1  }
0x444: {  	s1 =	ssub.s32 @!p0 $0x0, s1;
	[sflag:s0] =	ssyncset.done @!p0 $0x0  }
0x445: {  	[sflag:s0] =	ssyncadd.s32 @!p0 s1  }
0x446: {  	[bflag:$0x3] =	sbarrier.arrive $0xFFFF  }
0x447: {  	_ =	shalt  }

</sc_bundles>
